<compile_context>
chip_gen: v7x
topology: tpu7x:2x2x1
jax: 0.10.2.dev20260603
libtpu: 0.0.44.dev20260713+nightly
codegen_flags: <defaults>
</compile_context>

<pallas_src>
import functools
import math

import jax
import jax.numpy as jnp
from jax import lax
from jax.experimental import pallas as pl
from jax.experimental.pallas import tpu as pltpu
from jax.experimental.pallas import tpu_sc as plsc

N_NODES = 10000
N_EDGES = 80000
H = 32
NB = 10
MAX_R = 2.0
N_GRAPHS = 500
C_SILU = 1.6790

E_PAD = 81920
N_PAD = 10240
G_PAD = 512
X_PAD = 10240
EB = 1280
STEP = MAX_R / (NB + 1)



def _sc_info():
    info = plsc.get_sparse_core_info()
    return info.num_cores, info.num_subcores


def _gather_rows(table, idx, b_pad, chunk):
    nc, ns = _sc_info()
    nw = nc * ns
    b_per_w = b_pad // nw
    n_chunks = b_per_w // chunk
    d = table.shape[1]

    mesh = plsc.VectorSubcoreMesh(core_axis_name="c", subcore_axis_name="s")

    @functools.partial(
        pl.kernel,
        mesh=mesh,
        out_type=jax.ShapeDtypeStruct((b_pad, d), jnp.float32),
        scratch_types=[
            pltpu.VMEM((chunk,), jnp.int32),
            pltpu.VMEM((chunk, d), jnp.float32),
            pltpu.SemaphoreType.DMA,
        ],
        compiler_params=pltpu.CompilerParams(use_tc_tiling_on_sc=False),
    )
    def k(table_hbm, idx_hbm, out_hbm, idx_v, rows_v, sem):
        wid = lax.axis_index("s") * nc + lax.axis_index("c")
        base = wid * b_per_w

        def body(j, carry):
            off = base + j * chunk
            pltpu.sync_copy(idx_hbm.at[pl.ds(off, chunk)], idx_v)
            pltpu.async_copy(table_hbm.at[idx_v], rows_v, sem).wait()
            pltpu.sync_copy(rows_v, out_hbm.at[pl.ds(off, chunk)])
            return carry

        lax.fori_loop(0, n_chunks, body, 0)

    return k(table, idx)


def _scatter_add_rows(vals, idx, zeros, n_pad, chunk):
    nc, ns = _sc_info()
    nw = nc * ns
    e_pad = vals.shape[0]
    d = vals.shape[1]
    e_per_w = e_pad // nw
    n_chunks = e_per_w // chunk
    rows_per_sub = n_pad // ns

    mesh = plsc.VectorSubcoreMesh(core_axis_name="c", subcore_axis_name="s")

    @functools.partial(
        pl.kernel,
        mesh=mesh,
        out_type=jax.ShapeDtypeStruct((nc * n_pad, d), jnp.float32),
        scratch_types=[
            pltpu.VMEM_SHARED((n_pad, d), jnp.float32),
            pltpu.VMEM((chunk, d), jnp.float32),
            pltpu.VMEM((chunk,), jnp.int32),
        ],
        compiler_params=pltpu.CompilerParams(use_tc_tiling_on_sc=False),
    )
    def k(vals_hbm, idx_hbm, zeros_hbm, out_hbm, shared, vals_v, idx_v):
        cid = lax.axis_index("c")
        sid = lax.axis_index("s")
        wid = sid * nc + cid
        zoff = sid * rows_per_sub
        pltpu.sync_copy(zeros_hbm.at[pl.ds(zoff, rows_per_sub)],
                        shared.at[pl.ds(zoff, rows_per_sub)])
        plsc.subcore_barrier()
        base = wid * e_per_w

        def body(j, carry):
            off = base + j * chunk
            pltpu.sync_copy(vals_hbm.at[pl.ds(off, chunk)], vals_v)
            pltpu.sync_copy(idx_hbm.at[pl.ds(off, chunk)], idx_v)
            pltpu.sync_copy(vals_v, shared.at[idx_v], add=True)
            return carry

        lax.fori_loop(0, n_chunks, body, 0)
        plsc.subcore_barrier()
        pltpu.sync_copy(shared.at[pl.ds(zoff, rows_per_sub)],
                        out_hbm.at[pl.ds(cid * n_pad + zoff, rows_per_sub)])

    return k(vals, idx, zeros)



def _sus(y):
    safe = jnp.where(y > 0.0, y, 1.0)
    return jnp.where(y > 0.0, jnp.exp(-1.0 / safe), 0.0)


def _edge_body(ea_ref, fs_ref, qd_ref, w1_ref, w2_ref, out_ref):
    ea = ea_ref[...]
    elen = jnp.sqrt(jnp.sum(ea * ea, axis=1, keepdims=True) + 1e-24)
    i16i = lax.broadcasted_iota(jnp.int32, (EB, 16), 1)
    i16 = i16i.astype(jnp.float32)
    diff = elen / STEP - (i16 + 1.0)
    s_raw = 1.14136 * math.exp(2.0) * _sus(diff + 1.0) * _sus(1.0 - diff)
    s_raw = jnp.where(i16i < NB, s_raw, 0.0)
    cutoff = _sus(10.0 * (1.0 - elen / MAX_R))

    a = jnp.dot(s_raw, w1_ref[...], preferred_element_type=jnp.float32)
    h = a * (1.0 / (1.0 + jnp.exp(-a))) * C_SILU

    fs = fs_ref[...]
    t = jnp.dot(fs, w2_ref[...], preferred_element_type=jnp.float32)

    kk = jnp.zeros((EB, H), jnp.float32)
    vv = jnp.zeros((EB, H), jnp.float32)
    for j in range(16):
        kk = kk + h[:, j:j + 1] * t[:, j * H:(j + 1) * H]
        vv = vv + h[:, 16 + j:17 + j] * t[:, 512 + j * H:512 + (j + 1) * H]

    d = jnp.sum(qd_ref[...] * kk, axis=1, keepdims=True)
    expd = cutoff * jnp.exp(d)
    out_ref[...] = jnp.sqrt(expd) * vv


def _edge_pass(ea_pad, f_src, qd_dst, w1cat, w2kv):
    grid = E_PAD // EB
    return pl.pallas_call(
        _edge_body,
        grid=(grid,),
        in_specs=[
            pl.BlockSpec((EB, 8), lambda i: (i, 0)),
            pl.BlockSpec((EB, H), lambda i: (i, 0)),
            pl.BlockSpec((EB, H), lambda i: (i, 0)),
            pl.BlockSpec((16, H), lambda i: (0, 0)),
            pl.BlockSpec((H, 1024), lambda i: (0, 0)),
        ],
        out_specs=pl.BlockSpec((EB, H), lambda i: (i, 0)),
        out_shape=jax.ShapeDtypeStruct((E_PAD, H), jnp.float32),
    )(ea_pad, f_src, qd_dst, w1cat, w2kv)


def _init_body(f0_ref, hqd_ref, out_ref):
    f0 = f0_ref[0:N_NODES, :]
    out_ref[0:N_NODES, :] = f0
    out_ref[N_NODES:2 * N_NODES, :] = jnp.dot(
        f0, hqd_ref[...], preferred_element_type=jnp.float32)


def _init_pass(f0_pad, hqd0):
    return pl.pallas_call(
        _init_body,
        out_shape=jax.ShapeDtypeStruct((2 * N_NODES, H), jnp.float32),
    )(f0_pad, hqd0)


def _node_norm(u_ref):
    u = u_ref[0:N_NODES, :] + u_ref[N_PAD:N_PAD + N_NODES, :]
    nrm = jnp.sqrt(jnp.sum(u * u, axis=1, keepdims=True) + 1e-24)
    h_x = u / jnp.maximum(nrm, 1e-12)
    return jnp.maximum(h_x, 0.0)


def _mid_body(u_ref, f_ref, hqd_ref, out_ref):
    f1 = _node_norm(u_ref) + f_ref[0:N_NODES, :]
    out_ref[0:N_NODES, :] = f1
    out_ref[N_NODES:2 * N_NODES, :] = jnp.dot(
        f1, hqd_ref[...], preferred_element_type=jnp.float32)


def _mid_pass(u, fq, hqd1):
    return pl.pallas_call(
        _mid_body,
        out_shape=jax.ShapeDtypeStruct((2 * N_NODES, H), jnp.float32),
    )(u, fq, hqd1)


def _out_body(u_ref, f_ref, l0_ref, b0_ref, l1_ref, b1_ref, out_ref):
    f2 = _node_norm(u_ref) + f_ref[0:N_NODES, :]
    y = jnp.maximum(
        jnp.dot(f2, l0_ref[...], preferred_element_type=jnp.float32)
        + b0_ref[...], 0.0)
    y = jnp.maximum(
        jnp.dot(y, l1_ref[...], preferred_element_type=jnp.float32)
        + b1_ref[...], 0.0)
    out_ref[0:N_NODES, :] = y
    out_ref[N_NODES:X_PAD, :] = jnp.zeros((X_PAD - N_NODES, H), jnp.float32)


def _out_pass(u, fq, l0, b0, l1, b1):
    return pl.pallas_call(
        _out_body,
        out_shape=jax.ShapeDtypeStruct((X_PAD, H), jnp.float32),
    )(u, fq, l0, b0, l1, b1)


def _proj_body(g_ref, wp_ref, bp_ref, out_ref):
    m = g_ref[0:N_GRAPHS, :] + g_ref[G_PAD:G_PAD + N_GRAPHS, :]
    out_ref[...] = jnp.dot(
        m, wp_ref[...], preferred_element_type=jnp.float32) + bp_ref[...]


def _proj_pass(g, wp_w, wp_b):
    return pl.pallas_call(
        _proj_body,
        out_shape=jax.ShapeDtypeStruct((N_GRAPHS, wp_w.shape[1]), jnp.float32),
    )(g, wp_w, wp_b)



def kernel(x, edge_index, edge_attr, batch_ids, embed_table, hq_w, fck_w1,
           fck_w2, fcv_w1, fcv_w2, dot_w, lin_w, lin_b, wp_w, wp_b):
    src = edge_index[0].astype(jnp.int32)
    dst = edge_index[1].astype(jnp.int32)

    pad_i = E_PAD - N_EDGES
    idx2 = jnp.concatenate([
        src, jnp.zeros((pad_i,), jnp.int32),
        dst + N_NODES, jnp.zeros((pad_i,), jnp.int32)])
    dst_pad = jnp.concatenate(
        [dst, jnp.full((pad_i,), N_PAD - 1, jnp.int32)])
    x_pad = jnp.concatenate(
        [x.astype(jnp.int32), jnp.zeros((X_PAD - N_NODES,), jnp.int32)])
    bat_pad = jnp.concatenate([
        batch_ids.astype(jnp.int32),
        jnp.full((X_PAD - N_NODES,), G_PAD - 1, jnp.int32)])

    ea_pad = jnp.zeros((E_PAD, 8), jnp.float32)
    ea_pad = ea_pad.at[:N_EDGES, :3].set(edge_attr.astype(jnp.float32))

    zeros_n = jnp.zeros((N_PAD, H), jnp.float32)
    zeros_g = jnp.zeros((G_PAD, H), jnp.float32)

    sc_kv = 1.0 / (4.0 * math.sqrt(float(H)))
    hqd = [hq_w[m] @ dot_w[m] / (float(H) * math.sqrt(float(H)))
           for m in range(2)]
    w1cat = [jnp.concatenate(
        [jnp.pad(fck_w1[m], ((0, 6), (0, 0))),
         jnp.pad(fcv_w1[m], ((0, 6), (0, 0)))], axis=1) for m in range(2)]
    w2kv = [jnp.concatenate(
        [fck_w2[m].reshape(16, H, H).transpose(1, 0, 2).reshape(H, 512),
         fcv_w2[m].reshape(16, H, H).transpose(1, 0, 2).reshape(H, 512)],
        axis=1) * sc_kv for m in range(2)]

    f0_pad = _gather_rows(embed_table.astype(jnp.float32), x_pad, X_PAD, 64)
    fq = _init_pass(f0_pad, hqd[0])

    for m in range(2):
        g = _gather_rows(fq, idx2, 2 * E_PAD, 128)
        f_src = g[:E_PAD]
        qd_dst = g[E_PAD:]
        w_e = _edge_pass(ea_pad, f_src, qd_dst, w1cat[m], w2kv[m])
        u = _scatter_add_rows(w_e, dst_pad, zeros_n, N_PAD, 128)
        if m == 0:
            fq = _mid_pass(u, fq, hqd[1])
        else:
            y = _out_pass(u, fq, lin_w[0], lin_b[0][None, :],
                          lin_w[1], lin_b[1][None, :])

    gsum = _scatter_add_rows(y, bat_pad, zeros_g, G_PAD, 64)
    return _proj_pass(gsum, wp_w, wp_b[None, :])

# --- scband reference (transcript-rebuilt; emitter-appended) ---
"""Pipeline reference for scband-molecular-e3nn-transformer-7164005449942 (READ-ONLY COPY).

The authoritative reference and input builder live on the scoring server;
editing this copy changes nothing except your own understanding.
"""

import jax, jax.numpy as jnp
import numpy as np

N_NODES = 10000
N_EDGES = 80000
H = 32
L = 2
OUT_L = 2
NB = 10
MAX_R = 2.0
N_ELEM = 100
N_GRAPHS = 500
OUT_CH = 1
C_SILU = 1.6790  # e3nn normalize2mom constant for silu


def _sus(x):
    # e3nn soft_unit_step: exp(-1/x) for x > 0 else 0
    safe = jnp.where(x > 0.0, x, 1.0)
    return jnp.where(x > 0.0, jnp.exp(-1.0 / safe), 0.0)


def _soft_one_hot(x):
    # e3nn soft_one_hot_linspace(basis='smooth_finite', cutoff=True)
    values = jnp.linspace(0.0, MAX_R, NB + 2)
    step = values[1] - values[0]
    values = values[1:-1]
    diff = (x[:, None] - values[None, :]) / step
    return 1.14136 * jnp.exp(2.0) * _sus(diff + 1.0) * _sus(1.0 - diff)


def _fcn(s, w1, w2):
    # e3nn FullyConnectedNet([NB, 16, H*H], act=silu): x @ W / sqrt(fan_in), normalized act
    h = s @ w1 / jnp.sqrt(float(s.shape[1]))
    h = jax.nn.silu(h) * C_SILU
    return h @ w2 / jnp.sqrt(float(w1.shape[1]))


def _forward(x, edge_index, edge_attr, batch_ids, embed_table, hq_w, fck_w1, fck_w2, fcv_w1, fcv_w2, dot_w, lin_w, lin_b, wp_w, wp_b):
    src = edge_index[0]
    dst = edge_index[1]
    f = jnp.take(embed_table, x, axis=0)
    edge_len = jnp.sqrt(jnp.sum(edge_attr * edge_attr, axis=1) + 1e-24)
    edge_scalars = _soft_one_hot(edge_len) * (NB ** 0.5)
    edge_cutoff = _sus(10.0 * (1.0 - edge_len / MAX_R))
    # All irreps here are H x 0e (scalars); the FullyConnectedTensorProducts with
    # sh = 1x0e+1x1o+1x2e have exactly one path (0e x 0e -> 0e). With component
    # normalization Y_0 == 1 for every edge direction.
    sh0 = jnp.ones((edge_attr.shape[0], 1), dtype=edge_attr.dtype)
    for m in range(L):
        q = f @ hq_w[m] / jnp.sqrt(float(H))  # o3.Linear on Hx0e
        wk = _fcn(edge_scalars, fck_w1[m], fck_w2[m]).reshape(-1, H, H)
        wv = _fcn(edge_scalars, fcv_w1[m], fcv_w2[m]).reshape(-1, H, H)
        f_src = jnp.take(f, src, axis=0)
        k = jnp.einsum('eu,euw->ew', f_src, wk) * sh0 / jnp.sqrt(float(H))
        v = jnp.einsum('eu,euw->ew', f_src, wv) * sh0 / jnp.sqrt(float(H))
        d = jnp.einsum('eu,uv,ev->e', jnp.take(q, dst, axis=0), dot_w[m], k) / float(H)
        expd = edge_cutoff * jnp.exp(d)
        z = jax.ops.segment_sum(expd, dst, num_segments=N_NODES)
        z = jnp.where(z == 0.0, 1.0, z)
        alpha = expd / jnp.take(z, dst, axis=0)
        contrib = jnp.sqrt(jax.nn.relu(alpha))[:, None] * v
        f_out = jax.ops.segment_sum(contrib, dst, num_segments=N_NODES)
        nrm = jnp.sqrt(jnp.sum(f_out * f_out, axis=1, keepdims=True) + 1e-24)
        h_x = f_out / jnp.maximum(nrm, 1e-12)  # F.normalize(f_out, 2, 1)
        f = jax.nn.relu(h_x) + f
    for i in range(OUT_L):
        f = jax.nn.relu(f @ lin_w[i] + lin_b[i])
    m_x = jax.ops.segment_sum(f, batch_ids, num_segments=N_GRAPHS)
    return m_x @ wp_w + wp_b


def setup_inputs(seed: int = 0):
    key = jax.random.key(seed)
    ks = jax.random.split(key, 14)
    inp = {}
    inp['x'] = jax.random.randint(ks[0], (N_NODES,), 0, N_ELEM)
    inp['edge_index'] = jax.random.randint(ks[1], (2, N_EDGES), 0, N_NODES)
    inp['edge_attr'] = jax.random.uniform(ks[2], (N_EDGES, 3), dtype=jnp.float32)
    inp['batch_ids'] = jnp.sort(jax.random.randint(ks[3], (N_NODES,), 0, N_GRAPHS))
    inp['embed_table'] = jax.random.normal(ks[4], (N_ELEM, H), dtype=jnp.float32)
    inp['hq_w'] = jax.random.normal(ks[5], (L, H, H), dtype=jnp.float32)
    inp['fck_w1'] = jax.random.normal(ks[6], (L, NB, 16), dtype=jnp.float32)
    inp['fck_w2'] = jax.random.normal(ks[7], (L, 16, H * H), dtype=jnp.float32)
    inp['fcv_w1'] = jax.random.normal(ks[8], (L, NB, 16), dtype=jnp.float32)
    inp['fcv_w2'] = jax.random.normal(ks[9], (L, 16, H * H), dtype=jnp.float32)
    inp['dot_w'] = jax.random.normal(ks[10], (L, H, H), dtype=jnp.float32)
    inp['lin_w'] = jax.random.normal(ks[11], (OUT_L, H, H), dtype=jnp.float32) / jnp.sqrt(float(H))
    inp['lin_b'] = jnp.zeros((OUT_L, H), dtype=jnp.float32)
    inp['wp_w'] = jax.random.normal(ks[12], (H, OUT_CH), dtype=jnp.float32) / jnp.sqrt(float(H))
    inp['wp_b'] = jnp.zeros((OUT_CH,), dtype=jnp.float32)
    return inp


def reference(x, edge_index, edge_attr, batch_ids, embed_table, hq_w, fck_w1, fck_w2, fcv_w1, fcv_w2, dot_w, lin_w, lin_b, wp_w, wp_b):
    return _forward(x, edge_index, edge_attr, batch_ids, embed_table, hq_w, fck_w1, fck_w2, fcv_w1, fcv_w2, dot_w, lin_w, lin_b, wp_w, wp_b)

if __name__ == "__main__":
    import jax
    _d = setup_inputs()
    print(jax.jit(kernel)(*tuple(_d.values())))

</pallas_src>

<mosaic_0001>
#map = affine_map<(d0, d1) -> (0, 0)>
#map1 = affine_map<(d0, d1) -> (0)>
module attributes {stable_mosaic.version = 14 : i64} {
  func.func @k(%arg0: i32, %arg1: i32, %arg2: memref<20000x32xf32, #tpu.memory_space<hbm>>, %arg3: memref<163840xi32, #tpu.memory_space<hbm>>, %arg4: memref<163840x32xf32, #tpu.memory_space<hbm>>, %arg5: memref<128xi32, #tpu.memory_space<vmem>>, %arg6: memref<128x32xf32, #tpu.memory_space<vmem>>, %arg7: memref<!tpu.dma_semaphore, #tpu.memory_space<semaphore_mem>>) attributes {dimension_semantics = [#tpu.dimension_semantics<core_parallel>, #tpu.dimension_semantics<subcore_parallel>], iteration_bounds = array<i64: 2, 16>, scalar_prefetch = 0 : i64, scratch_operands = 3 : i64, tpu.core_type = #tpu.core_type<sc_vector_subcore>, window_params = [{transform_indices = #map}, {transform_indices = #map1}, {transform_indices = #map}]} {
    %mul3A = arith.constant 2 : i32
    %mul3A_0 = arith.muli %arg1, %mul3A : i32
    %add3A = arith.addi %mul3A_0, %arg0 : i32
    %mul3A_1 = arith.constant 5120 : i32
    %mul3A_2 = arith.muli %add3A, %mul3A_1 : i32
    %scan3A = arith.constant 0 : i32
    %scan3A_3 = arith.constant 0 : i32
    %scan3A_4 = arith.constant 40 : i32
    %scan3A_5 = arith.addi %scan3A_3, %scan3A_4 : i32
    %scan3A_6 = arith.constant 1 : i32
    scf.for %scan3A_8 = %scan3A_3 to %scan3A_5 step %scan3A_6  : i32 {
      %mul3A_9 = arith.constant 128 : i32
      %mul3A_10 = arith.muli %scan3A_8, %mul3A_9 : i32
      %add3A_11 = arith.addi %mul3A_2, %mul3A_10 : i32
      "tpu.region"() ({
        %run_scoped3A = tpu.sem_alloc : memref<!tpu.dma_semaphore, #tpu.memory_space<semaphore_mem>>
        %dma_start3A_16 = tpu.memref_slice %arg3[%add3A_11] : memref<163840xi32, #tpu.memory_space<hbm>> -> memref<128xi32, #tpu.memory_space<hbm>>
        %dma_start3A_17 = tpu.memref_slice %arg3[%add3A_11] : memref<163840xi32, #tpu.memory_space<hbm>> -> memref<128xi32, #tpu.memory_space<hbm>>
        tpu.enqueue_dma source(%dma_start3A_17 : memref<128xi32, #tpu.memory_space<hbm>>) target(%arg5 : memref<128xi32, #tpu.memory_space<vmem>>) target_semaphore(%run_scoped3A : memref<!tpu.dma_semaphore, #tpu.memory_space<semaphore_mem>>)
        %dma_wait3A_18 = tpu.memref_slice %arg3[%add3A_11] : memref<163840xi32, #tpu.memory_space<hbm>> -> memref<128xi32, #tpu.memory_space<hbm>>
        %dma_wait3A_19 = tpu.memref_slice %arg3[%add3A_11] : memref<163840xi32, #tpu.memory_space<hbm>> -> memref<128xi32, #tpu.memory_space<hbm>>
        tpu.wait_dma2 semaphore(%run_scoped3A : memref<!tpu.dma_semaphore, #tpu.memory_space<semaphore_mem>>) src(%dma_wait3A_19 : memref<128xi32, #tpu.memory_space<hbm>>) dst(%arg5 : memref<128xi32, #tpu.memory_space<vmem>>)
        tpu.yield
      }) : () -> ()
      %dma_start3A = arith.constant 0 : i32
      %dma_start3A_12 = arith.constant 0 : i32
      %dma_start3A_13 = tpu.memref_slice %arg2[%dma_start3A, %dma_start3A_12] : memref<20000x32xf32, #tpu.memory_space<hbm>> -> memref<20000x32xf32, #tpu.memory_space<hbm>>
      tpu.enqueue_indirect_dma source(%dma_start3A_13 : memref<20000x32xf32, #tpu.memory_space<hbm>>) target(%arg6 : memref<128x32xf32, #tpu.memory_space<vmem>>) offsets(%arg5 : memref<128xi32, #tpu.memory_space<vmem>>) semaphore(%arg7 : memref<!tpu.dma_semaphore, #tpu.memory_space<semaphore_mem>>)
      %dma_wait3A = arith.constant 0 : i32
      %dma_wait3A_14 = arith.constant 0 : i32
      %dma_wait3A_15 = tpu.memref_slice %arg2[%dma_wait3A, %dma_wait3A_14] : memref<20000x32xf32, #tpu.memory_space<hbm>> -> memref<20000x32xf32, #tpu.memory_space<hbm>>
      tpu.wait_indirect_dma semaphore(%arg7 : memref<!tpu.dma_semaphore, #tpu.memory_space<semaphore_mem>>) src(%dma_wait3A_15 : memref<20000x32xf32, #tpu.memory_space<hbm>>) dst(%arg6 : memref<128x32xf32, #tpu.memory_space<vmem>>)
      "tpu.region"() ({
        %run_scoped3A = tpu.sem_alloc : memref<!tpu.dma_semaphore, #tpu.memory_space<semaphore_mem>>
        %dma_start3A_16 = arith.constant 0 : i32
        %dma_start3A_17 = tpu.memref_slice %arg4[%add3A_11, %dma_start3A_16] : memref<163840x32xf32, #tpu.memory_space<hbm>> -> memref<128x32xf32, #tpu.memory_space<hbm>>
        %dma_start3A_18 = arith.constant 0 : i32
        %dma_start3A_19 = tpu.memref_slice %arg4[%add3A_11, %dma_start3A_18] : memref<163840x32xf32, #tpu.memory_space<hbm>> -> memref<128x32xf32, #tpu.memory_space<hbm>>
        tpu.enqueue_dma source(%arg6 : memref<128x32xf32, #tpu.memory_space<vmem>>) target(%dma_start3A_19 : memref<128x32xf32, #tpu.memory_space<hbm>>) target_semaphore(%run_scoped3A : memref<!tpu.dma_semaphore, #tpu.memory_space<semaphore_mem>>)
        %dma_wait3A_20 = arith.constant 0 : i32
        %dma_wait3A_21 = tpu.memref_slice %arg4[%add3A_11, %dma_wait3A_20] : memref<163840x32xf32, #tpu.memory_space<hbm>> -> memref<128x32xf32, #tpu.memory_space<hbm>>
        %dma_wait3A_22 = arith.constant 0 : i32
        %dma_wait3A_23 = tpu.memref_slice %arg4[%add3A_11, %dma_wait3A_22] : memref<163840x32xf32, #tpu.memory_space<hbm>> -> memref<128x32xf32, #tpu.memory_space<hbm>>
        tpu.wait_dma2 semaphore(%run_scoped3A : memref<!tpu.dma_semaphore, #tpu.memory_space<semaphore_mem>>) src(%arg6 : memref<128x32xf32, #tpu.memory_space<vmem>>) dst(%dma_wait3A_23 : memref<128x32xf32, #tpu.memory_space<hbm>>)
        tpu.yield
      }) : () -> ()
    }
    %scan3A_7 = arith.constant 40 : i32
    return
  }
}

#map = affine_map<(d0, d1) -> (0, 0)>
#map1 = affine_map<(d0, d1) -> (0)>
module attributes {stable_mosaic.version = 14 : i64} {
  func.func @k(%arg0: i32, %arg1: i32, %arg2: memref<100x32xf32, #tpu.memory_space<hbm>>, %arg3: memref<10240xi32, #tpu.memory_space<hbm>>, %arg4: memref<10240x32xf32, #tpu.memory_space<hbm>>, %arg5: memref<64xi32, #tpu.memory_space<vmem>>, %arg6: memref<64x32xf32, #tpu.memory_space<vmem>>, %arg7: memref<!tpu.dma_semaphore, #tpu.memory_space<semaphore_mem>>) attributes {dimension_semantics = [#tpu.dimension_semantics<core_parallel>, #tpu.dimension_semantics<subcore_parallel>], iteration_bounds = array<i64: 2, 16>, scalar_prefetch = 0 : i64, scratch_operands = 3 : i64, tpu.core_type = #tpu.core_type<sc_vector_subcore>, window_params = [{transform_indices = #map}, {transform_indices = #map1}, {transform_indices = #map}]} {
    %mul3A = arith.constant 2 : i32
    %mul3A_0 = arith.muli %arg1, %mul3A : i32
    %add3A = arith.addi %mul3A_0, %arg0 : i32
    %mul3A_1 = arith.constant 320 : i32
    %mul3A_2 = arith.muli %add3A, %mul3A_1 : i32
    %scan3A = arith.constant 0 : i32
    %scan3A_3 = arith.constant 0 : i32
    %scan3A_4 = arith.constant 5 : i32
    %scan3A_5 = arith.addi %scan3A_3, %scan3A_4 : i32
    %scan3A_6 = arith.constant 1 : i32
    scf.for %scan3A_8 = %scan3A_3 to %scan3A_5 step %scan3A_6  : i32 {
      %mul3A_9 = arith.constant 64 : i32
      %mul3A_10 = arith.muli %scan3A_8, %mul3A_9 : i32
      %add3A_11 = arith.addi %mul3A_2, %mul3A_10 : i32
      "tpu.region"() ({
        %run_scoped3A = tpu.sem_alloc : memref<!tpu.dma_semaphore, #tpu.memory_space<semaphore_mem>>
        %dma_start3A_16 = tpu.memref_slice %arg3[%add3A_11] : memref<10240xi32, #tpu.memory_space<hbm>> -> memref<64xi32, #tpu.memory_space<hbm>>
        %dma_start3A_17 = tpu.memref_slice %arg3[%add3A_11] : memref<10240xi32, #tpu.memory_space<hbm>> -> memref<64xi32, #tpu.memory_space<hbm>>
        tpu.enqueue_dma source(%dma_start3A_17 : memref<64xi32, #tpu.memory_space<hbm>>) target(%arg5 : memref<64xi32, #tpu.memory_space<vmem>>) target_semaphore(%run_scoped3A : memref<!tpu.dma_semaphore, #tpu.memory_space<semaphore_mem>>)
        %dma_wait3A_18 = tpu.memref_slice %arg3[%add3A_11] : memref<10240xi32, #tpu.memory_space<hbm>> -> memref<64xi32, #tpu.memory_space<hbm>>
        %dma_wait3A_19 = tpu.memref_slice %arg3[%add3A_11] : memref<10240xi32, #tpu.memory_space<hbm>> -> memref<64xi32, #tpu.memory_space<hbm>>
        tpu.wait_dma2 semaphore(%run_scoped3A : memref<!tpu.dma_semaphore, #tpu.memory_space<semaphore_mem>>) src(%dma_wait3A_19 : memref<64xi32, #tpu.memory_space<hbm>>) dst(%arg5 : memref<64xi32, #tpu.memory_space<vmem>>)
        tpu.yield
      }) : () -> ()
      %dma_start3A = arith.constant 0 : i32
      %dma_start3A_12 = arith.constant 0 : i32
      %dma_start3A_13 = tpu.memref_slice %arg2[%dma_start3A, %dma_start3A_12] : memref<100x32xf32, #tpu.memory_space<hbm>> -> memref<100x32xf32, #tpu.memory_space<hbm>>
      tpu.enqueue_indirect_dma source(%dma_start3A_13 : memref<100x32xf32, #tpu.memory_space<hbm>>) target(%arg6 : memref<64x32xf32, #tpu.memory_space<vmem>>) offsets(%arg5 : memref<64xi32, #tpu.memory_space<vmem>>) semaphore(%arg7 : memref<!tpu.dma_semaphore, #tpu.memory_space<semaphore_mem>>)
      %dma_wait3A = arith.constant 0 : i32
      %dma_wait3A_14 = arith.constant 0 : i32
      %dma_wait3A_15 = tpu.memref_slice %arg2[%dma_wait3A, %dma_wait3A_14] : memref<100x32xf32, #tpu.memory_space<hbm>> -> memref<100x32xf32, #tpu.memory_space<hbm>>
      tpu.wait_indirect_dma semaphore(%arg7 : memref<!tpu.dma_semaphore, #tpu.memory_space<semaphore_mem>>) src(%dma_wait3A_15 : memref<100x32xf32, #tpu.memory_space<hbm>>) dst(%arg6 : memref<64x32xf32, #tpu.memory_space<vmem>>)
      "tpu.region"() ({
        %run_scoped3A = tpu.sem_alloc : memref<!tpu.dma_semaphore, #tpu.memory_space<semaphore_mem>>
        %dma_start3A_16 = arith.constant 0 : i32
        %dma_start3A_17 = tpu.memref_slice %arg4[%add3A_11, %dma_start3A_16] : memref<10240x32xf32, #tpu.memory_space<hbm>> -> memref<64x32xf32, #tpu.memory_space<hbm>>
        %dma_start3A_18 = arith.constant 0 : i32
        %dma_start3A_19 = tpu.memref_slice %arg4[%add3A_11, %dma_start3A_18] : memref<10240x32xf32, #tpu.memory_space<hbm>> -> memref<64x32xf32, #tpu.memory_space<hbm>>
        tpu.enqueue_dma source(%arg6 : memref<64x32xf32, #tpu.memory_space<vmem>>) target(%dma_start3A_19 : memref<64x32xf32, #tpu.memory_space<hbm>>) target_semaphore(%run_scoped3A : memref<!tpu.dma_semaphore, #tpu.memory_space<semaphore_mem>>)
        %dma_wait3A_20 = arith.constant 0 : i32
        %dma_wait3A_21 = tpu.memref_slice %arg4[%add3A_11, %dma_wait3A_20] : memref<10240x32xf32, #tpu.memory_space<hbm>> -> memref<64x32xf32, #tpu.memory_space<hbm>>
        %dma_wait3A_22 = arith.constant 0 : i32
        %dma_wait3A_23 = tpu.memref_slice %arg4[%add3A_11, %dma_wait3A_22] : memref<10240x32xf32, #tpu.memory_space<hbm>> -> memref<64x32xf32, #tpu.memory_space<hbm>>
        tpu.wait_dma2 semaphore(%run_scoped3A : memref<!tpu.dma_semaphore, #tpu.memory_space<semaphore_mem>>) src(%arg6 : memref<64x32xf32, #tpu.memory_space<vmem>>) dst(%dma_wait3A_23 : memref<64x32xf32, #tpu.memory_space<hbm>>)
        tpu.yield
      }) : () -> ()
    }
    %scan3A_7 = arith.constant 5 : i32
    return
  }
}

#map = affine_map<(d0, d1) -> (0, 0)>
#map1 = affine_map<(d0, d1) -> (0)>
module attributes {stable_mosaic.version = 14 : i64} {
  func.func @k(%arg0: i32, %arg1: i32, %arg2: memref<81920x32xf32, #tpu.memory_space<hbm>>, %arg3: memref<81920xi32, #tpu.memory_space<hbm>>, %arg4: memref<10240x32xf32, #tpu.memory_space<hbm>>, %arg5: memref<20480x32xf32, #tpu.memory_space<hbm>>, %arg6: memref<10240x32xf32, #tpu.memory_space<vmem_shared>>, %arg7: memref<128x32xf32, #tpu.memory_space<vmem>>, %arg8: memref<128xi32, #tpu.memory_space<vmem>>) attributes {dimension_semantics = [#tpu.dimension_semantics<core_parallel>, #tpu.dimension_semantics<subcore_parallel>], iteration_bounds = array<i64: 2, 16>, scalar_prefetch = 0 : i64, scratch_operands = 3 : i64, tpu.core_type = #tpu.core_type<sc_vector_subcore>, window_params = [{transform_indices = #map}, {transform_indices = #map1}, {transform_indices = #map}, {transform_indices = #map}]} {
    %mul3A = arith.constant 2 : i32
    %mul3A_0 = arith.muli %arg1, %mul3A : i32
    %add3A = arith.addi %mul3A_0, %arg0 : i32
    %mul3A_1 = arith.constant 640 : i32
    %mul3A_2 = arith.muli %arg1, %mul3A_1 : i32
    "tpu.region"() ({
      %run_scoped3A = tpu.sem_alloc : memref<!tpu.dma_semaphore, #tpu.memory_space<semaphore_mem>>
      %dma_start3A = arith.constant 0 : i32
      %dma_start3A_14 = tpu.memref_slice %arg6[%mul3A_2, %dma_start3A] : memref<10240x32xf32, #tpu.memory_space<vmem_shared>> -> memref<640x32xf32, #tpu.memory_space<vmem_shared>>
      %dma_start3A_15 = arith.constant 0 : i32
      %dma_start3A_16 = tpu.memref_slice %arg4[%mul3A_2, %dma_start3A_15] : memref<10240x32xf32, #tpu.memory_space<hbm>> -> memref<640x32xf32, #tpu.memory_space<hbm>>
      tpu.enqueue_dma source(%dma_start3A_16 : memref<640x32xf32, #tpu.memory_space<hbm>>) target(%dma_start3A_14 : memref<640x32xf32, #tpu.memory_space<vmem_shared>>) target_semaphore(%run_scoped3A : memref<!tpu.dma_semaphore, #tpu.memory_space<semaphore_mem>>)
      %dma_wait3A = arith.constant 0 : i32
      %dma_wait3A_17 = tpu.memref_slice %arg6[%mul3A_2, %dma_wait3A] : memref<10240x32xf32, #tpu.memory_space<vmem_shared>> -> memref<640x32xf32, #tpu.memory_space<vmem_shared>>
      %dma_wait3A_18 = arith.constant 0 : i32
      %dma_wait3A_19 = tpu.memref_slice %arg4[%mul3A_2, %dma_wait3A_18] : memref<10240x32xf32, #tpu.memory_space<hbm>> -> memref<640x32xf32, #tpu.memory_space<hbm>>
      tpu.wait_dma2 semaphore(%run_scoped3A : memref<!tpu.dma_semaphore, #tpu.memory_space<semaphore_mem>>) src(%dma_wait3A_19 : memref<640x32xf32, #tpu.memory_space<hbm>>) dst(%dma_wait3A_17 : memref<640x32xf32, #tpu.memory_space<vmem_shared>>)
      tpu.yield
    }) : () -> ()
    %barrier3A = arith.constant 0 : index
    tpu.barrier barrier_id(%barrier3A)
    %mul3A_3 = arith.constant 2560 : i32
    %mul3A_4 = arith.muli %add3A, %mul3A_3 : i32
    %scan3A = arith.constant 0 : i32
    %scan3A_5 = arith.constant 0 : i32
    %scan3A_6 = arith.constant 20 : i32
    %scan3A_7 = arith.addi %scan3A_5, %scan3A_6 : i32
    %scan3A_8 = arith.constant 1 : i32
    scf.for %scan3A_14 = %scan3A_5 to %scan3A_7 step %scan3A_8  : i32 {
      %mul3A_15 = arith.constant 128 : i32
      %mul3A_16 = arith.muli %scan3A_14, %mul3A_15 : i32
      %add3A_17 = arith.addi %mul3A_4, %mul3A_16 : i32
      "tpu.region"() ({
        %run_scoped3A = tpu.sem_alloc : memref<!tpu.dma_semaphore, #tpu.memory_space<semaphore_mem>>
        %dma_start3A = arith.constant 0 : i32
        %dma_start3A_18 = tpu.memref_slice %arg2[%add3A_17, %dma_start3A] : memref<81920x32xf32, #tpu.memory_space<hbm>> -> memref<128x32xf32, #tpu.memory_space<hbm>>
        %dma_start3A_19 = arith.constant 0 : i32
        %dma_start3A_20 = tpu.memref_slice %arg2[%add3A_17, %dma_start3A_19] : memref<81920x32xf32, #tpu.memory_space<hbm>> -> memref<128x32xf32, #tpu.memory_space<hbm>>
        tpu.enqueue_dma source(%dma_start3A_20 : memref<128x32xf32, #tpu.memory_space<hbm>>) target(%arg7 : memref<128x32xf32, #tpu.memory_space<vmem>>) target_semaphore(%run_scoped3A : memref<!tpu.dma_semaphore, #tpu.memory_space<semaphore_mem>>)
        %dma_wait3A = arith.constant 0 : i32
        %dma_wait3A_21 = tpu.memref_slice %arg2[%add3A_17, %dma_wait3A] : memref<81920x32xf32, #tpu.memory_space<hbm>> -> memref<128x32xf32, #tpu.memory_space<hbm>>
        %dma_wait3A_22 = arith.constant 0 : i32
        %dma_wait3A_23 = tpu.memref_slice %arg2[%add3A_17, %dma_wait3A_22] : memref<81920x32xf32, #tpu.memory_space<hbm>> -> memref<128x32xf32, #tpu.memory_space<hbm>>
        tpu.wait_dma2 semaphore(%run_scoped3A : memref<!tpu.dma_semaphore, #tpu.memory_space<semaphore_mem>>) src(%dma_wait3A_23 : memref<128x32xf32, #tpu.memory_space<hbm>>) dst(%arg7 : memref<128x32xf32, #tpu.memory_space<vmem>>)
        tpu.yield
      }) : () -> ()
      "tpu.region"() ({
        %run_scoped3A = tpu.sem_alloc : memref<!tpu.dma_semaphore, #tpu.memory_space<semaphore_mem>>
        %dma_start3A = tpu.memref_slice %arg3[%add3A_17] : memref<81920xi32, #tpu.memory_space<hbm>> -> memref<128xi32, #tpu.memory_space<hbm>>
        %dma_start3A_18 = tpu.memref_slice %arg3[%add3A_17] : memref<81920xi32, #tpu.memory_space<hbm>> -> memref<128xi32, #tpu.memory_space<hbm>>
        tpu.enqueue_dma source(%dma_start3A_18 : memref<128xi32, #tpu.memory_space<hbm>>) target(%arg8 : memref<128xi32, #tpu.memory_space<vmem>>) target_semaphore(%run_scoped3A : memref<!tpu.dma_semaphore, #tpu.memory_space<semaphore_mem>>)
        %dma_wait3A = tpu.memref_slice %arg3[%add3A_17] : memref<81920xi32, #tpu.memory_space<hbm>> -> memref<128xi32, #tpu.memory_space<hbm>>
        %dma_wait3A_19 = tpu.memref_slice %arg3[%add3A_17] : memref<81920xi32, #tpu.memory_space<hbm>> -> memref<128xi32, #tpu.memory_space<hbm>>
        tpu.wait_dma2 semaphore(%run_scoped3A : memref<!tpu.dma_semaphore, #tpu.memory_space<semaphore_mem>>) src(%dma_wait3A_19 : memref<128xi32, #tpu.memory_space<hbm>>) dst(%arg8 : memref<128xi32, #tpu.memory_space<vmem>>)
        tpu.yield
      }) : () -> ()
      "tpu.region"() ({
        %run_scoped3A = tpu.sem_alloc : memref<!tpu.dma_semaphore, #tpu.memory_space<semaphore_mem>>
        %dma_start3A = arith.constant 0 : i32
        %dma_start3A_18 = arith.constant 0 : i32
        %dma_start3A_19 = tpu.memref_slice %arg6[%dma_start3A, %dma_start3A_18] : memref<10240x32xf32, #tpu.memory_space<vmem_shared>> -> memref<10240x32xf32, #tpu.memory_space<vmem_shared>>
        tpu.enqueue_indirect_dma source(%arg7 : memref<128x32xf32, #tpu.memory_space<vmem>>) target(%dma_start3A_19 : memref<10240x32xf32, #tpu.memory_space<vmem_shared>>) offsets(%arg8 : memref<128xi32, #tpu.memory_space<vmem>>) semaphore(%run_scoped3A : memref<!tpu.dma_semaphore, #tpu.memory_space<semaphore_mem>>) {add = true}
        %dma_wait3A = arith.constant 0 : i32
        %dma_wait3A_20 = arith.constant 0 : i32
        %dma_wait3A_21 = tpu.memref_slice %arg6[%dma_wait3A, %dma_wait3A_20] : memref<10240x32xf32, #tpu.memory_space<vmem_shared>> -> memref<10240x32xf32, #tpu.memory_space<vmem_shared>>
        tpu.wait_indirect_dma semaphore(%run_scoped3A : memref<!tpu.dma_semaphore, #tpu.memory_space<semaphore_mem>>) src(%arg7 : memref<128x32xf32, #tpu.memory_space<vmem>>) dst(%dma_wait3A_21 : memref<10240x32xf32, #tpu.memory_space<vmem_shared>>)
        tpu.yield
      }) : () -> ()
    }
    %scan3A_9 = arith.constant 20 : i32
    %barrier3A_10 = arith.constant 0 : index
    tpu.barrier barrier_id(%barrier3A_10)
    %mul3A_11 = arith.constant 10240 : i32
    %mul3A_12 = arith.muli %arg0, %mul3A_11 : i32
    %add3A_13 = arith.addi %mul3A_12, %mul3A_2 : i32
    "tpu.region"() ({
      %run_scoped3A = tpu.sem_alloc : memref<!tpu.dma_semaphore, #tpu.memory_space<semaphore_mem>>
      %dma_start3A = arith.constant 0 : i32
      %dma_start3A_14 = tpu.memref_slice %arg5[%add3A_13, %dma_start3A] : memref<20480x32xf32, #tpu.memory_space<hbm>> -> memref<640x32xf32, #tpu.memory_space<hbm>>
      %dma_start3A_15 = arith.constant 0 : i32
      %dma_start3A_16 = tpu.memref_slice %arg6[%mul3A_2, %dma_start3A_15] : memref<10240x32xf32, #tpu.memory_space<vmem_shared>> -> memref<640x32xf32, #tpu.memory_space<vmem_shared>>
      tpu.enqueue_dma source(%dma_start3A_16 : memref<640x32xf32, #tpu.memory_space<vmem_shared>>) target(%dma_start3A_14 : memref<640x32xf32, #tpu.memory_space<hbm>>) target_semaphore(%run_scoped3A : memref<!tpu.dma_semaphore, #tpu.memory_space<semaphore_mem>>)
      %dma_wait3A = arith.constant 0 : i32
      %dma_wait3A_17 = tpu.memref_slice %arg5[%add3A_13, %dma_wait3A] : memref<20480x32xf32, #tpu.memory_space<hbm>> -> memref<640x32xf32, #tpu.memory_space<hbm>>
      %dma_wait3A_18 = arith.constant 0 : i32
      %dma_wait3A_19 = tpu.memref_slice %arg6[%mul3A_2, %dma_wait3A_18] : memref<10240x32xf32, #tpu.memory_space<vmem_shared>> -> memref<640x32xf32, #tpu.memory_space<vmem_shared>>
      tpu.wait_dma2 semaphore(%run_scoped3A : memref<!tpu.dma_semaphore, #tpu.memory_space<semaphore_mem>>) src(%dma_wait3A_19 : memref<640x32xf32, #tpu.memory_space<vmem_shared>>) dst(%dma_wait3A_17 : memref<640x32xf32, #tpu.memory_space<hbm>>)
      tpu.yield
    }) : () -> ()
    return
  }
}

#map = affine_map<(d0, d1) -> (0, 0)>
#map1 = affine_map<(d0, d1) -> (0)>
module attributes {stable_mosaic.version = 14 : i64} {
  func.func @k(%arg0: i32, %arg1: i32, %arg2: memref<20000x32xf32, #tpu.memory_space<hbm>>, %arg3: memref<163840xi32, #tpu.memory_space<hbm>>, %arg4: memref<163840x32xf32, #tpu.memory_space<hbm>>, %arg5: memref<128xi32, #tpu.memory_space<vmem>>, %arg6: memref<128x32xf32, #tpu.memory_space<vmem>>, %arg7: memref<!tpu.dma_semaphore, #tpu.memory_space<semaphore_mem>>) attributes {dimension_semantics = [#tpu.dimension_semantics<core_parallel>, #tpu.dimension_semantics<subcore_parallel>], iteration_bounds = array<i64: 2, 16>, scalar_prefetch = 0 : i64, scratch_operands = 3 : i64, tpu.core_type = #tpu.core_type<sc_vector_subcore>, window_params = [{transform_indices = #map}, {transform_indices = #map1}, {transform_indices = #map}]} {
    %mul3A = arith.constant 2 : i32
    %mul3A_0 = arith.muli %arg1, %mul3A : i32
    %add3A = arith.addi %mul3A_0, %arg0 : i32
    %mul3A_1 = arith.constant 5120 : i32
    %mul3A_2 = arith.muli %add3A, %mul3A_1 : i32
    %scan3A = arith.constant 0 : i32
    %scan3A_3 = arith.constant 0 : i32
    %scan3A_4 = arith.constant 40 : i32
    %scan3A_5 = arith.addi %scan3A_3, %scan3A_4 : i32
    %scan3A_6 = arith.constant 1 : i32
    scf.for %scan3A_8 = %scan3A_3 to %scan3A_5 step %scan3A_6  : i32 {
      %mul3A_9 = arith.constant 128 : i32
      %mul3A_10 = arith.muli %scan3A_8, %mul3A_9 : i32
      %add3A_11 = arith.addi %mul3A_2, %mul3A_10 : i32
      "tpu.region"() ({
        %run_scoped3A = tpu.sem_alloc : memref<!tpu.dma_semaphore, #tpu.memory_space<semaphore_mem>>
        %dma_start3A_16 = tpu.memref_slice %arg3[%add3A_11] : memref<163840xi32, #tpu.memory_space<hbm>> -> memref<128xi32, #tpu.memory_space<hbm>>
        %dma_start3A_17 = tpu.memref_slice %arg3[%add3A_11] : memref<163840xi32, #tpu.memory_space<hbm>> -> memref<128xi32, #tpu.memory_space<hbm>>
        tpu.enqueue_dma source(%dma_start3A_17 : memref<128xi32, #tpu.memory_space<hbm>>) target(%arg5 : memref<128xi32, #tpu.memory_space<vmem>>) target_semaphore(%run_scoped3A : memref<!tpu.dma_semaphore, #tpu.memory_space<semaphore_mem>>)
        %dma_wait3A_18 = tpu.memref_slice %arg3[%add3A_11] : memref<163840xi32, #tpu.memory_space<hbm>> -> memref<128xi32, #tpu.memory_space<hbm>>
        %dma_wait3A_19 = tpu.memref_slice %arg3[%add3A_11] : memref<163840xi32, #tpu.memory_space<hbm>> -> memref<128xi32, #tpu.memory_space<hbm>>
        tpu.wait_dma2 semaphore(%run_scoped3A : memref<!tpu.dma_semaphore, #tpu.memory_space<semaphore_mem>>) src(%dma_wait3A_19 : memref<128xi32, #tpu.memory_space<hbm>>) dst(%arg5 : memref<128xi32, #tpu.memory_space<vmem>>)
        tpu.yield
      }) : () -> ()
      %dma_start3A = arith.constant 0 : i32
      %dma_start3A_12 = arith.constant 0 : i32
      %dma_start3A_13 = tpu.memref_slice %arg2[%dma_start3A, %dma_start3A_12] : memref<20000x32xf32, #tpu.memory_space<hbm>> -> memref<20000x32xf32, #tpu.memory_space<hbm>>
      tpu.enqueue_indirect_dma source(%dma_start3A_13 : memref<20000x32xf32, #tpu.memory_space<hbm>>) target(%arg6 : memref<128x32xf32, #tpu.memory_space<vmem>>) offsets(%arg5 : memref<128xi32, #tpu.memory_space<vmem>>) semaphore(%arg7 : memref<!tpu.dma_semaphore, #tpu.memory_space<semaphore_mem>>)
      %dma_wait3A = arith.constant 0 : i32
      %dma_wait3A_14 = arith.constant 0 : i32
      %dma_wait3A_15 = tpu.memref_slice %arg2[%dma_wait3A, %dma_wait3A_14] : memref<20000x32xf32, #tpu.memory_space<hbm>> -> memref<20000x32xf32, #tpu.memory_space<hbm>>
      tpu.wait_indirect_dma semaphore(%arg7 : memref<!tpu.dma_semaphore, #tpu.memory_space<semaphore_mem>>) src(%dma_wait3A_15 : memref<20000x32xf32, #tpu.memory_space<hbm>>) dst(%arg6 : memref<128x32xf32, #tpu.memory_space<vmem>>)
      "tpu.region"() ({
        %run_scoped3A = tpu.sem_alloc : memref<!tpu.dma_semaphore, #tpu.memory_space<semaphore_mem>>
        %dma_start3A_16 = arith.constant 0 : i32
        %dma_start3A_17 = tpu.memref_slice %arg4[%add3A_11, %dma_start3A_16] : memref<163840x32xf32, #tpu.memory_space<hbm>> -> memref<128x32xf32, #tpu.memory_space<hbm>>
        %dma_start3A_18 = arith.constant 0 : i32
        %dma_start3A_19 = tpu.memref_slice %arg4[%add3A_11, %dma_start3A_18] : memref<163840x32xf32, #tpu.memory_space<hbm>> -> memref<128x32xf32, #tpu.memory_space<hbm>>
        tpu.enqueue_dma source(%arg6 : memref<128x32xf32, #tpu.memory_space<vmem>>) target(%dma_start3A_19 : memref<128x32xf32, #tpu.memory_space<hbm>>) target_semaphore(%run_scoped3A : memref<!tpu.dma_semaphore, #tpu.memory_space<semaphore_mem>>)
        %dma_wait3A_20 = arith.constant 0 : i32
        %dma_wait3A_21 = tpu.memref_slice %arg4[%add3A_11, %dma_wait3A_20] : memref<163840x32xf32, #tpu.memory_space<hbm>> -> memref<128x32xf32, #tpu.memory_space<hbm>>
        %dma_wait3A_22 = arith.constant 0 : i32
        %dma_wait3A_23 = tpu.memref_slice %arg4[%add3A_11, %dma_wait3A_22] : memref<163840x32xf32, #tpu.memory_space<hbm>> -> memref<128x32xf32, #tpu.memory_space<hbm>>
        tpu.wait_dma2 semaphore(%run_scoped3A : memref<!tpu.dma_semaphore, #tpu.memory_space<semaphore_mem>>) src(%arg6 : memref<128x32xf32, #tpu.memory_space<vmem>>) dst(%dma_wait3A_23 : memref<128x32xf32, #tpu.memory_space<hbm>>)
        tpu.yield
      }) : () -> ()
    }
    %scan3A_7 = arith.constant 40 : i32
    return
  }
}

#map = affine_map<(d0, d1) -> (0, 0)>
#map1 = affine_map<(d0, d1) -> (0)>
module attributes {stable_mosaic.version = 14 : i64} {
  func.func @k(%arg0: i32, %arg1: i32, %arg2: memref<81920x32xf32, #tpu.memory_space<hbm>>, %arg3: memref<81920xi32, #tpu.memory_space<hbm>>, %arg4: memref<10240x32xf32, #tpu.memory_space<hbm>>, %arg5: memref<20480x32xf32, #tpu.memory_space<hbm>>, %arg6: memref<10240x32xf32, #tpu.memory_space<vmem_shared>>, %arg7: memref<128x32xf32, #tpu.memory_space<vmem>>, %arg8: memref<128xi32, #tpu.memory_space<vmem>>) attributes {dimension_semantics = [#tpu.dimension_semantics<core_parallel>, #tpu.dimension_semantics<subcore_parallel>], iteration_bounds = array<i64: 2, 16>, scalar_prefetch = 0 : i64, scratch_operands = 3 : i64, tpu.core_type = #tpu.core_type<sc_vector_subcore>, window_params = [{transform_indices = #map}, {transform_indices = #map1}, {transform_indices = #map}, {transform_indices = #map}]} {
    %mul3A = arith.constant 2 : i32
    %mul3A_0 = arith.muli %arg1, %mul3A : i32
    %add3A = arith.addi %mul3A_0, %arg0 : i32
    %mul3A_1 = arith.constant 640 : i32
    %mul3A_2 = arith.muli %arg1, %mul3A_1 : i32
    "tpu.region"() ({
      %run_scoped3A = tpu.sem_alloc : memref<!tpu.dma_semaphore, #tpu.memory_space<semaphore_mem>>
      %dma_start3A = arith.constant 0 : i32
      %dma_start3A_14 = tpu.memref_slice %arg6[%mul3A_2, %dma_start3A] : memref<10240x32xf32, #tpu.memory_space<vmem_shared>> -> memref<640x32xf32, #tpu.memory_space<vmem_shared>>
      %dma_start3A_15 = arith.constant 0 : i32
      %dma_start3A_16 = tpu.memref_slice %arg4[%mul3A_2, %dma_start3A_15] : memref<10240x32xf32, #tpu.memory_space<hbm>> -> memref<640x32xf32, #tpu.memory_space<hbm>>
      tpu.enqueue_dma source(%dma_start3A_16 : memref<640x32xf32, #tpu.memory_space<hbm>>) target(%dma_start3A_14 : memref<640x32xf32, #tpu.memory_space<vmem_shared>>) target_semaphore(%run_scoped3A : memref<!tpu.dma_semaphore, #tpu.memory_space<semaphore_mem>>)
      %dma_wait3A = arith.constant 0 : i32
      %dma_wait3A_17 = tpu.memref_slice %arg6[%mul3A_2, %dma_wait3A] : memref<10240x32xf32, #tpu.memory_space<vmem_shared>> -> memref<640x32xf32, #tpu.memory_space<vmem_shared>>
      %dma_wait3A_18 = arith.constant 0 : i32
      %dma_wait3A_19 = tpu.memref_slice %arg4[%mul3A_2, %dma_wait3A_18] : memref<10240x32xf32, #tpu.memory_space<hbm>> -> memref<640x32xf32, #tpu.memory_space<hbm>>
      tpu.wait_dma2 semaphore(%run_scoped3A : memref<!tpu.dma_semaphore, #tpu.memory_space<semaphore_mem>>) src(%dma_wait3A_19 : memref<640x32xf32, #tpu.memory_space<hbm>>) dst(%dma_wait3A_17 : memref<640x32xf32, #tpu.memory_space<vmem_shared>>)
      tpu.yield
    }) : () -> ()
    %barrier3A = arith.constant 0 : index
    tpu.barrier barrier_id(%barrier3A)
    %mul3A_3 = arith.constant 2560 : i32
    %mul3A_4 = arith.muli %add3A, %mul3A_3 : i32
    %scan3A = arith.constant 0 : i32
    %scan3A_5 = arith.constant 0 : i32
    %scan3A_6 = arith.constant 20 : i32
    %scan3A_7 = arith.addi %scan3A_5, %scan3A_6 : i32
    %scan3A_8 = arith.constant 1 : i32
    scf.for %scan3A_14 = %scan3A_5 to %scan3A_7 step %scan3A_8  : i32 {
      %mul3A_15 = arith.constant 128 : i32
      %mul3A_16 = arith.muli %scan3A_14, %mul3A_15 : i32
      %add3A_17 = arith.addi %mul3A_4, %mul3A_16 : i32
      "tpu.region"() ({
        %run_scoped3A = tpu.sem_alloc : memref<!tpu.dma_semaphore, #tpu.memory_space<semaphore_mem>>
        %dma_start3A = arith.constant 0 : i32
        %dma_start3A_18 = tpu.memref_slice %arg2[%add3A_17, %dma_start3A] : memref<81920x32xf32, #tpu.memory_space<hbm>> -> memref<128x32xf32, #tpu.memory_space<hbm>>
        %dma_start3A_19 = arith.constant 0 : i32
        %dma_start3A_20 = tpu.memref_slice %arg2[%add3A_17, %dma_start3A_19] : memref<81920x32xf32, #tpu.memory_space<hbm>> -> memref<128x32xf32, #tpu.memory_space<hbm>>
        tpu.enqueue_dma source(%dma_start3A_20 : memref<128x32xf32, #tpu.memory_space<hbm>>) target(%arg7 : memref<128x32xf32, #tpu.memory_space<vmem>>) target_semaphore(%run_scoped3A : memref<!tpu.dma_semaphore, #tpu.memory_space<semaphore_mem>>)
        %dma_wait3A = arith.constant 0 : i32
        %dma_wait3A_21 = tpu.memref_slice %arg2[%add3A_17, %dma_wait3A] : memref<81920x32xf32, #tpu.memory_space<hbm>> -> memref<128x32xf32, #tpu.memory_space<hbm>>
        %dma_wait3A_22 = arith.constant 0 : i32
        %dma_wait3A_23 = tpu.memref_slice %arg2[%add3A_17, %dma_wait3A_22] : memref<81920x32xf32, #tpu.memory_space<hbm>> -> memref<128x32xf32, #tpu.memory_space<hbm>>
        tpu.wait_dma2 semaphore(%run_scoped3A : memref<!tpu.dma_semaphore, #tpu.memory_space<semaphore_mem>>) src(%dma_wait3A_23 : memref<128x32xf32, #tpu.memory_space<hbm>>) dst(%arg7 : memref<128x32xf32, #tpu.memory_space<vmem>>)
        tpu.yield
      }) : () -> ()
      "tpu.region"() ({
        %run_scoped3A = tpu.sem_alloc : memref<!tpu.dma_semaphore, #tpu.memory_space<semaphore_mem>>
        %dma_start3A = tpu.memref_slice %arg3[%add3A_17] : memref<81920xi32, #tpu.memory_space<hbm>> -> memref<128xi32, #tpu.memory_space<hbm>>
        %dma_start3A_18 = tpu.memref_slice %arg3[%add3A_17] : memref<81920xi32, #tpu.memory_space<hbm>> -> memref<128xi32, #tpu.memory_space<hbm>>
        tpu.enqueue_dma source(%dma_start3A_18 : memref<128xi32, #tpu.memory_space<hbm>>) target(%arg8 : memref<128xi32, #tpu.memory_space<vmem>>) target_semaphore(%run_scoped3A : memref<!tpu.dma_semaphore, #tpu.memory_space<semaphore_mem>>)
        %dma_wait3A = tpu.memref_slice %arg3[%add3A_17] : memref<81920xi32, #tpu.memory_space<hbm>> -> memref<128xi32, #tpu.memory_space<hbm>>
        %dma_wait3A_19 = tpu.memref_slice %arg3[%add3A_17] : memref<81920xi32, #tpu.memory_space<hbm>> -> memref<128xi32, #tpu.memory_space<hbm>>
        tpu.wait_dma2 semaphore(%run_scoped3A : memref<!tpu.dma_semaphore, #tpu.memory_space<semaphore_mem>>) src(%dma_wait3A_19 : memref<128xi32, #tpu.memory_space<hbm>>) dst(%arg8 : memref<128xi32, #tpu.memory_space<vmem>>)
        tpu.yield
      }) : () -> ()
      "tpu.region"() ({
        %run_scoped3A = tpu.sem_alloc : memref<!tpu.dma_semaphore, #tpu.memory_space<semaphore_mem>>
        %dma_start3A = arith.constant 0 : i32
        %dma_start3A_18 = arith.constant 0 : i32
        %dma_start3A_19 = tpu.memref_slice %arg6[%dma_start3A, %dma_start3A_18] : memref<10240x32xf32, #tpu.memory_space<vmem_shared>> -> memref<10240x32xf32, #tpu.memory_space<vmem_shared>>
        tpu.enqueue_indirect_dma source(%arg7 : memref<128x32xf32, #tpu.memory_space<vmem>>) target(%dma_start3A_19 : memref<10240x32xf32, #tpu.memory_space<vmem_shared>>) offsets(%arg8 : memref<128xi32, #tpu.memory_space<vmem>>) semaphore(%run_scoped3A : memref<!tpu.dma_semaphore, #tpu.memory_space<semaphore_mem>>) {add = true}
        %dma_wait3A = arith.constant 0 : i32
        %dma_wait3A_20 = arith.constant 0 : i32
        %dma_wait3A_21 = tpu.memref_slice %arg6[%dma_wait3A, %dma_wait3A_20] : memref<10240x32xf32, #tpu.memory_space<vmem_shared>> -> memref<10240x32xf32, #tpu.memory_space<vmem_shared>>
        tpu.wait_indirect_dma semaphore(%run_scoped3A : memref<!tpu.dma_semaphore, #tpu.memory_space<semaphore_mem>>) src(%arg7 : memref<128x32xf32, #tpu.memory_space<vmem>>) dst(%dma_wait3A_21 : memref<10240x32xf32, #tpu.memory_space<vmem_shared>>)
        tpu.yield
      }) : () -> ()
    }
    %scan3A_9 = arith.constant 20 : i32
    %barrier3A_10 = arith.constant 0 : index
    tpu.barrier barrier_id(%barrier3A_10)
    %mul3A_11 = arith.constant 10240 : i32
    %mul3A_12 = arith.muli %arg0, %mul3A_11 : i32
    %add3A_13 = arith.addi %mul3A_12, %mul3A_2 : i32
    "tpu.region"() ({
      %run_scoped3A = tpu.sem_alloc : memref<!tpu.dma_semaphore, #tpu.memory_space<semaphore_mem>>
      %dma_start3A = arith.constant 0 : i32
      %dma_start3A_14 = tpu.memref_slice %arg5[%add3A_13, %dma_start3A] : memref<20480x32xf32, #tpu.memory_space<hbm>> -> memref<640x32xf32, #tpu.memory_space<hbm>>
      %dma_start3A_15 = arith.constant 0 : i32
      %dma_start3A_16 = tpu.memref_slice %arg6[%mul3A_2, %dma_start3A_15] : memref<10240x32xf32, #tpu.memory_space<vmem_shared>> -> memref<640x32xf32, #tpu.memory_space<vmem_shared>>
      tpu.enqueue_dma source(%dma_start3A_16 : memref<640x32xf32, #tpu.memory_space<vmem_shared>>) target(%dma_start3A_14 : memref<640x32xf32, #tpu.memory_space<hbm>>) target_semaphore(%run_scoped3A : memref<!tpu.dma_semaphore, #tpu.memory_space<semaphore_mem>>)
      %dma_wait3A = arith.constant 0 : i32
      %dma_wait3A_17 = tpu.memref_slice %arg5[%add3A_13, %dma_wait3A] : memref<20480x32xf32, #tpu.memory_space<hbm>> -> memref<640x32xf32, #tpu.memory_space<hbm>>
      %dma_wait3A_18 = arith.constant 0 : i32
      %dma_wait3A_19 = tpu.memref_slice %arg6[%mul3A_2, %dma_wait3A_18] : memref<10240x32xf32, #tpu.memory_space<vmem_shared>> -> memref<640x32xf32, #tpu.memory_space<vmem_shared>>
      tpu.wait_dma2 semaphore(%run_scoped3A : memref<!tpu.dma_semaphore, #tpu.memory_space<semaphore_mem>>) src(%dma_wait3A_19 : memref<640x32xf32, #tpu.memory_space<vmem_shared>>) dst(%dma_wait3A_17 : memref<640x32xf32, #tpu.memory_space<hbm>>)
      tpu.yield
    }) : () -> ()
    return
  }
}

#map = affine_map<(d0, d1) -> (0, 0)>
#map1 = affine_map<(d0, d1) -> (0)>
module attributes {stable_mosaic.version = 14 : i64} {
  func.func @k(%arg0: i32, %arg1: i32, %arg2: memref<10240x32xf32, #tpu.memory_space<hbm>>, %arg3: memref<10240xi32, #tpu.memory_space<hbm>>, %arg4: memref<512x32xf32, #tpu.memory_space<hbm>>, %arg5: memref<1024x32xf32, #tpu.memory_space<hbm>>, %arg6: memref<512x32xf32, #tpu.memory_space<vmem_shared>>, %arg7: memref<64x32xf32, #tpu.memory_space<vmem>>, %arg8: memref<64xi32, #tpu.memory_space<vmem>>) attributes {dimension_semantics = [#tpu.dimension_semantics<core_parallel>, #tpu.dimension_semantics<subcore_parallel>], iteration_bounds = array<i64: 2, 16>, scalar_prefetch = 0 : i64, scratch_operands = 3 : i64, tpu.core_type = #tpu.core_type<sc_vector_subcore>, window_params = [{transform_indices = #map}, {transform_indices = #map1}, {transform_indices = #map}, {transform_indices = #map}]} {
    %mul3A = arith.constant 2 : i32
    %mul3A_0 = arith.muli %arg1, %mul3A : i32
    %add3A = arith.addi %mul3A_0, %arg0 : i32
    %mul3A_1 = arith.constant 32 : i32
    %mul3A_2 = arith.muli %arg1, %mul3A_1 : i32
    "tpu.region"() ({
      %run_scoped3A = tpu.sem_alloc : memref<!tpu.dma_semaphore, #tpu.memory_space<semaphore_mem>>
      %dma_start3A = arith.constant 0 : i32
      %dma_start3A_14 = tpu.memref_slice %arg6[%mul3A_2, %dma_start3A] : memref<512x32xf32, #tpu.memory_space<vmem_shared>> -> memref<32x32xf32, #tpu.memory_space<vmem_shared>>
      %dma_start3A_15 = arith.constant 0 : i32
      %dma_start3A_16 = tpu.memref_slice %arg4[%mul3A_2, %dma_start3A_15] : memref<512x32xf32, #tpu.memory_space<hbm>> -> memref<32x32xf32, #tpu.memory_space<hbm>>
      tpu.enqueue_dma source(%dma_start3A_16 : memref<32x32xf32, #tpu.memory_space<hbm>>) target(%dma_start3A_14 : memref<32x32xf32, #tpu.memory_space<vmem_shared>>) target_semaphore(%run_scoped3A : memref<!tpu.dma_semaphore, #tpu.memory_space<semaphore_mem>>)
      %dma_wait3A = arith.constant 0 : i32
      %dma_wait3A_17 = tpu.memref_slice %arg6[%mul3A_2, %dma_wait3A] : memref<512x32xf32, #tpu.memory_space<vmem_shared>> -> memref<32x32xf32, #tpu.memory_space<vmem_shared>>
      %dma_wait3A_18 = arith.constant 0 : i32
      %dma_wait3A_19 = tpu.memref_slice %arg4[%mul3A_2, %dma_wait3A_18] : memref<512x32xf32, #tpu.memory_space<hbm>> -> memref<32x32xf32, #tpu.memory_space<hbm>>
      tpu.wait_dma2 semaphore(%run_scoped3A : memref<!tpu.dma_semaphore, #tpu.memory_space<semaphore_mem>>) src(%dma_wait3A_19 : memref<32x32xf32, #tpu.memory_space<hbm>>) dst(%dma_wait3A_17 : memref<32x32xf32, #tpu.memory_space<vmem_shared>>)
      tpu.yield
    }) : () -> ()
    %barrier3A = arith.constant 0 : index
    tpu.barrier barrier_id(%barrier3A)
    %mul3A_3 = arith.constant 320 : i32
    %mul3A_4 = arith.muli %add3A, %mul3A_3 : i32
    %scan3A = arith.constant 0 : i32
    %scan3A_5 = arith.constant 0 : i32
    %scan3A_6 = arith.constant 5 : i32
    %scan3A_7 = arith.addi %scan3A_5, %scan3A_6 : i32
    %scan3A_8 = arith.constant 1 : i32
    scf.for %scan3A_14 = %scan3A_5 to %scan3A_7 step %scan3A_8  : i32 {
      %mul3A_15 = arith.constant 64 : i32
      %mul3A_16 = arith.muli %scan3A_14, %mul3A_15 : i32
      %add3A_17 = arith.addi %mul3A_4, %mul3A_16 : i32
      "tpu.region"() ({
        %run_scoped3A = tpu.sem_alloc : memref<!tpu.dma_semaphore, #tpu.memory_space<semaphore_mem>>
        %dma_start3A = arith.constant 0 : i32
        %dma_start3A_18 = tpu.memref_slice %arg2[%add3A_17, %dma_start3A] : memref<10240x32xf32, #tpu.memory_space<hbm>> -> memref<64x32xf32, #tpu.memory_space<hbm>>
        %dma_start3A_19 = arith.constant 0 : i32
        %dma_start3A_20 = tpu.memref_slice %arg2[%add3A_17, %dma_start3A_19] : memref<10240x32xf32, #tpu.memory_space<hbm>> -> memref<64x32xf32, #tpu.memory_space<hbm>>
        tpu.enqueue_dma source(%dma_start3A_20 : memref<64x32xf32, #tpu.memory_space<hbm>>) target(%arg7 : memref<64x32xf32, #tpu.memory_space<vmem>>) target_semaphore(%run_scoped3A : memref<!tpu.dma_semaphore, #tpu.memory_space<semaphore_mem>>)
        %dma_wait3A = arith.constant 0 : i32
        %dma_wait3A_21 = tpu.memref_slice %arg2[%add3A_17, %dma_wait3A] : memref<10240x32xf32, #tpu.memory_space<hbm>> -> memref<64x32xf32, #tpu.memory_space<hbm>>
        %dma_wait3A_22 = arith.constant 0 : i32
        %dma_wait3A_23 = tpu.memref_slice %arg2[%add3A_17, %dma_wait3A_22] : memref<10240x32xf32, #tpu.memory_space<hbm>> -> memref<64x32xf32, #tpu.memory_space<hbm>>
        tpu.wait_dma2 semaphore(%run_scoped3A : memref<!tpu.dma_semaphore, #tpu.memory_space<semaphore_mem>>) src(%dma_wait3A_23 : memref<64x32xf32, #tpu.memory_space<hbm>>) dst(%arg7 : memref<64x32xf32, #tpu.memory_space<vmem>>)
        tpu.yield
      }) : () -> ()
      "tpu.region"() ({
        %run_scoped3A = tpu.sem_alloc : memref<!tpu.dma_semaphore, #tpu.memory_space<semaphore_mem>>
        %dma_start3A = tpu.memref_slice %arg3[%add3A_17] : memref<10240xi32, #tpu.memory_space<hbm>> -> memref<64xi32, #tpu.memory_space<hbm>>
        %dma_start3A_18 = tpu.memref_slice %arg3[%add3A_17] : memref<10240xi32, #tpu.memory_space<hbm>> -> memref<64xi32, #tpu.memory_space<hbm>>
        tpu.enqueue_dma source(%dma_start3A_18 : memref<64xi32, #tpu.memory_space<hbm>>) target(%arg8 : memref<64xi32, #tpu.memory_space<vmem>>) target_semaphore(%run_scoped3A : memref<!tpu.dma_semaphore, #tpu.memory_space<semaphore_mem>>)
        %dma_wait3A = tpu.memref_slice %arg3[%add3A_17] : memref<10240xi32, #tpu.memory_space<hbm>> -> memref<64xi32, #tpu.memory_space<hbm>>
        %dma_wait3A_19 = tpu.memref_slice %arg3[%add3A_17] : memref<10240xi32, #tpu.memory_space<hbm>> -> memref<64xi32, #tpu.memory_space<hbm>>
        tpu.wait_dma2 semaphore(%run_scoped3A : memref<!tpu.dma_semaphore, #tpu.memory_space<semaphore_mem>>) src(%dma_wait3A_19 : memref<64xi32, #tpu.memory_space<hbm>>) dst(%arg8 : memref<64xi32, #tpu.memory_space<vmem>>)
        tpu.yield
      }) : () -> ()
      "tpu.region"() ({
        %run_scoped3A = tpu.sem_alloc : memref<!tpu.dma_semaphore, #tpu.memory_space<semaphore_mem>>
        %dma_start3A = arith.constant 0 : i32
        %dma_start3A_18 = arith.constant 0 : i32
        %dma_start3A_19 = tpu.memref_slice %arg6[%dma_start3A, %dma_start3A_18] : memref<512x32xf32, #tpu.memory_space<vmem_shared>> -> memref<512x32xf32, #tpu.memory_space<vmem_shared>>
        tpu.enqueue_indirect_dma source(%arg7 : memref<64x32xf32, #tpu.memory_space<vmem>>) target(%dma_start3A_19 : memref<512x32xf32, #tpu.memory_space<vmem_shared>>) offsets(%arg8 : memref<64xi32, #tpu.memory_space<vmem>>) semaphore(%run_scoped3A : memref<!tpu.dma_semaphore, #tpu.memory_space<semaphore_mem>>) {add = true}
        %dma_wait3A = arith.constant 0 : i32
        %dma_wait3A_20 = arith.constant 0 : i32
        %dma_wait3A_21 = tpu.memref_slice %arg6[%dma_wait3A, %dma_wait3A_20] : memref<512x32xf32, #tpu.memory_space<vmem_shared>> -> memref<512x32xf32, #tpu.memory_space<vmem_shared>>
        tpu.wait_indirect_dma semaphore(%run_scoped3A : memref<!tpu.dma_semaphore, #tpu.memory_space<semaphore_mem>>) src(%arg7 : memref<64x32xf32, #tpu.memory_space<vmem>>) dst(%dma_wait3A_21 : memref<512x32xf32, #tpu.memory_space<vmem_shared>>)
        tpu.yield
      }) : () -> ()
    }
    %scan3A_9 = arith.constant 5 : i32
    %barrier3A_10 = arith.constant 0 : index
    tpu.barrier barrier_id(%barrier3A_10)
    %mul3A_11 = arith.constant 512 : i32
    %mul3A_12 = arith.muli %arg0, %mul3A_11 : i32
    %add3A_13 = arith.addi %mul3A_12, %mul3A_2 : i32
    "tpu.region"() ({
      %run_scoped3A = tpu.sem_alloc : memref<!tpu.dma_semaphore, #tpu.memory_space<semaphore_mem>>
      %dma_start3A = arith.constant 0 : i32
      %dma_start3A_14 = tpu.memref_slice %arg5[%add3A_13, %dma_start3A] : memref<1024x32xf32, #tpu.memory_space<hbm>> -> memref<32x32xf32, #tpu.memory_space<hbm>>
      %dma_start3A_15 = arith.constant 0 : i32
      %dma_start3A_16 = tpu.memref_slice %arg6[%mul3A_2, %dma_start3A_15] : memref<512x32xf32, #tpu.memory_space<vmem_shared>> -> memref<32x32xf32, #tpu.memory_space<vmem_shared>>
      tpu.enqueue_dma source(%dma_start3A_16 : memref<32x32xf32, #tpu.memory_space<vmem_shared>>) target(%dma_start3A_14 : memref<32x32xf32, #tpu.memory_space<hbm>>) target_semaphore(%run_scoped3A : memref<!tpu.dma_semaphore, #tpu.memory_space<semaphore_mem>>)
      %dma_wait3A = arith.constant 0 : i32
      %dma_wait3A_17 = tpu.memref_slice %arg5[%add3A_13, %dma_wait3A] : memref<1024x32xf32, #tpu.memory_space<hbm>> -> memref<32x32xf32, #tpu.memory_space<hbm>>
      %dma_wait3A_18 = arith.constant 0 : i32
      %dma_wait3A_19 = tpu.memref_slice %arg6[%mul3A_2, %dma_wait3A_18] : memref<512x32xf32, #tpu.memory_space<vmem_shared>> -> memref<32x32xf32, #tpu.memory_space<vmem_shared>>
      tpu.wait_dma2 semaphore(%run_scoped3A : memref<!tpu.dma_semaphore, #tpu.memory_space<semaphore_mem>>) src(%dma_wait3A_19 : memref<32x32xf32, #tpu.memory_space<vmem_shared>>) dst(%dma_wait3A_17 : memref<32x32xf32, #tpu.memory_space<hbm>>)
      tpu.yield
    }) : () -> ()
    return
  }
}

module attributes {stable_mosaic.version = 14 : i64} {
  func.func @_init_body(%arg0: memref<10240x32xf32, #tpu.memory_space<vmem>>, %arg1: memref<32x32xf32, #tpu.memory_space<vmem>>, %arg2: memref<20000x32xf32, #tpu.memory_space<vmem>>) attributes {dimension_semantics = [], scalar_prefetch = 0 : i64, scratch_operands = 0 : i64, tpu.core_type = #tpu.core_type<tc>} {
    %get3A = arith.constant 0 : index
    %get3A_0 = arith.constant 0 : index
    %get3A_1 = vector.load %arg0[%get3A, %get3A_0] : memref<10240x32xf32, #tpu.memory_space<vmem>>, vector<10000x32xf32>
    %swap3A = arith.constant 0 : index
    %swap3A_2 = arith.constant 0 : index
    %swap3A_3 = vector.load %arg2[%swap3A, %swap3A_2] : memref<20000x32xf32, #tpu.memory_space<vmem>>, vector<10000x32xf32>
    tpu.vector_store %arg2[%swap3A, %swap3A_2], %get3A_1 {strides = array<i32>} : memref<20000x32xf32, #tpu.memory_space<vmem>>, vector<10000x32xf32>,
    %get3A_4 = arith.constant 0 : index
    %get3A_5 = arith.constant 0 : index
    %get3A_6 = vector.load %arg1[%get3A_4, %get3A_5] : memref<32x32xf32, #tpu.memory_space<vmem>>, vector<32x32xf32>
    %dot_general3A = arith.constant dense<0.000000e+00> : vector<10000x32xf32>
    %dot_general3A_7 = tpu.matmul %get3A_1, %get3A_6, %dot_general3A {dimension_numbers = #tpu.dot_dimension_numbers<[1], [0], [0], [1], [0, 0, 1, 1], [], []>, transpose_lhs_hint = false} : vector<10000x32xf32>, vector<32x32xf32>, vector<10000x32xf32> -> vector<10000x32xf32>
    %swap3A_8 = arith.constant 10000 : index
    %swap3A_9 = arith.constant 0 : index
    %swap3A_10 = vector.load %arg2[%swap3A_8, %swap3A_9] : memref<20000x32xf32, #tpu.memory_space<vmem>>, vector<10000x32xf32>
    tpu.vector_store %arg2[%swap3A_8, %swap3A_9], %dot_general3A_7 {strides = array<i32>} : memref<20000x32xf32, #tpu.memory_space<vmem>>, vector<10000x32xf32>,
    return
  }
}

module attributes {stable_mosaic.version = 14 : i64} {
  func.func @_edge_body(%arg0: i32, %arg1: memref<1280x8xf32, #tpu.memory_space<vmem>>, %arg2: memref<1280x32xf32, #tpu.memory_space<vmem>>, %arg3: memref<1280x32xf32, #tpu.memory_space<vmem>>, %arg4: memref<16x32xf32, #tpu.memory_space<vmem>>, %arg5: memref<32x1024xf32, #tpu.memory_space<vmem>>, %arg6: memref<1280x32xf32, #tpu.memory_space<vmem>>) attributes {dimension_semantics = [#tpu.dimension_semantics<arbitrary>], iteration_bounds = array<i64: 64>, scalar_prefetch = 0 : i64, scratch_operands = 0 : i64, tpu.core_type = #tpu.core_type<tc>, window_params = [{transform_indices = @transform_0, window_bounds = array<i64: 1280, 8>}, {transform_indices = @transform_1, window_bounds = array<i64: 1280, 32>}, {transform_indices = @transform_2, window_bounds = array<i64: 1280, 32>}, {pipeline_mode = #tpu.pipeline_mode<synchronous>, transform_indices = @transform_3, window_bounds = array<i64: 16, 32>}, {pipeline_mode = #tpu.pipeline_mode<synchronous>, transform_indices = @transform_4, window_bounds = array<i64: 32, 1024>}, {transform_indices = @transform_5, window_bounds = array<i64: 1280, 32>}]} {
    %get3A = arith.constant 0 : index
    %get3A_0 = arith.constant 0 : index
    %get3A_1 = vector.load %arg1[%get3A, %get3A_0] : memref<1280x8xf32, #tpu.memory_space<vmem>>, vector<1280x8xf32>
    %mul3A = arith.mulf %get3A_1, %get3A_1 : vector<1280x8xf32>
    %reduce_sum3A = arith.constant dense<0.000000e+00> : vector<1280xf32>
    %reduce_sum3A_2 = vector.multi_reduction <add>, %mul3A, %reduce_sum3A [1] : vector<1280x8xf32> to vector<1280xf32>
    %broadcast_in_dim3A = vector.shape_cast %reduce_sum3A_2 : vector<1280xf32> to vector<1280x1xf32>
    %add3A = arith.constant 1.000000e-24 : f32
    %add3A_3 = vector.broadcast %add3A : f32 to vector<1280x1xf32>
    %add3A_4 = arith.addf %broadcast_in_dim3A, %add3A_3 : vector<1280x1xf32>
    %sqrt3A = math.sqrt %add3A_4 : vector<1280x1xf32>
    %iota3A = tpu.iota {dimensions = array<i32: 1>} : vector<1280x16xi32>
    %convert_element_type3A = arith.sitofp %iota3A : vector<1280x16xi32> to vector<1280x16xf32>
    %div3A = arith.constant 0.181818187 : f32
    %div3A_5 = vector.broadcast %div3A : f32 to vector<1280x1xf32>
    %div3A_6 = arith.divf %sqrt3A, %div3A_5 : vector<1280x1xf32>
    %add3A_7 = arith.constant 1.000000e+00 : f32
    %add3A_8 = vector.broadcast %add3A_7 : f32 to vector<1280x16xf32>
    %add3A_9 = arith.addf %convert_element_type3A, %add3A_8 : vector<1280x16xf32>
    %sub3A = vector.broadcast %div3A_6 : vector<1280x1xf32> to vector<1280x16xf32>
    %sub3A_10 = arith.subf %sub3A, %add3A_9 : vector<1280x16xf32>
    %add3A_11 = arith.constant 1.000000e+00 : f32
    %add3A_12 = vector.broadcast %add3A_11 : f32 to vector<1280x16xf32>
    %add3A_13 = arith.addf %sub3A_10, %add3A_12 : vector<1280x16xf32>
    %gt3A = arith.constant 0.000000e+00 : f32
    %gt3A_14 = vector.broadcast %gt3A : f32 to vector<1280x16xf32>
    %gt3A_15 = arith.cmpf ogt, %add3A_13, %gt3A_14 : vector<1280x16xf32>
    %jit3A = arith.constant 1.000000e+00 : f32
    %broadcast_in_dim3A_16 = vector.broadcast %jit3A : f32 to vector<1280x16xf32>
    %select_n3A = arith.select %gt3A_15, %add3A_13, %broadcast_in_dim3A_16 : vector<1280x16xi1>, vector<1280x16xf32>
    %gt3A_17 = arith.constant 0.000000e+00 : f32
    %gt3A_18 = vector.broadcast %gt3A_17 : f32 to vector<1280x16xf32>
    %gt3A_19 = arith.cmpf ogt, %add3A_13, %gt3A_18 : vector<1280x16xf32>
    %div3A_20 = arith.constant -1.000000e+00 : f32
    %div3A_21 = vector.broadcast %div3A_20 : f32 to vector<1280x16xf32>
    %div3A_22 = arith.divf %div3A_21, %select_n3A : vector<1280x16xf32>
    %exp3A = math.exp %div3A_22 : vector<1280x16xf32>
    %jit3A_23 = arith.constant 0.000000e+00 : f32
    %broadcast_in_dim3A_24 = vector.broadcast %jit3A_23 : f32 to vector<1280x16xf32>
    %select_n3A_25 = arith.select %gt3A_19, %exp3A, %broadcast_in_dim3A_24 : vector<1280x16xi1>, vector<1280x16xf32>
    %mul3A_26 = arith.constant 8.43357276 : f32
    %mul3A_27 = vector.broadcast %mul3A_26 : f32 to vector<1280x16xf32>
    %mul3A_28 = arith.mulf %mul3A_27, %select_n3A_25 : vector<1280x16xf32>
    %sub3A_29 = arith.constant 1.000000e+00 : f32
    %sub3A_30 = vector.broadcast %sub3A_29 : f32 to vector<1280x16xf32>
    %sub3A_31 = arith.subf %sub3A_30, %sub3A_10 : vector<1280x16xf32>
    %gt3A_32 = arith.constant 0.000000e+00 : f32
    %gt3A_33 = vector.broadcast %gt3A_32 : f32 to vector<1280x16xf32>
    %gt3A_34 = arith.cmpf ogt, %sub3A_31, %gt3A_33 : vector<1280x16xf32>
    %jit3A_35 = arith.constant 1.000000e+00 : f32
    %broadcast_in_dim3A_36 = vector.broadcast %jit3A_35 : f32 to vector<1280x16xf32>
    %select_n3A_37 = arith.select %gt3A_34, %sub3A_31, %broadcast_in_dim3A_36 : vector<1280x16xi1>, vector<1280x16xf32>
    %gt3A_38 = arith.constant 0.000000e+00 : f32
    %gt3A_39 = vector.broadcast %gt3A_38 : f32 to vector<1280x16xf32>
    %gt3A_40 = arith.cmpf ogt, %sub3A_31, %gt3A_39 : vector<1280x16xf32>
    %div3A_41 = arith.constant -1.000000e+00 : f32
    %div3A_42 = vector.broadcast %div3A_41 : f32 to vector<1280x16xf32>
    %div3A_43 = arith.divf %div3A_42, %select_n3A_37 : vector<1280x16xf32>
    %exp3A_44 = math.exp %div3A_43 : vector<1280x16xf32>
    %jit3A_45 = arith.constant 0.000000e+00 : f32
    %broadcast_in_dim3A_46 = vector.broadcast %jit3A_45 : f32 to vector<1280x16xf32>
    %select_n3A_47 = arith.select %gt3A_40, %exp3A_44, %broadcast_in_dim3A_46 : vector<1280x16xi1>, vector<1280x16xf32>
    %mul3A_48 = arith.mulf %mul3A_28, %select_n3A_47 : vector<1280x16xf32>
    %lt3A = arith.constant 10 : i32
    %lt3A_49 = vector.broadcast %lt3A : i32 to vector<1280x16xi32>
    %lt3A_50 = arith.cmpi slt, %iota3A, %lt3A_49 : vector<1280x16xi32>
    %jit3A_51 = arith.constant 0.000000e+00 : f32
    %broadcast_in_dim3A_52 = vector.broadcast %jit3A_51 : f32 to vector<1280x16xf32>
    %select_n3A_53 = arith.select %lt3A_50, %mul3A_48, %broadcast_in_dim3A_52 : vector<1280x16xi1>, vector<1280x16xf32>
    %div3A_54 = arith.constant 2.000000e+00 : f32
    %div3A_55 = vector.broadcast %div3A_54 : f32 to vector<1280x1xf32>
    %div3A_56 = arith.divf %sqrt3A, %div3A_55 : vector<1280x1xf32>
    %sub3A_57 = arith.constant 1.000000e+00 : f32
    %sub3A_58 = vector.broadcast %sub3A_57 : f32 to vector<1280x1xf32>
    %sub3A_59 = arith.subf %sub3A_58, %div3A_56 : vector<1280x1xf32>
    %mul3A_60 = arith.constant 1.000000e+01 : f32
    %mul3A_61 = vector.broadcast %mul3A_60 : f32 to vector<1280x1xf32>
    %mul3A_62 = arith.mulf %mul3A_61, %sub3A_59 : vector<1280x1xf32>
    %gt3A_63 = arith.constant 0.000000e+00 : f32
    %gt3A_64 = vector.broadcast %gt3A_63 : f32 to vector<1280x1xf32>
    %gt3A_65 = arith.cmpf ogt, %mul3A_62, %gt3A_64 : vector<1280x1xf32>
    %jit3A_66 = arith.constant 1.000000e+00 : f32
    %broadcast_in_dim3A_67 = vector.broadcast %jit3A_66 : f32 to vector<1280x1xf32>
    %select_n3A_68 = arith.select %gt3A_65, %mul3A_62, %broadcast_in_dim3A_67 : vector<1280x1xi1>, vector<1280x1xf32>
    %gt3A_69 = arith.constant 0.000000e+00 : f32
    %gt3A_70 = vector.broadcast %gt3A_69 : f32 to vector<1280x1xf32>
    %gt3A_71 = arith.cmpf ogt, %mul3A_62, %gt3A_70 : vector<1280x1xf32>
    %div3A_72 = arith.constant -1.000000e+00 : f32
    %div3A_73 = vector.broadcast %div3A_72 : f32 to vector<1280x1xf32>
    %div3A_74 = arith.divf %div3A_73, %select_n3A_68 : vector<1280x1xf32>
    %exp3A_75 = math.exp %div3A_74 : vector<1280x1xf32>
    %jit3A_76 = arith.constant 0.000000e+00 : f32
    %broadcast_in_dim3A_77 = vector.broadcast %jit3A_76 : f32 to vector<1280x1xf32>
    %select_n3A_78 = arith.select %gt3A_71, %exp3A_75, %broadcast_in_dim3A_77 : vector<1280x1xi1>, vector<1280x1xf32>
    %get3A_79 = arith.constant 0 : index
    %get3A_80 = arith.constant 0 : index
    %get3A_81 = vector.load %arg4[%get3A_79, %get3A_80] : memref<16x32xf32, #tpu.memory_space<vmem>>, vector<16x32xf32>
    %dot_general3A = arith.constant dense<0.000000e+00> : vector<1280x32xf32>
    %dot_general3A_82 = tpu.matmul %select_n3A_53, %get3A_81, %dot_general3A {dimension_numbers = #tpu.dot_dimension_numbers<[1], [0], [0], [1], [0, 0, 1, 1], [], []>, transpose_lhs_hint = false} : vector<1280x16xf32>, vector<16x32xf32>, vector<1280x32xf32> -> vector<1280x32xf32>
    %neg3A = arith.constant 0.000000e+00 : f32
    %neg3A_83 = vector.broadcast %neg3A : f32 to vector<1280x32xf32>
    %neg3A_84 = arith.subf %neg3A_83, %dot_general3A_82 : vector<1280x32xf32>
    %exp3A_85 = math.exp %neg3A_84 : vector<1280x32xf32>
    %add3A_86 = arith.constant 1.000000e+00 : f32
    %add3A_87 = vector.broadcast %add3A_86 : f32 to vector<1280x32xf32>
    %add3A_88 = arith.addf %add3A_87, %exp3A_85 : vector<1280x32xf32>
    %div3A_89 = arith.constant 1.000000e+00 : f32
    %div3A_90 = vector.broadcast %div3A_89 : f32 to vector<1280x32xf32>
    %div3A_91 = arith.divf %div3A_90, %add3A_88 : vector<1280x32xf32>
    %mul3A_92 = arith.mulf %dot_general3A_82, %div3A_91 : vector<1280x32xf32>
    %mul3A_93 = arith.constant 1.679000e+00 : f32
    %mul3A_94 = vector.broadcast %mul3A_93 : f32 to vector<1280x32xf32>
    %mul3A_95 = arith.mulf %mul3A_92, %mul3A_94 : vector<1280x32xf32>
    %get3A_96 = arith.constant 0 : index
    %get3A_97 = arith.constant 0 : index
    %get3A_98 = vector.load %arg2[%get3A_96, %get3A_97] : memref<1280x32xf32, #tpu.memory_space<vmem>>, vector<1280x32xf32>
    %get3A_99 = arith.constant 0 : index
    %get3A_100 = arith.constant 0 : index
    %get3A_101 = vector.load %arg5[%get3A_99, %get3A_100] : memref<32x1024xf32, #tpu.memory_space<vmem>>, vector<32x1024xf32>
    %dot_general3A_102 = arith.constant dense<0.000000e+00> : vector<1280x1024xf32>
    %dot_general3A_103 = tpu.matmul %get3A_98, %get3A_101, %dot_general3A_102 {dimension_numbers = #tpu.dot_dimension_numbers<[1], [0], [0], [1], [0, 0, 1, 1], [], []>, transpose_lhs_hint = false} : vector<1280x32xf32>, vector<32x1024xf32>, vector<1280x1024xf32> -> vector<1280x1024xf32>
    %broadcast_in_dim3A_104 = arith.constant 0.000000e+00 : f32
    %broadcast_in_dim3A_105 = vector.broadcast %broadcast_in_dim3A_104 : f32 to vector<1280x32xf32>
    %broadcast_in_dim3A_106 = arith.constant 0.000000e+00 : f32
    %broadcast_in_dim3A_107 = vector.broadcast %broadcast_in_dim3A_106 : f32 to vector<1280x32xf32>
    %slice3A = vector.extract_strided_slice %mul3A_95 {offsets = [0, 0], sizes = [1280, 1], strides = [1, 1]} : vector<1280x32xf32> to vector<1280x1xf32>
    %slice3A_108 = vector.extract_strided_slice %dot_general3A_103 {offsets = [0, 0], sizes = [1280, 32], strides = [1, 1]} : vector<1280x1024xf32> to vector<1280x32xf32>
    %mul3A_109 = vector.broadcast %slice3A : vector<1280x1xf32> to vector<1280x32xf32>
    %mul3A_110 = arith.mulf %mul3A_109, %slice3A_108 : vector<1280x32xf32>
    %add3A_111 = arith.addf %broadcast_in_dim3A_105, %mul3A_110 : vector<1280x32xf32>
    %slice3A_112 = vector.extract_strided_slice %mul3A_95 {offsets = [0, 16], sizes = [1280, 1], strides = [1, 1]} : vector<1280x32xf32> to vector<1280x1xf32>
    %slice3A_113 = vector.extract_strided_slice %dot_general3A_103 {offsets = [0, 512], sizes = [1280, 32], strides = [1, 1]} : vector<1280x1024xf32> to vector<1280x32xf32>
    %mul3A_114 = vector.broadcast %slice3A_112 : vector<1280x1xf32> to vector<1280x32xf32>
    %mul3A_115 = arith.mulf %mul3A_114, %slice3A_113 : vector<1280x32xf32>
    %add3A_116 = arith.addf %broadcast_in_dim3A_107, %mul3A_115 : vector<1280x32xf32>
    %slice3A_117 = vector.extract_strided_slice %mul3A_95 {offsets = [0, 1], sizes = [1280, 1], strides = [1, 1]} : vector<1280x32xf32> to vector<1280x1xf32>
    %slice3A_118 = vector.extract_strided_slice %dot_general3A_103 {offsets = [0, 32], sizes = [1280, 32], strides = [1, 1]} : vector<1280x1024xf32> to vector<1280x32xf32>
    %mul3A_119 = vector.broadcast %slice3A_117 : vector<1280x1xf32> to vector<1280x32xf32>
    %mul3A_120 = arith.mulf %mul3A_119, %slice3A_118 : vector<1280x32xf32>
    %add3A_121 = arith.addf %add3A_111, %mul3A_120 : vector<1280x32xf32>
    %slice3A_122 = vector.extract_strided_slice %mul3A_95 {offsets = [0, 17], sizes = [1280, 1], strides = [1, 1]} : vector<1280x32xf32> to vector<1280x1xf32>
    %slice3A_123 = vector.extract_strided_slice %dot_general3A_103 {offsets = [0, 544], sizes = [1280, 32], strides = [1, 1]} : vector<1280x1024xf32> to vector<1280x32xf32>
    %mul3A_124 = vector.broadcast %slice3A_122 : vector<1280x1xf32> to vector<1280x32xf32>
    %mul3A_125 = arith.mulf %mul3A_124, %slice3A_123 : vector<1280x32xf32>
    %add3A_126 = arith.addf %add3A_116, %mul3A_125 : vector<1280x32xf32>
    %slice3A_127 = vector.extract_strided_slice %mul3A_95 {offsets = [0, 2], sizes = [1280, 1], strides = [1, 1]} : vector<1280x32xf32> to vector<1280x1xf32>
    %slice3A_128 = vector.extract_strided_slice %dot_general3A_103 {offsets = [0, 64], sizes = [1280, 32], strides = [1, 1]} : vector<1280x1024xf32> to vector<1280x32xf32>
    %mul3A_129 = vector.broadcast %slice3A_127 : vector<1280x1xf32> to vector<1280x32xf32>
    %mul3A_130 = arith.mulf %mul3A_129, %slice3A_128 : vector<1280x32xf32>
    %add3A_131 = arith.addf %add3A_121, %mul3A_130 : vector<1280x32xf32>
    %slice3A_132 = vector.extract_strided_slice %mul3A_95 {offsets = [0, 18], sizes = [1280, 1], strides = [1, 1]} : vector<1280x32xf32> to vector<1280x1xf32>
    %slice3A_133 = vector.extract_strided_slice %dot_general3A_103 {offsets = [0, 576], sizes = [1280, 32], strides = [1, 1]} : vector<1280x1024xf32> to vector<1280x32xf32>
    %mul3A_134 = vector.broadcast %slice3A_132 : vector<1280x1xf32> to vector<1280x32xf32>
    %mul3A_135 = arith.mulf %mul3A_134, %slice3A_133 : vector<1280x32xf32>
    %add3A_136 = arith.addf %add3A_126, %mul3A_135 : vector<1280x32xf32>
    %slice3A_137 = vector.extract_strided_slice %mul3A_95 {offsets = [0, 3], sizes = [1280, 1], strides = [1, 1]} : vector<1280x32xf32> to vector<1280x1xf32>
    %slice3A_138 = vector.extract_strided_slice %dot_general3A_103 {offsets = [0, 96], sizes = [1280, 32], strides = [1, 1]} : vector<1280x1024xf32> to vector<1280x32xf32>
    %mul3A_139 = vector.broadcast %slice3A_137 : vector<1280x1xf32> to vector<1280x32xf32>
    %mul3A_140 = arith.mulf %mul3A_139, %slice3A_138 : vector<1280x32xf32>
    %add3A_141 = arith.addf %add3A_131, %mul3A_140 : vector<1280x32xf32>
    %slice3A_142 = vector.extract_strided_slice %mul3A_95 {offsets = [0, 19], sizes = [1280, 1], strides = [1, 1]} : vector<1280x32xf32> to vector<1280x1xf32>
    %slice3A_143 = vector.extract_strided_slice %dot_general3A_103 {offsets = [0, 608], sizes = [1280, 32], strides = [1, 1]} : vector<1280x1024xf32> to vector<1280x32xf32>
    %mul3A_144 = vector.broadcast %slice3A_142 : vector<1280x1xf32> to vector<1280x32xf32>
    %mul3A_145 = arith.mulf %mul3A_144, %slice3A_143 : vector<1280x32xf32>
    %add3A_146 = arith.addf %add3A_136, %mul3A_145 : vector<1280x32xf32>
    %slice3A_147 = vector.extract_strided_slice %mul3A_95 {offsets = [0, 4], sizes = [1280, 1], strides = [1, 1]} : vector<1280x32xf32> to vector<1280x1xf32>
    %slice3A_148 = vector.extract_strided_slice %dot_general3A_103 {offsets = [0, 128], sizes = [1280, 32], strides = [1, 1]} : vector<1280x1024xf32> to vector<1280x32xf32>
    %mul3A_149 = vector.broadcast %slice3A_147 : vector<1280x1xf32> to vector<1280x32xf32>
    %mul3A_150 = arith.mulf %mul3A_149, %slice3A_148 : vector<1280x32xf32>
    %add3A_151 = arith.addf %add3A_141, %mul3A_150 : vector<1280x32xf32>
    %slice3A_152 = vector.extract_strided_slice %mul3A_95 {offsets = [0, 20], sizes = [1280, 1], strides = [1, 1]} : vector<1280x32xf32> to vector<1280x1xf32>
    %slice3A_153 = vector.extract_strided_slice %dot_general3A_103 {offsets = [0, 640], sizes = [1280, 32], strides = [1, 1]} : vector<1280x1024xf32> to vector<1280x32xf32>
    %mul3A_154 = vector.broadcast %slice3A_152 : vector<1280x1xf32> to vector<1280x32xf32>
    %mul3A_155 = arith.mulf %mul3A_154, %slice3A_153 : vector<1280x32xf32>
    %add3A_156 = arith.addf %add3A_146, %mul3A_155 : vector<1280x32xf32>
    %slice3A_157 = vector.extract_strided_slice %mul3A_95 {offsets = [0, 5], sizes = [1280, 1], strides = [1, 1]} : vector<1280x32xf32> to vector<1280x1xf32>
    %slice3A_158 = vector.extract_strided_slice %dot_general3A_103 {offsets = [0, 160], sizes = [1280, 32], strides = [1, 1]} : vector<1280x1024xf32> to vector<1280x32xf32>
    %mul3A_159 = vector.broadcast %slice3A_157 : vector<1280x1xf32> to vector<1280x32xf32>
    %mul3A_160 = arith.mulf %mul3A_159, %slice3A_158 : vector<1280x32xf32>
    %add3A_161 = arith.addf %add3A_151, %mul3A_160 : vector<1280x32xf32>
    %slice3A_162 = vector.extract_strided_slice %mul3A_95 {offsets = [0, 21], sizes = [1280, 1], strides = [1, 1]} : vector<1280x32xf32> to vector<1280x1xf32>
    %slice3A_163 = vector.extract_strided_slice %dot_general3A_103 {offsets = [0, 672], sizes = [1280, 32], strides = [1, 1]} : vector<1280x1024xf32> to vector<1280x32xf32>
    %mul3A_164 = vector.broadcast %slice3A_162 : vector<1280x1xf32> to vector<1280x32xf32>
    %mul3A_165 = arith.mulf %mul3A_164, %slice3A_163 : vector<1280x32xf32>
    %add3A_166 = arith.addf %add3A_156, %mul3A_165 : vector<1280x32xf32>
    %slice3A_167 = vector.extract_strided_slice %mul3A_95 {offsets = [0, 6], sizes = [1280, 1], strides = [1, 1]} : vector<1280x32xf32> to vector<1280x1xf32>
    %slice3A_168 = vector.extract_strided_slice %dot_general3A_103 {offsets = [0, 192], sizes = [1280, 32], strides = [1, 1]} : vector<1280x1024xf32> to vector<1280x32xf32>
    %mul3A_169 = vector.broadcast %slice3A_167 : vector<1280x1xf32> to vector<1280x32xf32>
    %mul3A_170 = arith.mulf %mul3A_169, %slice3A_168 : vector<1280x32xf32>
    %add3A_171 = arith.addf %add3A_161, %mul3A_170 : vector<1280x32xf32>
    %slice3A_172 = vector.extract_strided_slice %mul3A_95 {offsets = [0, 22], sizes = [1280, 1], strides = [1, 1]} : vector<1280x32xf32> to vector<1280x1xf32>
    %slice3A_173 = vector.extract_strided_slice %dot_general3A_103 {offsets = [0, 704], sizes = [1280, 32], strides = [1, 1]} : vector<1280x1024xf32> to vector<1280x32xf32>
    %mul3A_174 = vector.broadcast %slice3A_172 : vector<1280x1xf32> to vector<1280x32xf32>
    %mul3A_175 = arith.mulf %mul3A_174, %slice3A_173 : vector<1280x32xf32>
    %add3A_176 = arith.addf %add3A_166, %mul3A_175 : vector<1280x32xf32>
    %slice3A_177 = vector.extract_strided_slice %mul3A_95 {offsets = [0, 7], sizes = [1280, 1], strides = [1, 1]} : vector<1280x32xf32> to vector<1280x1xf32>
    %slice3A_178 = vector.extract_strided_slice %dot_general3A_103 {offsets = [0, 224], sizes = [1280, 32], strides = [1, 1]} : vector<1280x1024xf32> to vector<1280x32xf32>
    %mul3A_179 = vector.broadcast %slice3A_177 : vector<1280x1xf32> to vector<1280x32xf32>
    %mul3A_180 = arith.mulf %mul3A_179, %slice3A_178 : vector<1280x32xf32>
    %add3A_181 = arith.addf %add3A_171, %mul3A_180 : vector<1280x32xf32>
    %slice3A_182 = vector.extract_strided_slice %mul3A_95 {offsets = [0, 23], sizes = [1280, 1], strides = [1, 1]} : vector<1280x32xf32> to vector<1280x1xf32>
    %slice3A_183 = vector.extract_strided_slice %dot_general3A_103 {offsets = [0, 736], sizes = [1280, 32], strides = [1, 1]} : vector<1280x1024xf32> to vector<1280x32xf32>
    %mul3A_184 = vector.broadcast %slice3A_182 : vector<1280x1xf32> to vector<1280x32xf32>
    %mul3A_185 = arith.mulf %mul3A_184, %slice3A_183 : vector<1280x32xf32>
    %add3A_186 = arith.addf %add3A_176, %mul3A_185 : vector<1280x32xf32>
    %slice3A_187 = vector.extract_strided_slice %mul3A_95 {offsets = [0, 8], sizes = [1280, 1], strides = [1, 1]} : vector<1280x32xf32> to vector<1280x1xf32>
    %slice3A_188 = vector.extract_strided_slice %dot_general3A_103 {offsets = [0, 256], sizes = [1280, 32], strides = [1, 1]} : vector<1280x1024xf32> to vector<1280x32xf32>
    %mul3A_189 = vector.broadcast %slice3A_187 : vector<1280x1xf32> to vector<1280x32xf32>
    %mul3A_190 = arith.mulf %mul3A_189, %slice3A_188 : vector<1280x32xf32>
    %add3A_191 = arith.addf %add3A_181, %mul3A_190 : vector<1280x32xf32>
    %slice3A_192 = vector.extract_strided_slice %mul3A_95 {offsets = [0, 24], sizes = [1280, 1], strides = [1, 1]} : vector<1280x32xf32> to vector<1280x1xf32>
    %slice3A_193 = vector.extract_strided_slice %dot_general3A_103 {offsets = [0, 768], sizes = [1280, 32], strides = [1, 1]} : vector<1280x1024xf32> to vector<1280x32xf32>
    %mul3A_194 = vector.broadcast %slice3A_192 : vector<1280x1xf32> to vector<1280x32xf32>
    %mul3A_195 = arith.mulf %mul3A_194, %slice3A_193 : vector<1280x32xf32>
    %add3A_196 = arith.addf %add3A_186, %mul3A_195 : vector<1280x32xf32>
    %slice3A_197 = vector.extract_strided_slice %mul3A_95 {offsets = [0, 9], sizes = [1280, 1], strides = [1, 1]} : vector<1280x32xf32> to vector<1280x1xf32>
    %slice3A_198 = vector.extract_strided_slice %dot_general3A_103 {offsets = [0, 288], sizes = [1280, 32], strides = [1, 1]} : vector<1280x1024xf32> to vector<1280x32xf32>
    %mul3A_199 = vector.broadcast %slice3A_197 : vector<1280x1xf32> to vector<1280x32xf32>
    %mul3A_200 = arith.mulf %mul3A_199, %slice3A_198 : vector<1280x32xf32>
    %add3A_201 = arith.addf %add3A_191, %mul3A_200 : vector<1280x32xf32>
    %slice3A_202 = vector.extract_strided_slice %mul3A_95 {offsets = [0, 25], sizes = [1280, 1], strides = [1, 1]} : vector<1280x32xf32> to vector<1280x1xf32>
    %slice3A_203 = vector.extract_strided_slice %dot_general3A_103 {offsets = [0, 800], sizes = [1280, 32], strides = [1, 1]} : vector<1280x1024xf32> to vector<1280x32xf32>
    %mul3A_204 = vector.broadcast %slice3A_202 : vector<1280x1xf32> to vector<1280x32xf32>
    %mul3A_205 = arith.mulf %mul3A_204, %slice3A_203 : vector<1280x32xf32>
    %add3A_206 = arith.addf %add3A_196, %mul3A_205 : vector<1280x32xf32>
    %slice3A_207 = vector.extract_strided_slice %mul3A_95 {offsets = [0, 10], sizes = [1280, 1], strides = [1, 1]} : vector<1280x32xf32> to vector<1280x1xf32>
    %slice3A_208 = vector.extract_strided_slice %dot_general3A_103 {offsets = [0, 320], sizes = [1280, 32], strides = [1, 1]} : vector<1280x1024xf32> to vector<1280x32xf32>
    %mul3A_209 = vector.broadcast %slice3A_207 : vector<1280x1xf32> to vector<1280x32xf32>
    %mul3A_210 = arith.mulf %mul3A_209, %slice3A_208 : vector<1280x32xf32>
    %add3A_211 = arith.addf %add3A_201, %mul3A_210 : vector<1280x32xf32>
    %slice3A_212 = vector.extract_strided_slice %mul3A_95 {offsets = [0, 26], sizes = [1280, 1], strides = [1, 1]} : vector<1280x32xf32> to vector<1280x1xf32>
    %slice3A_213 = vector.extract_strided_slice %dot_general3A_103 {offsets = [0, 832], sizes = [1280, 32], strides = [1, 1]} : vector<1280x1024xf32> to vector<1280x32xf32>
    %mul3A_214 = vector.broadcast %slice3A_212 : vector<1280x1xf32> to vector<1280x32xf32>
    %mul3A_215 = arith.mulf %mul3A_214, %slice3A_213 : vector<1280x32xf32>
    %add3A_216 = arith.addf %add3A_206, %mul3A_215 : vector<1280x32xf32>
    %slice3A_217 = vector.extract_strided_slice %mul3A_95 {offsets = [0, 11], sizes = [1280, 1], strides = [1, 1]} : vector<1280x32xf32> to vector<1280x1xf32>
    %slice3A_218 = vector.extract_strided_slice %dot_general3A_103 {offsets = [0, 352], sizes = [1280, 32], strides = [1, 1]} : vector<1280x1024xf32> to vector<1280x32xf32>
    %mul3A_219 = vector.broadcast %slice3A_217 : vector<1280x1xf32> to vector<1280x32xf32>
    %mul3A_220 = arith.mulf %mul3A_219, %slice3A_218 : vector<1280x32xf32>
    %add3A_221 = arith.addf %add3A_211, %mul3A_220 : vector<1280x32xf32>
    %slice3A_222 = vector.extract_strided_slice %mul3A_95 {offsets = [0, 27], sizes = [1280, 1], strides = [1, 1]} : vector<1280x32xf32> to vector<1280x1xf32>
    %slice3A_223 = vector.extract_strided_slice %dot_general3A_103 {offsets = [0, 864], sizes = [1280, 32], strides = [1, 1]} : vector<1280x1024xf32> to vector<1280x32xf32>
    %mul3A_224 = vector.broadcast %slice3A_222 : vector<1280x1xf32> to vector<1280x32xf32>
    %mul3A_225 = arith.mulf %mul3A_224, %slice3A_223 : vector<1280x32xf32>
    %add3A_226 = arith.addf %add3A_216, %mul3A_225 : vector<1280x32xf32>
    %slice3A_227 = vector.extract_strided_slice %mul3A_95 {offsets = [0, 12], sizes = [1280, 1], strides = [1, 1]} : vector<1280x32xf32> to vector<1280x1xf32>
    %slice3A_228 = vector.extract_strided_slice %dot_general3A_103 {offsets = [0, 384], sizes = [1280, 32], strides = [1, 1]} : vector<1280x1024xf32> to vector<1280x32xf32>
    %mul3A_229 = vector.broadcast %slice3A_227 : vector<1280x1xf32> to vector<1280x32xf32>
    %mul3A_230 = arith.mulf %mul3A_229, %slice3A_228 : vector<1280x32xf32>
    %add3A_231 = arith.addf %add3A_221, %mul3A_230 : vector<1280x32xf32>
    %slice3A_232 = vector.extract_strided_slice %mul3A_95 {offsets = [0, 28], sizes = [1280, 1], strides = [1, 1]} : vector<1280x32xf32> to vector<1280x1xf32>
    %slice3A_233 = vector.extract_strided_slice %dot_general3A_103 {offsets = [0, 896], sizes = [1280, 32], strides = [1, 1]} : vector<1280x1024xf32> to vector<1280x32xf32>
    %mul3A_234 = vector.broadcast %slice3A_232 : vector<1280x1xf32> to vector<1280x32xf32>
    %mul3A_235 = arith.mulf %mul3A_234, %slice3A_233 : vector<1280x32xf32>
    %add3A_236 = arith.addf %add3A_226, %mul3A_235 : vector<1280x32xf32>
    %slice3A_237 = vector.extract_strided_slice %mul3A_95 {offsets = [0, 13], sizes = [1280, 1], strides = [1, 1]} : vector<1280x32xf32> to vector<1280x1xf32>
    %slice3A_238 = vector.extract_strided_slice %dot_general3A_103 {offsets = [0, 416], sizes = [1280, 32], strides = [1, 1]} : vector<1280x1024xf32> to vector<1280x32xf32>
    %mul3A_239 = vector.broadcast %slice3A_237 : vector<1280x1xf32> to vector<1280x32xf32>
    %mul3A_240 = arith.mulf %mul3A_239, %slice3A_238 : vector<1280x32xf32>
    %add3A_241 = arith.addf %add3A_231, %mul3A_240 : vector<1280x32xf32>
    %slice3A_242 = vector.extract_strided_slice %mul3A_95 {offsets = [0, 29], sizes = [1280, 1], strides = [1, 1]} : vector<1280x32xf32> to vector<1280x1xf32>
    %slice3A_243 = vector.extract_strided_slice %dot_general3A_103 {offsets = [0, 928], sizes = [1280, 32], strides = [1, 1]} : vector<1280x1024xf32> to vector<1280x32xf32>
    %mul3A_244 = vector.broadcast %slice3A_242 : vector<1280x1xf32> to vector<1280x32xf32>
    %mul3A_245 = arith.mulf %mul3A_244, %slice3A_243 : vector<1280x32xf32>
    %add3A_246 = arith.addf %add3A_236, %mul3A_245 : vector<1280x32xf32>
    %slice3A_247 = vector.extract_strided_slice %mul3A_95 {offsets = [0, 14], sizes = [1280, 1], strides = [1, 1]} : vector<1280x32xf32> to vector<1280x1xf32>
    %slice3A_248 = vector.extract_strided_slice %dot_general3A_103 {offsets = [0, 448], sizes = [1280, 32], strides = [1, 1]} : vector<1280x1024xf32> to vector<1280x32xf32>
    %mul3A_249 = vector.broadcast %slice3A_247 : vector<1280x1xf32> to vector<1280x32xf32>
    %mul3A_250 = arith.mulf %mul3A_249, %slice3A_248 : vector<1280x32xf32>
    %add3A_251 = arith.addf %add3A_241, %mul3A_250 : vector<1280x32xf32>
    %slice3A_252 = vector.extract_strided_slice %mul3A_95 {offsets = [0, 30], sizes = [1280, 1], strides = [1, 1]} : vector<1280x32xf32> to vector<1280x1xf32>
    %slice3A_253 = vector.extract_strided_slice %dot_general3A_103 {offsets = [0, 960], sizes = [1280, 32], strides = [1, 1]} : vector<1280x1024xf32> to vector<1280x32xf32>
    %mul3A_254 = vector.broadcast %slice3A_252 : vector<1280x1xf32> to vector<1280x32xf32>
    %mul3A_255 = arith.mulf %mul3A_254, %slice3A_253 : vector<1280x32xf32>
    %add3A_256 = arith.addf %add3A_246, %mul3A_255 : vector<1280x32xf32>
    %slice3A_257 = vector.extract_strided_slice %mul3A_95 {offsets = [0, 15], sizes = [1280, 1], strides = [1, 1]} : vector<1280x32xf32> to vector<1280x1xf32>
    %slice3A_258 = vector.extract_strided_slice %dot_general3A_103 {offsets = [0, 480], sizes = [1280, 32], strides = [1, 1]} : vector<1280x1024xf32> to vector<1280x32xf32>
    %mul3A_259 = vector.broadcast %slice3A_257 : vector<1280x1xf32> to vector<1280x32xf32>
    %mul3A_260 = arith.mulf %mul3A_259, %slice3A_258 : vector<1280x32xf32>
    %add3A_261 = arith.addf %add3A_251, %mul3A_260 : vector<1280x32xf32>
    %slice3A_262 = vector.extract_strided_slice %mul3A_95 {offsets = [0, 31], sizes = [1280, 1], strides = [1, 1]} : vector<1280x32xf32> to vector<1280x1xf32>
    %slice3A_263 = vector.extract_strided_slice %dot_general3A_103 {offsets = [0, 992], sizes = [1280, 32], strides = [1, 1]} : vector<1280x1024xf32> to vector<1280x32xf32>
    %mul3A_264 = vector.broadcast %slice3A_262 : vector<1280x1xf32> to vector<1280x32xf32>
    %mul3A_265 = arith.mulf %mul3A_264, %slice3A_263 : vector<1280x32xf32>
    %add3A_266 = arith.addf %add3A_256, %mul3A_265 : vector<1280x32xf32>
    %get3A_267 = arith.constant 0 : index
    %get3A_268 = arith.constant 0 : index
    %get3A_269 = vector.load %arg3[%get3A_267, %get3A_268] : memref<1280x32xf32, #tpu.memory_space<vmem>>, vector<1280x32xf32>
    %mul3A_270 = arith.mulf %get3A_269, %add3A_261 : vector<1280x32xf32>
    %reduce_sum3A_271 = arith.constant dense<0.000000e+00> : vector<1280xf32>
    %reduce_sum3A_272 = vector.multi_reduction <add>, %mul3A_270, %reduce_sum3A_271 [1] : vector<1280x32xf32> to vector<1280xf32>
    %broadcast_in_dim3A_273 = vector.shape_cast %reduce_sum3A_272 : vector<1280xf32> to vector<1280x1xf32>
    %exp3A_274 = math.exp %broadcast_in_dim3A_273 : vector<1280x1xf32>
    %mul3A_275 = arith.mulf %select_n3A_78, %exp3A_274 : vector<1280x1xf32>
    %sqrt3A_276 = math.sqrt %mul3A_275 : vector<1280x1xf32>
    %mul3A_277 = vector.broadcast %sqrt3A_276 : vector<1280x1xf32> to vector<1280x32xf32>
    %mul3A_278 = arith.mulf %mul3A_277, %add3A_266 : vector<1280x32xf32>
    %swap3A = arith.constant 0 : index
    %swap3A_279 = arith.constant 0 : index
    %swap3A_280 = vector.load %arg6[%swap3A, %swap3A_279] : memref<1280x32xf32, #tpu.memory_space<vmem>>, vector<1280x32xf32>
    tpu.vector_store %arg6[%swap3A, %swap3A_279], %mul3A_278 {strides = array<i32>} : memref<1280x32xf32, #tpu.memory_space<vmem>>, vector<1280x32xf32>,
    return
  }
  func.func @transform_0(%arg0: i32) -> (i32, i32) {
    %c0_i32 = arith.constant 0 : i32
    %c0_i32_0 = arith.constant 0 : i32
    return %arg0, %c0_i32 : i32, i32
  }
  func.func @transform_1(%arg0: i32) -> (i32, i32) {
    %c0_i32 = arith.constant 0 : i32
    %c0_i32_0 = arith.constant 0 : i32
    return %arg0, %c0_i32 : i32, i32
  }
  func.func @transform_2(%arg0: i32) -> (i32, i32) {
    %c0_i32 = arith.constant 0 : i32
    %c0_i32_0 = arith.constant 0 : i32
    return %arg0, %c0_i32 : i32, i32
  }
  func.func @transform_3(%arg0: i32) -> (i32, i32) {
    %c0_i32 = arith.constant 0 : i32
    %c0_i32_0 = arith.constant 0 : i32
    %c0_i32_1 = arith.constant 0 : i32
    return %c0_i32, %c0_i32_0 : i32, i32
  }
  func.func @transform_4(%arg0: i32) -> (i32, i32) {
    %c0_i32 = arith.constant 0 : i32
    %c0_i32_0 = arith.constant 0 : i32
    %c0_i32_1 = arith.constant 0 : i32
    return %c0_i32, %c0_i32_0 : i32, i32
  }
  func.func @transform_5(%arg0: i32) -> (i32, i32) {
    %c0_i32 = arith.constant 0 : i32
    %c0_i32_0 = arith.constant 0 : i32
    return %arg0, %c0_i32 : i32, i32
  }
}

module attributes {stable_mosaic.version = 14 : i64} {
  func.func @_mid_body(%arg0: memref<20480x32xf32, #tpu.memory_space<vmem>>, %arg1: memref<20000x32xf32, #tpu.memory_space<vmem>>, %arg2: memref<32x32xf32, #tpu.memory_space<vmem>>, %arg3: memref<20000x32xf32, #tpu.memory_space<vmem>>) attributes {dimension_semantics = [], scalar_prefetch = 0 : i64, scratch_operands = 0 : i64, tpu.core_type = #tpu.core_type<tc>} {
    %get3A = arith.constant 0 : index
    %get3A_0 = arith.constant 0 : index
    %get3A_1 = vector.load %arg0[%get3A, %get3A_0] : memref<20480x32xf32, #tpu.memory_space<vmem>>, vector<10000x32xf32>
    %get3A_2 = arith.constant 10240 : index
    %get3A_3 = arith.constant 0 : index
    %get3A_4 = vector.load %arg0[%get3A_2, %get3A_3] : memref<20480x32xf32, #tpu.memory_space<vmem>>, vector<10000x32xf32>
    %add3A = arith.addf %get3A_1, %get3A_4 : vector<10000x32xf32>
    %mul3A = arith.mulf %add3A, %add3A : vector<10000x32xf32>
    %reduce_sum3A = arith.constant dense<0.000000e+00> : vector<10000xf32>
    %reduce_sum3A_5 = vector.multi_reduction <add>, %mul3A, %reduce_sum3A [1] : vector<10000x32xf32> to vector<10000xf32>
    %broadcast_in_dim3A = vector.shape_cast %reduce_sum3A_5 : vector<10000xf32> to vector<10000x1xf32>
    %add3A_6 = arith.constant 1.000000e-24 : f32
    %add3A_7 = vector.broadcast %add3A_6 : f32 to vector<10000x1xf32>
    %add3A_8 = arith.addf %broadcast_in_dim3A, %add3A_7 : vector<10000x1xf32>
    %sqrt3A = math.sqrt %add3A_8 : vector<10000x1xf32>
    %max3A = arith.constant 9.99999996E-13 : f32
    %max3A_9 = vector.broadcast %max3A : f32 to vector<10000x1xf32>
    %max3A_10 = arith.maximumf %sqrt3A, %max3A_9 : vector<10000x1xf32>
    %div3A = vector.broadcast %max3A_10 : vector<10000x1xf32> to vector<10000x32xf32>
    %div3A_11 = arith.divf %add3A, %div3A : vector<10000x32xf32>
    %max3A_12 = arith.constant 0.000000e+00 : f32
    %max3A_13 = vector.broadcast %max3A_12 : f32 to vector<10000x32xf32>
    %max3A_14 = arith.maximumf %div3A_11, %max3A_13 : vector<10000x32xf32>
    %get3A_15 = arith.constant 0 : index
    %get3A_16 = arith.constant 0 : index
    %get3A_17 = vector.load %arg1[%get3A_15, %get3A_16] : memref<20000x32xf32, #tpu.memory_space<vmem>>, vector<10000x32xf32>
    %add3A_18 = arith.addf %max3A_14, %get3A_17 : vector<10000x32xf32>
    %swap3A = arith.constant 0 : index
    %swap3A_19 = arith.constant 0 : index
    %swap3A_20 = vector.load %arg3[%swap3A, %swap3A_19] : memref<20000x32xf32, #tpu.memory_space<vmem>>, vector<10000x32xf32>
    tpu.vector_store %arg3[%swap3A, %swap3A_19], %add3A_18 {strides = array<i32>} : memref<20000x32xf32, #tpu.memory_space<vmem>>, vector<10000x32xf32>,
    %get3A_21 = arith.constant 0 : index
    %get3A_22 = arith.constant 0 : index
    %get3A_23 = vector.load %arg2[%get3A_21, %get3A_22] : memref<32x32xf32, #tpu.memory_space<vmem>>, vector<32x32xf32>
    %dot_general3A = arith.constant dense<0.000000e+00> : vector<10000x32xf32>
    %dot_general3A_24 = tpu.matmul %add3A_18, %get3A_23, %dot_general3A {dimension_numbers = #tpu.dot_dimension_numbers<[1], [0], [0], [1], [0, 0, 1, 1], [], []>, transpose_lhs_hint = false} : vector<10000x32xf32>, vector<32x32xf32>, vector<10000x32xf32> -> vector<10000x32xf32>
    %swap3A_25 = arith.constant 10000 : index
    %swap3A_26 = arith.constant 0 : index
    %swap3A_27 = vector.load %arg3[%swap3A_25, %swap3A_26] : memref<20000x32xf32, #tpu.memory_space<vmem>>, vector<10000x32xf32>
    tpu.vector_store %arg3[%swap3A_25, %swap3A_26], %dot_general3A_24 {strides = array<i32>} : memref<20000x32xf32, #tpu.memory_space<vmem>>, vector<10000x32xf32>,
    return
  }
}

module attributes {stable_mosaic.version = 14 : i64} {
  func.func @_out_body(%arg0: memref<20480x32xf32, #tpu.memory_space<vmem>>, %arg1: memref<20000x32xf32, #tpu.memory_space<vmem>>, %arg2: memref<32x32xf32, #tpu.memory_space<vmem>>, %arg3: memref<1x32xf32, #tpu.memory_space<vmem>>, %arg4: memref<32x32xf32, #tpu.memory_space<vmem>>, %arg5: memref<1x32xf32, #tpu.memory_space<vmem>>, %arg6: memref<10240x32xf32, #tpu.memory_space<vmem>>) attributes {dimension_semantics = [], scalar_prefetch = 0 : i64, scratch_operands = 0 : i64, tpu.core_type = #tpu.core_type<tc>} {
    %get3A = arith.constant 0 : index
    %get3A_0 = arith.constant 0 : index
    %get3A_1 = vector.load %arg0[%get3A, %get3A_0] : memref<20480x32xf32, #tpu.memory_space<vmem>>, vector<10000x32xf32>
    %get3A_2 = arith.constant 10240 : index
    %get3A_3 = arith.constant 0 : index
    %get3A_4 = vector.load %arg0[%get3A_2, %get3A_3] : memref<20480x32xf32, #tpu.memory_space<vmem>>, vector<10000x32xf32>
    %add3A = arith.addf %get3A_1, %get3A_4 : vector<10000x32xf32>
    %mul3A = arith.mulf %add3A, %add3A : vector<10000x32xf32>
    %reduce_sum3A = arith.constant dense<0.000000e+00> : vector<10000xf32>
    %reduce_sum3A_5 = vector.multi_reduction <add>, %mul3A, %reduce_sum3A [1] : vector<10000x32xf32> to vector<10000xf32>
    %broadcast_in_dim3A = vector.shape_cast %reduce_sum3A_5 : vector<10000xf32> to vector<10000x1xf32>
    %add3A_6 = arith.constant 1.000000e-24 : f32
    %add3A_7 = vector.broadcast %add3A_6 : f32 to vector<10000x1xf32>
    %add3A_8 = arith.addf %broadcast_in_dim3A, %add3A_7 : vector<10000x1xf32>
    %sqrt3A = math.sqrt %add3A_8 : vector<10000x1xf32>
    %max3A = arith.constant 9.99999996E-13 : f32
    %max3A_9 = vector.broadcast %max3A : f32 to vector<10000x1xf32>
    %max3A_10 = arith.maximumf %sqrt3A, %max3A_9 : vector<10000x1xf32>
    %div3A = vector.broadcast %max3A_10 : vector<10000x1xf32> to vector<10000x32xf32>
    %div3A_11 = arith.divf %add3A, %div3A : vector<10000x32xf32>
    %max3A_12 = arith.constant 0.000000e+00 : f32
    %max3A_13 = vector.broadcast %max3A_12 : f32 to vector<10000x32xf32>
    %max3A_14 = arith.maximumf %div3A_11, %max3A_13 : vector<10000x32xf32>
    %get3A_15 = arith.constant 0 : index
    %get3A_16 = arith.constant 0 : index
    %get3A_17 = vector.load %arg1[%get3A_15, %get3A_16] : memref<20000x32xf32, #tpu.memory_space<vmem>>, vector<10000x32xf32>
    %add3A_18 = arith.addf %max3A_14, %get3A_17 : vector<10000x32xf32>
    %get3A_19 = arith.constant 0 : index
    %get3A_20 = arith.constant 0 : index
    %get3A_21 = vector.load %arg2[%get3A_19, %get3A_20] : memref<32x32xf32, #tpu.memory_space<vmem>>, vector<32x32xf32>
    %dot_general3A = arith.constant dense<0.000000e+00> : vector<10000x32xf32>
    %dot_general3A_22 = tpu.matmul %add3A_18, %get3A_21, %dot_general3A {dimension_numbers = #tpu.dot_dimension_numbers<[1], [0], [0], [1], [0, 0, 1, 1], [], []>, transpose_lhs_hint = false} : vector<10000x32xf32>, vector<32x32xf32>, vector<10000x32xf32> -> vector<10000x32xf32>
    %get3A_23 = arith.constant 0 : index
    %get3A_24 = arith.constant 0 : index
    %get3A_25 = vector.load %arg3[%get3A_23, %get3A_24] : memref<1x32xf32, #tpu.memory_space<vmem>>, vector<1x32xf32>
    %add3A_26 = vector.broadcast %get3A_25 : vector<1x32xf32> to vector<10000x32xf32>
    %add3A_27 = arith.addf %dot_general3A_22, %add3A_26 : vector<10000x32xf32>
    %max3A_28 = arith.constant 0.000000e+00 : f32
    %max3A_29 = vector.broadcast %max3A_28 : f32 to vector<10000x32xf32>
    %max3A_30 = arith.maximumf %add3A_27, %max3A_29 : vector<10000x32xf32>
    %get3A_31 = arith.constant 0 : index
    %get3A_32 = arith.constant 0 : index
    %get3A_33 = vector.load %arg4[%get3A_31, %get3A_32] : memref<32x32xf32, #tpu.memory_space<vmem>>, vector<32x32xf32>
    %dot_general3A_34 = arith.constant dense<0.000000e+00> : vector<10000x32xf32>
    %dot_general3A_35 = tpu.matmul %max3A_30, %get3A_33, %dot_general3A_34 {dimension_numbers = #tpu.dot_dimension_numbers<[1], [0], [0], [1], [0, 0, 1, 1], [], []>, transpose_lhs_hint = false} : vector<10000x32xf32>, vector<32x32xf32>, vector<10000x32xf32> -> vector<10000x32xf32>
    %get3A_36 = arith.constant 0 : index
    %get3A_37 = arith.constant 0 : index
    %get3A_38 = vector.load %arg5[%get3A_36, %get3A_37] : memref<1x32xf32, #tpu.memory_space<vmem>>, vector<1x32xf32>
    %add3A_39 = vector.broadcast %get3A_38 : vector<1x32xf32> to vector<10000x32xf32>
    %add3A_40 = arith.addf %dot_general3A_35, %add3A_39 : vector<10000x32xf32>
    %max3A_41 = arith.constant 0.000000e+00 : f32
    %max3A_42 = vector.broadcast %max3A_41 : f32 to vector<10000x32xf32>
    %max3A_43 = arith.maximumf %add3A_40, %max3A_42 : vector<10000x32xf32>
    %swap3A = arith.constant 0 : index
    %swap3A_44 = arith.constant 0 : index
    %swap3A_45 = vector.load %arg6[%swap3A, %swap3A_44] : memref<10240x32xf32, #tpu.memory_space<vmem>>, vector<10000x32xf32>
    tpu.vector_store %arg6[%swap3A, %swap3A_44], %max3A_43 {strides = array<i32>} : memref<10240x32xf32, #tpu.memory_space<vmem>>, vector<10000x32xf32>,
    %broadcast_in_dim3A_46 = arith.constant 0.000000e+00 : f32
    %broadcast_in_dim3A_47 = vector.broadcast %broadcast_in_dim3A_46 : f32 to vector<240x32xf32>
    %swap3A_48 = arith.constant 10000 : index
    %swap3A_49 = arith.constant 0 : index
    %swap3A_50 = vector.load %arg6[%swap3A_48, %swap3A_49] : memref<10240x32xf32, #tpu.memory_space<vmem>>, vector<240x32xf32>
    tpu.vector_store %arg6[%swap3A_48, %swap3A_49], %broadcast_in_dim3A_47 {strides = array<i32>} : memref<10240x32xf32, #tpu.memory_space<vmem>>, vector<240x32xf32>,
    return
  }
}

module attributes {stable_mosaic.version = 14 : i64} {
  func.func @_proj_body(%arg0: memref<1024x32xf32, #tpu.memory_space<vmem>>, %arg1: memref<32x1xf32, #tpu.memory_space<vmem>>, %arg2: memref<1x1xf32, #tpu.memory_space<vmem>>, %arg3: memref<500x1xf32, #tpu.memory_space<vmem>>) attributes {dimension_semantics = [], scalar_prefetch = 0 : i64, scratch_operands = 0 : i64, tpu.core_type = #tpu.core_type<tc>} {
    %get3A = arith.constant 0 : index
    %get3A_0 = arith.constant 0 : index
    %get3A_1 = vector.load %arg0[%get3A, %get3A_0] : memref<1024x32xf32, #tpu.memory_space<vmem>>, vector<500x32xf32>
    %get3A_2 = arith.constant 512 : index
    %get3A_3 = arith.constant 0 : index
    %get3A_4 = vector.load %arg0[%get3A_2, %get3A_3] : memref<1024x32xf32, #tpu.memory_space<vmem>>, vector<500x32xf32>
    %add3A = arith.addf %get3A_1, %get3A_4 : vector<500x32xf32>
    %get3A_5 = arith.constant 0 : index
    %get3A_6 = arith.constant 0 : index
    %get3A_7 = vector.load %arg1[%get3A_5, %get3A_6] : memref<32x1xf32, #tpu.memory_space<vmem>>, vector<32x1xf32>
    %dot_general3A = arith.constant dense<0.000000e+00> : vector<500x1xf32>
    %dot_general3A_8 = tpu.matmul %add3A, %get3A_7, %dot_general3A {dimension_numbers = #tpu.dot_dimension_numbers<[1], [0], [0], [1], [0, 0, 1, 1], [], []>, transpose_lhs_hint = false} : vector<500x32xf32>, vector<32x1xf32>, vector<500x1xf32> -> vector<500x1xf32>
    %get3A_9 = arith.constant 0 : index
    %get3A_10 = arith.constant 0 : index
    %get3A_11 = vector.load %arg2[%get3A_9, %get3A_10] : memref<1x1xf32, #tpu.memory_space<vmem>>, vector<1x1xf32>
    %add3A_12 = vector.broadcast %get3A_11 : vector<1x1xf32> to vector<500x1xf32>
    %add3A_13 = arith.addf %dot_general3A_8, %add3A_12 : vector<500x1xf32>
    %swap3A = arith.constant 0 : index
    %swap3A_14 = arith.constant 0 : index
    %swap3A_15 = vector.load %arg3[%swap3A, %swap3A_14] : memref<500x1xf32, #tpu.memory_space<vmem>>, vector<500x1xf32>
    tpu.vector_store %arg3[%swap3A, %swap3A_14], %add3A_13 {strides = array<i32>} : memref<500x1xf32, #tpu.memory_space<vmem>>, vector<500x1xf32>,
    return
  }
}

</mosaic_0001>

<sc_bundles>
// kernel: kernel.14.cloned.1.call-start
scs
__scs_entry_jumppad:
0x0: {  	(pc) =	sbr.rel $0x88, $3  }
0x1: {  	(tag) =	ssettag $0x0;
	lr =	simm.s32 $0x1  }
0x2: {  	[smem:$0x3F92] =	sst lr;
	_ =	strace $0xD0000000  }
0x3: {  	_ = 	snop  }
0x4: {  	_ = 	snop  }
0x5: {  	_ = 	snop  }
0x6: {  	_ = 	snop  }
0x7: {  	_ = 	snop  }
__scs_overlays_trampoline_lowered:
0x8: {  	[smem:$0x3FA1] =	sst s0  }
0x9: {  	[smem:$0x3FA2] =	sst s1  }
0xa: {  	[smem:$0x3FA3] =	sst s2  }
0xb: {  	[smem:$0x3FA4] =	sst s3  }
0xc: {  	[smem:$0x3FA5] =	sst s4  }
0xd: {  	[smem:$0x3FA6] =	sst s5  }
0xe: {  	[smem:$0x3FA7] =	sst s6  }
0xf: {  	[smem:$0x3FA8] =	sst s7  }
0x10: {  	[smem:$0x3FA9] =	sst s8  }
0x11: {  	[smem:$0x3FAA] =	sst s9;
	s0 =	simm.s32 @!p0 $0x0  }
0x12: {  	s1 =	sld [smem:$0x3F90];
	s0 =	simm.s32 @p0 $0x1  }
0x13: {  	[smem:$0x3FAB] =	sst s0;
	s0 =	simm.s32 @!p1 $0x0  }
0x14: {  	s2 =	sld [smem:$0x3F8F];
	s0 =	simm.s32 @p1 $0x1  }
0x15: {  	[smem:$0x3FAC] =	sst s0;
	s0 =	simm.s32 @!p2 $0x0  }
0x16: {  	s3 =	sld [smem:$0x3FDB];
	s0 =	simm.s32 @p2 $0x1  }
0x17: {  	s4 =	simm.s32 $0x1BF5;
	[smem:$0x3FAE] =	sst s0  }
0x18: {  	s0 =	sld [smem:$0x3F91];
	_ =	swait.ge [sflag:s4], $0x0  }
0x19: {  	s7 =	sld [smem:$0x3F92]  }
0x1a: {  	s8 =	sadd.s32 $0xFFFFE003, lr  }
0x1b: {  	s9 =	sadd.s32 $0xFFFFFEF7, lr;
	s5 =	simm.s32 $0xFFFFFFFF;
	p2 =	slt.u32 s8, $0xFFFFF086  }
0x1c: {  	p1 =	slt.u32 s9, $0xF7A;
	s5 =	simm.s32 @!p2 $0x0  }
0x1d: {  	s5 =	simm.s32 @p1 $0x1;
	p0 =	seq.s32 s7, s2  }
0x1e: {  	s7 =	smul.u32 @!p0 $0xF7A, s2;
	p2 =	seq.s32 @!p0 s5, $0x0  }
0x1f: {  	s9 =	smul.u32 $0xF7A, s1;
	s8 =	simm.s32 @!p0 $0x1BF5;
	p2 =	por !p2, p0  }
0x20: {  	[sflag:s8] =	ssyncset.s32 @!p0 $0xFFFFF086;
	s6 =	sadd.s32 @!p0 s3, s7;
	s7 =	simm.s32 @!p0 $0x108  }
0x21: {  	s3 =	sadd.s32 s3, s9;
	s6 =	sadd.s32 @!p0 $0x88, s6;
	s7 =	simm.s32 @p2 $0x1082  }
0x22: {  	[simem:s7], [sflag:s8] =	dma.local @!p0 [hbm:s6], $0xF7A  }
0x23: {  	s9 =	sor.u32 $0xD0000000, s2;
	s6 =	simm.s32 $0x108;
	_ =	swait.ge @!p0 [sflag:s8], $0x0  }
0x24: {  	s3 =	sadd.s32 $0x88, s3;
	s6 =	simm.s32 @!p1 $0x1082;
	[sflag:s4] =	ssyncset.s32 $0xFFFFF086  }
0x25: {  	[simem:s6], [sflag:s4] =	dma.local [hbm:s3], $0xF7A  }
0x26: {  	[smem:$0x3F92] =	sst s1;
	(tag) =	ssettag s2;
	_ =	strace s9  }
0x27: {  	s1 =	sld [smem:$0x3FA2]  }
0x28: {  	s2 =	sld [smem:$0x3FA3]  }
0x29: {  	s4 =	sld [smem:$0x3FA5]  }
0x2a: {  	p0 =	seq.s32 s5, $0x0;
	s5 =	sld [smem:$0x3FA6]  }
0x2b: {  	s6 =	sld [smem:$0x3FA7]  }
0x2c: {  	s7 =	sld [smem:$0x3FA8]  }
0x2d: {  	s3 =	simm.s32 $0x108;
	s8 =	sld [smem:$0x3FA9]  }
0x2e: {  	s3 =	simm.s32 @!p0 $0x1082;
	s9 =	sld [smem:$0x3FAA]  }
0x2f: {  	lr =	sadd.s32 s0, s3;
	s0 =	sld [smem:$0x3FA1]  }
0x30: {  	s3 =	sld [smem:$0x3FA4]  }
0x31: {  	[smem:$0x3FAD] =	sst s10  }
0x32: {  	s10 =	sld [smem:$0x3FAB];
	_ =	sdelay $0x3  }
0x33: {  	p0 =	seq.s32 s10, $0x1;
	s10 =	sld [smem:$0x3FAD];
	_ =	sdelay $0x3  }
0x34: {  	[smem:$0x3FAD] =	sst s10  }
0x35: {  	s10 =	sld [smem:$0x3FAC];
	_ =	sdelay $0x3  }
0x36: {  	p1 =	seq.s32 s10, $0x1;
	s10 =	sld [smem:$0x3FAD];
	_ =	sdelay $0x3  }
0x37: {  	[smem:$0x3FAD] =	sst s10  }
0x38: {  	s10 =	sld [smem:$0x3FAE]  }
0x39: {  	_ = 	snop;
	(pc) =	sbr.ind lr, $3  }
0x3a: {  	_ = 	snop  }
0x3b: {  	_ = 	snop  }
0x3c: {  	p2 =	seq.s32 s10, $0x1;
	s10 =	sld [smem:$0x3FAD]  }
0x3d: {  	_ =	shalt  }
0x3e: {  	_ =	shalt  }
0x3f: {  	_ =	shalt  }
0x40: {  	_ =	shalt  }
0x41: {  	_ =	shalt  }
0x42: {  	_ =	shalt  }
0x43: {  	_ =	shalt  }
0x44: {  	_ =	shalt  }
0x45: {  	_ =	shalt  }
0x46: {  	_ =	shalt  }
0x47: {  	_ =	shalt  }
0x48: {  	_ =	shalt  }
0x49: {  	_ =	shalt  }
0x4a: {  	_ =	shalt  }
0x4b: {  	_ =	shalt  }
0x4c: {  	_ =	shalt  }
0x4d: {  	_ =	shalt  }
0x4e: {  	_ =	shalt  }
0x4f: {  	_ =	shalt  }
0x50: {  	_ =	shalt  }
0x51: {  	_ =	shalt  }
0x52: {  	_ =	shalt  }
0x53: {  	_ =	shalt  }
0x54: {  	_ =	shalt  }
0x55: {  	_ =	shalt  }
0x56: {  	_ =	shalt  }
0x57: {  	_ =	shalt  }
0x58: {  	_ =	shalt  }
0x59: {  	_ =	shalt  }
0x5a: {  	_ =	shalt  }
0x5b: {  	_ =	shalt  }
0x5c: {  	_ =	shalt  }
0x5d: {  	_ =	shalt  }
0x5e: {  	_ =	shalt  }
0x5f: {  	_ =	shalt  }
0x60: {  	_ =	shalt  }
0x61: {  	_ =	shalt  }
0x62: {  	_ =	shalt  }
0x63: {  	_ =	shalt  }
0x64: {  	_ =	shalt  }
0x65: {  	_ =	shalt  }
0x66: {  	_ =	shalt  }
0x67: {  	_ =	shalt  }
0x68: {  	_ =	shalt  }
0x69: {  	_ =	shalt  }
0x6a: {  	_ =	shalt  }
0x6b: {  	_ =	shalt  }
0x6c: {  	_ =	shalt  }
0x6d: {  	_ =	shalt  }
0x6e: {  	_ =	shalt  }
0x6f: {  	_ =	shalt  }
0x70: {  	_ =	shalt  }
0x71: {  	_ =	shalt  }
0x72: {  	_ =	shalt  }
0x73: {  	_ =	shalt  }
0x74: {  	_ =	shalt  }
0x75: {  	_ =	shalt  }
0x76: {  	_ =	shalt  }
0x77: {  	_ =	shalt  }
0x78: {  	_ =	shalt  }
0x79: {  	_ =	shalt  }
0x7a: {  	_ =	shalt  }
0x7b: {  	_ =	shalt  }
0x7c: {  	_ =	shalt  }
0x7d: {  	_ =	shalt  }
0x7e: {  	_ =	shalt  }
0x7f: {  	_ =	shalt  }
0x80: {  	_ =	shalt  }
0x81: {  	_ =	shalt  }
0x82: {  	_ =	shalt  }
0x83: {  	_ =	shalt  }
0x84: {  	_ =	shalt  }
0x85: {  	_ =	shalt  }
0x86: {  	_ =	shalt  }
0x87: {  	_ =	shalt  }
.Lfunc_end0:
.L_simem_size_0:
called_computation_lowered:
.L_overlay_start_0:
0x88: {  	s2 =	sld [smem:$0x3FD9]  }
0x89: {  	s3 =	sld [smem:$0x3FFE];
	_ =	sdelay $0x1  }
0x8a: {  	s1 =	srdreg.scid  }
0x8b: {  	s0 =	sand.u32 $0x1, s1  }
0x8c: {  	s16 =	sshll.u32 s0, $0xA;
	s2 =	sadd.s32 s3, s2  }
0x8d: {  	s2 =	sadd.s32 s2, s16  }
0x8e: {  	[smem:$0x3FB9] =	sst s2  }
0x8f: {  	_ = 	snop  }
0x90: {  	(tm) =	ssettm $0x1  }
0x91: {  	s17 =	sld [smem:$0x3FFB];
	_ =	sdelay $0x3  }
0x92: {  	_ =	strace s17  }
0x93: {  	s2 =	sld [smem:$0x3FFC];
	_ =	sdelay $0x3  }
0x94: {  	_ =	strace s2  }
0x95: {  	s2 =	sld [smem:$0x3FFD];
	_ =	sdelay $0x3  }
0x96: {  	_ =	strace s2  }
0x97: {  	_ =	strace $0x8FFFFFFF  }
0x98: {  	s18 =	sld [smem:$0x3FDB];
	_ =	sdelay $0x1  }
0x99: {  	s19 =	simm.s32 $_scs_section_size  }
0x9a: {  	s4 =	simm.s32 $_size__tile_overlayer_lowered;
	s5 =	simm.s32 $_tile_overlayer_lowered  }
0x9b: {  	s22 =	simm.s32 $0x1BFF;
	s21 =	sshll.u32 s5, $0x1;
	s2 =	sadd.s32 s19, s18  }
0x9c: {  	s6 =	simm.s32 $0x0;
	s20 =	sshll.u32 s4, $0x1;
	s4 =	sadd.s32 s21, s2  }
0x9d: {  	[timem:s6], [sflag:s22] =	dma.local [hbm:s4], s20  }
0x9e: {  	_ =	swait.ge [sflag:s22], s20  }
0x9f: {  	s3 =	ssub.s32 $0x0, s20;
	[sflag:s22] =	ssyncset.done $0x0  }
0xa0: {  	[sflag:s22] =	ssyncadd.s32 s3;
	_ =	sdelay $0x1  }
0xa1: {  	s23 =	simm.s32 $0x1B8B  }
0xa2: {  	_ =	swait.ge [sflag:s23], $0x1  }
0xa3: {  	[sflag:s23] =	ssyncset.done $0x0  }
0xa4: {  	s25 =	simm.s32 $0x1B8E;
	s24 =	sld [smem:$0x3FFE];
	[sflag:s23] =	ssyncadd.s32 $0xFFFFFFFF  }
0xa5: {  	s26 =	simm.s32 $execute0_lowered;
	[smem:$0x3FD2] =	sst s25  }
0xa6: {  	s4 =	sshll.u32 s26, $0x1;
	_ =	strace $0x80000046;
	[dreg:$0x1] =	wrdreg $0xFFFFFFFF  }
0xa7: {  	s28 =	simm.s32 $_size_execute0_lowered;
	s2 =	sadd.s32 s2, s4;
	[dreg:$0x0] =	wrdreg $0x0  }
0xa8: {  	s4 =	sshll.u32 s28, $0x1;
	[dreg:$0x2] =	wrdreg s2  }
0xa9: {  	[dreg:$0x3] =	wrdreg s4  }
0xaa: {  	[dreg:$0x4] =	wrdreg $0xC0  }
0xab: {  	_ =	task [dreg:s6], $0x5FFFF  }
0xac: {  	[dreg:$0x1] =	wrdreg $0xFFFFFFFF  }
0xad: {  	[dreg:$0x0] =	wrdreg $0x60  }
0xae: {  	[dreg:$0x2] =	wrdreg s24  }
0xaf: {  	[dreg:$0x3] =	wrdreg $0x9  }
0xb0: {  	_ =	task.clear_ibuf [dreg:s6], $0x4FFFF;
	_ =	strace $0x90000046  }
0xb1: {  	s29 =	simm.s32 $0x9;
	_ =	strace $0x80000048  }
0xb2: {  	_ =	swait.ge [sflag:s29], $0x1  }
0xb3: {  	[sflag:s29] =	ssyncadd.s32 $0xFFFFFFFF  }
0xb4: {  	_ =	strace $0x90000048  }
0xb5: {  	_ =	sfence  }
0xb6: {  	s30 =	sld [smem:$0x0];
	_ =	sdelay $0x2  }
0xb7: {  	s31 =	sshll.u32 s1, $0xD;
	s1 =	sshrl.u32 s1, $0x2  }
0xb8: {  	s3 =	sand.u32 $0x4000, s31;
	s1 =	sadd.s32 s1, s30  }
0xb9: {  	s0 =	sor.u32 s3, s0;
	s1 =	sshll.u32 s1, $0x11  }
0xba: {  	s0 =	sor.u32 s1, s0  }
0xbb: {  	s0 =	sadd.s32 $0x8F2B, s0  }
0xbc: {  	[sflag:s0] =	ssyncadd.remote.s32 $0x1  }
0xbd: {  	_ =	sfence.sel $0xFFFF  }
0xbe: {  	[dreg:$0x0] =	wrdreg $0xFFFFFFFF;
	(pc) =	sbr.abs _section_cstart, $3  }
0xbf: {  	[dreg:$0x1] =	wrdreg $0xFFFFFFFF  }
0xc0: {  	_ =	task.clear_ibuf [dreg:s6], $0x2FFFF;
	_ =	strace $0x9FFFFFFF  }
0xc1: {  	(tm) =	ssettm $0x7FFFFFFF  }
tec
execute0_lowered:
.L_overlay_start_1:
0x0: {  	(tag) =	ssettag $0x1  }
0x1: {  	s1 =	srdreg.scid;
	s0 =	stileid.u32  }
0x2: {  	s16 =	sand.u32 $0x1, s1;
	s26 =	sshll.u32 s0, $0x1  }
0x3: {  	s8 =	sor.u32 s16, s26  }
0x4: {  	s9 =	rddreg [dreg:$0x0];
	s17 =	smul.u32 $0x140, s8  }
0x5: {  	s2 =	simm.s32 $0x0;
	s1 =	rddreg [dreg:$0x1]  }
0x6: {  	[smem:$0x7FF] =	sst s2;
	s15 =	sadd.s32 $0x6000, s9;
	s3 =	sshrl.u32 s17, $0x3  }
0x7: {  	_ =	strace $0x80000047;
	s4 =	sadd.s32 s15, s3;
	s3 =	simm.s32 $0x2  }
0x8: {  	[tilespmem:s2], [sflag:$0x2] =	stream.linear.gather [hbm4b:s4+s2], $0x40, $0x38;
	[tilespmem:$0x840] =	vst v63  }
0x9: {  	_ =	swait.ge [sflag:s3], $0x40  }
0xa: {  	s6 =	simm.s32 $0x40;
	[sflag:s3] =	ssyncset.done $0x0  }
0xb: {  	s7 =	simm.s32 $0x1;
	s5 =	sadd.s32 $0x5E00, s9;
	[sflag:s3] =	ssyncadd.s32 $0xFFFFFFC0  }
0xc: {  	[tilespmem:s6], [sflag:$0x1] =	stream.indirect.gather [hbm4b:s5+s6], $0x20, s2, s6, $0xb8;
	[tilespmem:$0x840] =	vst v63  }
0xd: {  	s8 =	smul.u32 $0x500, s8;
	_ =	swait.ge [sflag:s7], $0x800  }
0xe: {  	s18 =	sadd.s32 $0x6600, s9;
	[sflag:s7] =	ssyncset.done $0x0  }
0xf: {  	s8 =	sadd.s32 s18, s8;
	[sflag:s7] =	ssyncadd.s32 $0xFFFFF800  }
0x10: {  	[hbm4b:s8+s2] =	stream.linear.scatter [tilespmem:s6], [sflag:$0x2], $0x800, $0x38;
	[tilespmem:$0x840] =	vst v63  }
0x11: {  	s10 =	sadd.s32 $0x40, s17;
	_ =	swait.ge [sflag:s3], $0x800  }
0x12: {  	s28 =	sshrl.u32 s10, $0x3;
	[sflag:s3] =	ssyncset.done $0x0  }
0x13: {  	s9 =	sadd.s32 s15, s28;
	[sflag:s3] =	ssyncadd.s32 $0xFFFFF800  }
0x14: {  	[tilespmem:s2], [sflag:$0x2] =	stream.linear.gather [hbm4b:s9+s2], $0x40, $0x38;
	[tilespmem:$0x840] =	vst v63  }
0x15: {  	_ =	swait.ge [sflag:s3], $0x40  }
0x16: {  	[sflag:s3] =	ssyncset.done $0x0  }
0x17: {  	[sflag:s3] =	ssyncadd.s32 $0xFFFFFFC0  }
0x18: {  	[tilespmem:s6], [sflag:$0x1] =	stream.indirect.gather [hbm4b:s5+s6], $0x20, s2, s6, $0xb8;
	[tilespmem:$0x840] =	vst v63  }
0x19: {  	_ =	swait.ge [sflag:s7], $0x800  }
0x1a: {  	s10 =	sshll.u32 s10, $0x2;
	[sflag:s7] =	ssyncset.done $0x0  }
0x1b: {  	s10 =	sadd.s32 s18, s10;
	[sflag:s7] =	ssyncadd.s32 $0xFFFFF800  }
0x1c: {  	[hbm4b:s10+s2] =	stream.linear.scatter [tilespmem:s6], [sflag:$0x2], $0x800, $0x38;
	[tilespmem:$0x840] =	vst v63  }
0x1d: {  	s12 =	sadd.s32 $0x80, s17;
	_ =	swait.ge [sflag:s3], $0x800  }
0x1e: {  	s11 =	sshrl.u32 s12, $0x3;
	[sflag:s3] =	ssyncset.done $0x0  }
0x1f: {  	s11 =	sadd.s32 s15, s11;
	[sflag:s3] =	ssyncadd.s32 $0xFFFFF800  }
0x20: {  	[tilespmem:s2], [sflag:$0x2] =	stream.linear.gather [hbm4b:s11+s2], $0x40, $0x38;
	[tilespmem:$0x840] =	vst v63  }
0x21: {  	_ =	swait.ge [sflag:s3], $0x40  }
0x22: {  	[sflag:s3] =	ssyncset.done $0x0  }
0x23: {  	[sflag:s3] =	ssyncadd.s32 $0xFFFFFFC0  }
0x24: {  	[tilespmem:s6], [sflag:$0x1] =	stream.indirect.gather [hbm4b:s5+s6], $0x20, s2, s6, $0xb8;
	[tilespmem:$0x840] =	vst v63  }
0x25: {  	_ =	swait.ge [sflag:s7], $0x800  }
0x26: {  	s12 =	sshll.u32 s12, $0x2;
	[sflag:s7] =	ssyncset.done $0x0  }
0x27: {  	s12 =	sadd.s32 s18, s12;
	[sflag:s7] =	ssyncadd.s32 $0xFFFFF800  }
0x28: {  	[hbm4b:s12+s2] =	stream.linear.scatter [tilespmem:s6], [sflag:$0x2], $0x800, $0x38;
	[tilespmem:$0x840] =	vst v63  }
0x29: {  	s14 =	sadd.s32 $0xC0, s17;
	_ =	swait.ge [sflag:s3], $0x800  }
0x2a: {  	s13 =	sshrl.u32 s14, $0x3;
	[sflag:s3] =	ssyncset.done $0x0  }
0x2b: {  	s13 =	sadd.s32 s15, s13;
	[sflag:s3] =	ssyncadd.s32 $0xFFFFF800  }
0x2c: {  	[tilespmem:s2], [sflag:$0x2] =	stream.linear.gather [hbm4b:s13+s2], $0x40, $0x38;
	[tilespmem:$0x840] =	vst v63  }
0x2d: {  	_ =	swait.ge [sflag:s3], $0x40  }
0x2e: {  	[sflag:s3] =	ssyncset.done $0x0  }
0x2f: {  	[sflag:s3] =	ssyncadd.s32 $0xFFFFFFC0  }
0x30: {  	[tilespmem:s6], [sflag:$0x1] =	stream.indirect.gather [hbm4b:s5+s6], $0x20, s2, s6, $0xb8;
	[tilespmem:$0x840] =	vst v63  }
0x31: {  	_ =	swait.ge [sflag:s7], $0x800  }
0x32: {  	s14 =	sshll.u32 s14, $0x2;
	[sflag:s7] =	ssyncset.done $0x0  }
0x33: {  	s14 =	sadd.s32 s18, s14;
	[sflag:s7] =	ssyncadd.s32 $0xFFFFF800  }
0x34: {  	[hbm4b:s14+s2] =	stream.linear.scatter [tilespmem:s6], [sflag:$0x2], $0x800, $0x38;
	[tilespmem:$0x840] =	vst v63  }
0x35: {  	s17 =	sadd.s32 $0x100, s17;
	_ =	swait.ge [sflag:s3], $0x800  }
0x36: {  	s19 =	sshrl.u32 s17, $0x3;
	[sflag:s3] =	ssyncset.done $0x0  }
0x37: {  	s16 =	ssub.s32 $0x2, s16;
	s15 =	sadd.s32 s15, s19;
	[sflag:s3] =	ssyncadd.s32 $0xFFFFF800  }
0x38: {  	[tilespmem:s2], [sflag:$0x2] =	stream.linear.gather [hbm4b:s15+s2], $0x40, $0x38;
	[tilespmem:$0x840] =	vst v63  }
0x39: {  	s29 =	sshrl.u32 s16, $0x1;
	_ =	swait.ge [sflag:s3], $0x40  }
0x3a: {  	s19 =	ssub.s32 s16, s29;
	[sflag:s3] =	ssyncset.done $0x0  }
0x3b: {  	s31 =	smax.u32 s19, $0x1;
	[sflag:s3] =	ssyncadd.s32 $0xFFFFFFC0  }
0x3c: {  	[tilespmem:s6], [sflag:$0x1] =	stream.indirect.gather [hbm4b:s5+s6], $0x20, s2, s6, $0xb8;
	[tilespmem:$0x840] =	vst v63  }
0x3d: {  	p0 =	sne.s32 s31, $0x1;
	_ =	swait.ge [sflag:s7], $0x800  }
.Ltmp0:
0x3e: {  	s30 =	sshll.u32 s17, $0x2;
	[sflag:s7] =	ssyncset.done $0x0;
	(pc) =	sbr.rel @!p0 .LBB2_2-.Ltmp0, $4  }
0x3f: {  	s16 =	sadd.s32 s18, s30;
	[sflag:s7] =	ssyncadd.s32 $0xFFFFF800  }
0x40: {  	[hbm4b:s16+s2] =	stream.linear.scatter [tilespmem:s6], [sflag:$0x2], $0x800, $0x38;
	[tilespmem:$0x840] =	vst v63  }
0x41: {  	_ =	swait.ge [sflag:s3], $0x800  }
0x42: {  	s17 =	sadd.s32 $0xFFFFFFFF, s31;
	[sflag:s3] =	ssyncset.done $0x0  }
.LBB2_1:
0x43: {  	p0 =	sne.s32 s17, $0x1;
	s17 =	sadd.s32 $0xFFFFFFFF, s17;
	[sflag:s3] =	ssyncadd.s32 $0xFFFFF800  }
0x44: {  	[tilespmem:s2], [sflag:$0x2] =	stream.linear.gather [hbm4b:s4+s2], $0x40, $0x38;
	[tilespmem:$0x840] =	vst v63  }
0x45: {  	_ =	swait.ge [sflag:s3], $0x40  }
0x46: {  	[sflag:s3] =	ssyncset.done $0x0  }
0x47: {  	[sflag:s3] =	ssyncadd.s32 $0xFFFFFFC0  }
0x48: {  	[tilespmem:s6], [sflag:$0x1] =	stream.indirect.gather [hbm4b:s5+s6], $0x20, s2, s6, $0xb8;
	[tilespmem:$0x840] =	vst v63  }
0x49: {  	_ =	swait.ge [sflag:s7], $0x800  }
0x4a: {  	[sflag:s7] =	ssyncset.done $0x0  }
0x4b: {  	[sflag:s7] =	ssyncadd.s32 $0xFFFFF800  }
0x4c: {  	[hbm4b:s8+s2] =	stream.linear.scatter [tilespmem:s6], [sflag:$0x2], $0x800, $0x38;
	[tilespmem:$0x840] =	vst v63  }
0x4d: {  	_ =	swait.ge [sflag:s3], $0x800  }
0x4e: {  	[sflag:s3] =	ssyncset.done $0x0  }
0x4f: {  	[sflag:s3] =	ssyncadd.s32 $0xFFFFF800  }
0x50: {  	[tilespmem:s2], [sflag:$0x2] =	stream.linear.gather [hbm4b:s9+s2], $0x40, $0x38;
	[tilespmem:$0x840] =	vst v63  }
0x51: {  	_ =	swait.ge [sflag:s3], $0x40  }
0x52: {  	[sflag:s3] =	ssyncset.done $0x0  }
0x53: {  	[sflag:s3] =	ssyncadd.s32 $0xFFFFFFC0  }
0x54: {  	[tilespmem:s6], [sflag:$0x1] =	stream.indirect.gather [hbm4b:s5+s6], $0x20, s2, s6, $0xb8;
	[tilespmem:$0x840] =	vst v63  }
0x55: {  	_ =	swait.ge [sflag:s7], $0x800  }
0x56: {  	[sflag:s7] =	ssyncset.done $0x0  }
0x57: {  	[sflag:s7] =	ssyncadd.s32 $0xFFFFF800  }
0x58: {  	[hbm4b:s10+s2] =	stream.linear.scatter [tilespmem:s6], [sflag:$0x2], $0x800, $0x38;
	[tilespmem:$0x840] =	vst v63  }
0x59: {  	_ =	swait.ge [sflag:s3], $0x800  }
0x5a: {  	[sflag:s3] =	ssyncset.done $0x0  }
0x5b: {  	[sflag:s3] =	ssyncadd.s32 $0xFFFFF800  }
0x5c: {  	[tilespmem:s2], [sflag:$0x2] =	stream.linear.gather [hbm4b:s11+s2], $0x40, $0x38;
	[tilespmem:$0x840] =	vst v63  }
0x5d: {  	_ =	swait.ge [sflag:s3], $0x40  }
0x5e: {  	[sflag:s3] =	ssyncset.done $0x0  }
0x5f: {  	[sflag:s3] =	ssyncadd.s32 $0xFFFFFFC0  }
0x60: {  	[tilespmem:s6], [sflag:$0x1] =	stream.indirect.gather [hbm4b:s5+s6], $0x20, s2, s6, $0xb8;
	[tilespmem:$0x840] =	vst v63  }
0x61: {  	_ =	swait.ge [sflag:s7], $0x800  }
0x62: {  	[sflag:s7] =	ssyncset.done $0x0  }
0x63: {  	[sflag:s7] =	ssyncadd.s32 $0xFFFFF800  }
0x64: {  	[hbm4b:s12+s2] =	stream.linear.scatter [tilespmem:s6], [sflag:$0x2], $0x800, $0x38;
	[tilespmem:$0x840] =	vst v63  }
0x65: {  	_ =	swait.ge [sflag:s3], $0x800  }
0x66: {  	[sflag:s3] =	ssyncset.done $0x0  }
0x67: {  	[sflag:s3] =	ssyncadd.s32 $0xFFFFF800  }
0x68: {  	[tilespmem:s2], [sflag:$0x2] =	stream.linear.gather [hbm4b:s13+s2], $0x40, $0x38;
	[tilespmem:$0x840] =	vst v63  }
0x69: {  	_ =	swait.ge [sflag:s3], $0x40  }
0x6a: {  	[sflag:s3] =	ssyncset.done $0x0  }
0x6b: {  	[sflag:s3] =	ssyncadd.s32 $0xFFFFFFC0  }
0x6c: {  	[tilespmem:s6], [sflag:$0x1] =	stream.indirect.gather [hbm4b:s5+s6], $0x20, s2, s6, $0xb8;
	[tilespmem:$0x840] =	vst v63  }
0x6d: {  	_ =	swait.ge [sflag:s7], $0x800  }
0x6e: {  	[sflag:s7] =	ssyncset.done $0x0  }
0x6f: {  	[sflag:s7] =	ssyncadd.s32 $0xFFFFF800  }
0x70: {  	[hbm4b:s14+s2] =	stream.linear.scatter [tilespmem:s6], [sflag:$0x2], $0x800, $0x38;
	[tilespmem:$0x840] =	vst v63  }
0x71: {  	_ =	swait.ge [sflag:s3], $0x800  }
0x72: {  	[sflag:s3] =	ssyncset.done $0x0  }
0x73: {  	[sflag:s3] =	ssyncadd.s32 $0xFFFFF800  }
0x74: {  	[tilespmem:s2], [sflag:$0x2] =	stream.linear.gather [hbm4b:s15+s2], $0x40, $0x38;
	[tilespmem:$0x840] =	vst v63  }
0x75: {  	_ =	swait.ge [sflag:s3], $0x40  }
0x76: {  	[sflag:s3] =	ssyncset.done $0x0  }
0x77: {  	[sflag:s3] =	ssyncadd.s32 $0xFFFFFFC0  }
0x78: {  	[tilespmem:s6], [sflag:$0x1] =	stream.indirect.gather [hbm4b:s5+s6], $0x20, s2, s6, $0xb8;
	[tilespmem:$0x840] =	vst v63  }
0x79: {  	_ =	swait.ge [sflag:s7], $0x800  }
.Ltmp1:
0x7a: {  	[sflag:s7] =	ssyncset.done $0x0;
	(pc) =	sbr.rel @p0 .LBB2_1-.Ltmp1, $4  }
0x7b: {  	[sflag:s7] =	ssyncadd.s32 $0xFFFFF800  }
0x7c: {  	[hbm4b:s16+s2] =	stream.linear.scatter [tilespmem:s6], [sflag:$0x2], $0x800, $0x38;
	[tilespmem:$0x840] =	vst v63  }
0x7d: {  	_ =	swait.ge [sflag:s3], $0x800  }
0x7e: {  	[sflag:s3] =	ssyncset.done $0x0  }
.LBB2_2:
0x7f: {  	[sflag:s3] =	ssyncadd.s32 $0xFFFFF800  }
0x80: {  	_ =	sfence.sel $0x180000  }
0x81: {  	[bflag:$0x0] =	sbarrier.arrive $0xFFFF  }
0x82: {  	p0 =	sne.s32 s0, $0x0;
	_ =	strace $0x90000047  }
0x83: {  	s0 =	sadd.s32 @!p0 $0x100000, s1;
	[bflag:$0x2] =	sbarrier.arrive $0xFFFF  }
0x84: {  	[sflag:s0] =	ssyncadd.tile.s32 @!p0 $0x1;
	_ =	shalt  }
.Lfunc_end2:
_tile_overlayer_lowered:
.L_overlay_start_2:
0x85: {  	(tag) =	ssettag $0x2  }
0x86: {  	s0 =	rddreg [dreg:$0x0];
	s2 =	stileid.u32  }
0x87: {  	s1 =	rddreg [dreg:$0x1];
	p0 =	sne.s32 s2, $0x0  }
0x88: {  	s3 =	rddreg [dreg:$0x2];
	[bflag:$0x3] =	sbarrier.arrive $0xFFFF;
	s2 =	simm.s32 @!p0 $0x1C02  }
0x89: {  	[timem:s3], [sflag:s2] =	dma.local @!p0 [hbm:s0], s1  }
0x8a: {  	s0 =	simm.s32 @!p0 $0x2  }
0x8b: {  	_ =	swait.ge @!p0 [sflag:s0], s1  }
0x8c: {  	s1 =	ssub.s32 @!p0 $0x0, s1;
	[sflag:s0] =	ssyncset.done @!p0 $0x0  }
0x8d: {  	[sflag:s0] =	ssyncadd.s32 @!p0 s1  }
0x8e: {  	[bflag:$0x3] =	sbarrier.arrive $0xFFFF  }
0x8f: {  	_ =	shalt  }

// kernel: kernel.17.cloned.1.call-start
scs
__scs_entry_jumppad:
0x0: {  	(pc) =	sbr.rel $0x88, $3  }
0x1: {  	(tag) =	ssettag $0x0;
	lr =	simm.s32 $0x1  }
0x2: {  	[smem:$0x3F92] =	sst lr;
	_ =	strace $0xD0000000  }
0x3: {  	_ = 	snop  }
0x4: {  	_ = 	snop  }
0x5: {  	_ = 	snop  }
0x6: {  	_ = 	snop  }
0x7: {  	_ = 	snop  }
__scs_overlays_trampoline_lowered:
0x8: {  	[smem:$0x3FA1] =	sst s0  }
0x9: {  	[smem:$0x3FA2] =	sst s1  }
0xa: {  	[smem:$0x3FA3] =	sst s2  }
0xb: {  	[smem:$0x3FA4] =	sst s3  }
0xc: {  	[smem:$0x3FA5] =	sst s4  }
0xd: {  	[smem:$0x3FA6] =	sst s5  }
0xe: {  	[smem:$0x3FA7] =	sst s6  }
0xf: {  	[smem:$0x3FA8] =	sst s7  }
0x10: {  	[smem:$0x3FA9] =	sst s8  }
0x11: {  	[smem:$0x3FAA] =	sst s9;
	s0 =	simm.s32 @!p0 $0x0  }
0x12: {  	s1 =	sld [smem:$0x3F90];
	s0 =	simm.s32 @p0 $0x1  }
0x13: {  	[smem:$0x3FAB] =	sst s0;
	s0 =	simm.s32 @!p1 $0x0  }
0x14: {  	s2 =	sld [smem:$0x3F8F];
	s0 =	simm.s32 @p1 $0x1  }
0x15: {  	[smem:$0x3FAC] =	sst s0;
	s0 =	simm.s32 @!p2 $0x0  }
0x16: {  	s3 =	sld [smem:$0x3FDB];
	s0 =	simm.s32 @p2 $0x1  }
0x17: {  	s4 =	simm.s32 $0x1BF5;
	[smem:$0x3FAE] =	sst s0  }
0x18: {  	s0 =	sld [smem:$0x3F91];
	_ =	swait.ge [sflag:s4], $0x0  }
0x19: {  	s7 =	sld [smem:$0x3F92]  }
0x1a: {  	s8 =	sadd.s32 $0xFFFFE003, lr  }
0x1b: {  	s9 =	sadd.s32 $0xFFFFFEF7, lr;
	s5 =	simm.s32 $0xFFFFFFFF;
	p2 =	slt.u32 s8, $0xFFFFF086  }
0x1c: {  	p1 =	slt.u32 s9, $0xF7A;
	s5 =	simm.s32 @!p2 $0x0  }
0x1d: {  	s5 =	simm.s32 @p1 $0x1;
	p0 =	seq.s32 s7, s2  }
0x1e: {  	s7 =	smul.u32 @!p0 $0xF7A, s2;
	p2 =	seq.s32 @!p0 s5, $0x0  }
0x1f: {  	s9 =	smul.u32 $0xF7A, s1;
	s8 =	simm.s32 @!p0 $0x1BF5;
	p2 =	por !p2, p0  }
0x20: {  	[sflag:s8] =	ssyncset.s32 @!p0 $0xFFFFF086;
	s6 =	sadd.s32 @!p0 s3, s7;
	s7 =	simm.s32 @!p0 $0x108  }
0x21: {  	s3 =	sadd.s32 s3, s9;
	s6 =	sadd.s32 @!p0 $0x88, s6;
	s7 =	simm.s32 @p2 $0x1082  }
0x22: {  	[simem:s7], [sflag:s8] =	dma.local @!p0 [hbm:s6], $0xF7A  }
0x23: {  	s9 =	sor.u32 $0xD0000000, s2;
	s6 =	simm.s32 $0x108;
	_ =	swait.ge @!p0 [sflag:s8], $0x0  }
0x24: {  	s3 =	sadd.s32 $0x88, s3;
	s6 =	simm.s32 @!p1 $0x1082;
	[sflag:s4] =	ssyncset.s32 $0xFFFFF086  }
0x25: {  	[simem:s6], [sflag:s4] =	dma.local [hbm:s3], $0xF7A  }
0x26: {  	[smem:$0x3F92] =	sst s1;
	(tag) =	ssettag s2;
	_ =	strace s9  }
0x27: {  	s1 =	sld [smem:$0x3FA2]  }
0x28: {  	s2 =	sld [smem:$0x3FA3]  }
0x29: {  	s4 =	sld [smem:$0x3FA5]  }
0x2a: {  	p0 =	seq.s32 s5, $0x0;
	s5 =	sld [smem:$0x3FA6]  }
0x2b: {  	s6 =	sld [smem:$0x3FA7]  }
0x2c: {  	s7 =	sld [smem:$0x3FA8]  }
0x2d: {  	s3 =	simm.s32 $0x108;
	s8 =	sld [smem:$0x3FA9]  }
0x2e: {  	s3 =	simm.s32 @!p0 $0x1082;
	s9 =	sld [smem:$0x3FAA]  }
0x2f: {  	lr =	sadd.s32 s0, s3;
	s0 =	sld [smem:$0x3FA1]  }
0x30: {  	s3 =	sld [smem:$0x3FA4]  }
0x31: {  	[smem:$0x3FAD] =	sst s10  }
0x32: {  	s10 =	sld [smem:$0x3FAB];
	_ =	sdelay $0x3  }
0x33: {  	p0 =	seq.s32 s10, $0x1;
	s10 =	sld [smem:$0x3FAD];
	_ =	sdelay $0x3  }
0x34: {  	[smem:$0x3FAD] =	sst s10  }
0x35: {  	s10 =	sld [smem:$0x3FAC];
	_ =	sdelay $0x3  }
0x36: {  	p1 =	seq.s32 s10, $0x1;
	s10 =	sld [smem:$0x3FAD];
	_ =	sdelay $0x3  }
0x37: {  	[smem:$0x3FAD] =	sst s10  }
0x38: {  	s10 =	sld [smem:$0x3FAE]  }
0x39: {  	_ = 	snop;
	(pc) =	sbr.ind lr, $3  }
0x3a: {  	_ = 	snop  }
0x3b: {  	_ = 	snop  }
0x3c: {  	p2 =	seq.s32 s10, $0x1;
	s10 =	sld [smem:$0x3FAD]  }
0x3d: {  	_ =	shalt  }
0x3e: {  	_ =	shalt  }
0x3f: {  	_ =	shalt  }
0x40: {  	_ =	shalt  }
0x41: {  	_ =	shalt  }
0x42: {  	_ =	shalt  }
0x43: {  	_ =	shalt  }
0x44: {  	_ =	shalt  }
0x45: {  	_ =	shalt  }
0x46: {  	_ =	shalt  }
0x47: {  	_ =	shalt  }
0x48: {  	_ =	shalt  }
0x49: {  	_ =	shalt  }
0x4a: {  	_ =	shalt  }
0x4b: {  	_ =	shalt  }
0x4c: {  	_ =	shalt  }
0x4d: {  	_ =	shalt  }
0x4e: {  	_ =	shalt  }
0x4f: {  	_ =	shalt  }
0x50: {  	_ =	shalt  }
0x51: {  	_ =	shalt  }
0x52: {  	_ =	shalt  }
0x53: {  	_ =	shalt  }
0x54: {  	_ =	shalt  }
0x55: {  	_ =	shalt  }
0x56: {  	_ =	shalt  }
0x57: {  	_ =	shalt  }
0x58: {  	_ =	shalt  }
0x59: {  	_ =	shalt  }
0x5a: {  	_ =	shalt  }
0x5b: {  	_ =	shalt  }
0x5c: {  	_ =	shalt  }
0x5d: {  	_ =	shalt  }
0x5e: {  	_ =	shalt  }
0x5f: {  	_ =	shalt  }
0x60: {  	_ =	shalt  }
0x61: {  	_ =	shalt  }
0x62: {  	_ =	shalt  }
0x63: {  	_ =	shalt  }
0x64: {  	_ =	shalt  }
0x65: {  	_ =	shalt  }
0x66: {  	_ =	shalt  }
0x67: {  	_ =	shalt  }
0x68: {  	_ =	shalt  }
0x69: {  	_ =	shalt  }
0x6a: {  	_ =	shalt  }
0x6b: {  	_ =	shalt  }
0x6c: {  	_ =	shalt  }
0x6d: {  	_ =	shalt  }
0x6e: {  	_ =	shalt  }
0x6f: {  	_ =	shalt  }
0x70: {  	_ =	shalt  }
0x71: {  	_ =	shalt  }
0x72: {  	_ =	shalt  }
0x73: {  	_ =	shalt  }
0x74: {  	_ =	shalt  }
0x75: {  	_ =	shalt  }
0x76: {  	_ =	shalt  }
0x77: {  	_ =	shalt  }
0x78: {  	_ =	shalt  }
0x79: {  	_ =	shalt  }
0x7a: {  	_ =	shalt  }
0x7b: {  	_ =	shalt  }
0x7c: {  	_ =	shalt  }
0x7d: {  	_ =	shalt  }
0x7e: {  	_ =	shalt  }
0x7f: {  	_ =	shalt  }
0x80: {  	_ =	shalt  }
0x81: {  	_ =	shalt  }
0x82: {  	_ =	shalt  }
0x83: {  	_ =	shalt  }
0x84: {  	_ =	shalt  }
0x85: {  	_ =	shalt  }
0x86: {  	_ =	shalt  }
0x87: {  	_ =	shalt  }
.Lfunc_end0:
.L_simem_size_0:
called_computation.1_lowered:
.L_overlay_start_0:
0x88: {  	s2 =	sld [smem:$0x3FD9]  }
0x89: {  	s3 =	sld [smem:$0x3FFE];
	_ =	sdelay $0x1  }
0x8a: {  	s1 =	srdreg.scid  }
0x8b: {  	s0 =	sand.u32 $0x1, s1  }
0x8c: {  	s16 =	sshll.u32 s0, $0xA;
	s2 =	sadd.s32 s3, s2  }
0x8d: {  	s2 =	sadd.s32 s2, s16  }
0x8e: {  	[smem:$0x3FB9] =	sst s2  }
0x8f: {  	_ = 	snop  }
0x90: {  	(tm) =	ssettm $0x1  }
0x91: {  	s17 =	sld [smem:$0x3FFB];
	_ =	sdelay $0x3  }
0x92: {  	_ =	strace s17  }
0x93: {  	s2 =	sld [smem:$0x3FFC];
	_ =	sdelay $0x3  }
0x94: {  	_ =	strace s2  }
0x95: {  	s2 =	sld [smem:$0x3FFD];
	_ =	sdelay $0x3  }
0x96: {  	_ =	strace s2  }
0x97: {  	_ =	strace $0x8FFFFFFF  }
0x98: {  	s18 =	sld [smem:$0x3FDB];
	_ =	sdelay $0x1  }
0x99: {  	s19 =	simm.s32 $_scs_section_size  }
0x9a: {  	s4 =	simm.s32 $_size__tile_overlayer_lowered;
	s5 =	simm.s32 $_tile_overlayer_lowered  }
0x9b: {  	s22 =	simm.s32 $0x1BFF;
	s21 =	sshll.u32 s5, $0x1;
	s2 =	sadd.s32 s19, s18  }
0x9c: {  	s6 =	simm.s32 $0x0;
	s20 =	sshll.u32 s4, $0x1;
	s4 =	sadd.s32 s21, s2  }
0x9d: {  	[timem:s6], [sflag:s22] =	dma.local [hbm:s4], s20  }
0x9e: {  	_ =	swait.ge [sflag:s22], s20  }
0x9f: {  	s3 =	ssub.s32 $0x0, s20;
	[sflag:s22] =	ssyncset.done $0x0  }
0xa0: {  	[sflag:s22] =	ssyncadd.s32 s3;
	_ =	sdelay $0x1  }
0xa1: {  	s23 =	simm.s32 $0x1B8B  }
0xa2: {  	_ =	swait.ge [sflag:s23], $0x1  }
0xa3: {  	[sflag:s23] =	ssyncset.done $0x0  }
0xa4: {  	s25 =	simm.s32 $0x1B8E;
	s24 =	sld [smem:$0x3FFE];
	[sflag:s23] =	ssyncadd.s32 $0xFFFFFFFF  }
0xa5: {  	s26 =	simm.s32 $execute0_lowered;
	[smem:$0x3FD2] =	sst s25  }
0xa6: {  	s4 =	sshll.u32 s26, $0x1;
	_ =	strace $0x80000049;
	[dreg:$0x1] =	wrdreg $0xFFFFFFFF  }
0xa7: {  	s28 =	simm.s32 $_size_execute0_lowered;
	s2 =	sadd.s32 s2, s4;
	[dreg:$0x0] =	wrdreg $0x0  }
0xa8: {  	s4 =	sshll.u32 s28, $0x1;
	[dreg:$0x2] =	wrdreg s2  }
0xa9: {  	[dreg:$0x3] =	wrdreg s4  }
0xaa: {  	[dreg:$0x4] =	wrdreg $0xC0  }
0xab: {  	_ =	task [dreg:s6], $0x5FFFF  }
0xac: {  	[dreg:$0x1] =	wrdreg $0xFFFFFFFF  }
0xad: {  	[dreg:$0x0] =	wrdreg $0x60  }
0xae: {  	[dreg:$0x2] =	wrdreg s24  }
0xaf: {  	[dreg:$0x3] =	wrdreg $0x9  }
0xb0: {  	_ =	task.clear_ibuf [dreg:s6], $0x4FFFF;
	_ =	strace $0x90000049  }
0xb1: {  	s29 =	simm.s32 $0x9;
	_ =	strace $0x8000004B  }
0xb2: {  	_ =	swait.ge [sflag:s29], $0x1  }
0xb3: {  	[sflag:s29] =	ssyncadd.s32 $0xFFFFFFFF  }
0xb4: {  	_ =	strace $0x9000004B  }
0xb5: {  	_ =	sfence  }
0xb6: {  	s30 =	sld [smem:$0x0];
	_ =	sdelay $0x2  }
0xb7: {  	s31 =	sshll.u32 s1, $0xD;
	s1 =	sshrl.u32 s1, $0x2  }
0xb8: {  	s3 =	sand.u32 $0x4000, s31;
	s1 =	sadd.s32 s1, s30  }
0xb9: {  	s0 =	sor.u32 s3, s0;
	s1 =	sshll.u32 s1, $0x11  }
0xba: {  	s0 =	sor.u32 s1, s0  }
0xbb: {  	s0 =	sadd.s32 $0x8F2B, s0  }
0xbc: {  	[sflag:s0] =	ssyncadd.remote.s32 $0x1  }
0xbd: {  	_ =	sfence.sel $0xFFFF  }
0xbe: {  	[dreg:$0x0] =	wrdreg $0xFFFFFFFF;
	(pc) =	sbr.abs _section_cstart, $3  }
0xbf: {  	[dreg:$0x1] =	wrdreg $0xFFFFFFFF  }
0xc0: {  	_ =	task.clear_ibuf [dreg:s6], $0x2FFFF;
	_ =	strace $0x9FFFFFFF  }
0xc1: {  	(tm) =	ssettm $0x7FFFFFFF  }
tec
execute0_lowered:
.L_overlay_start_1:
0x0: {  	(tag) =	ssettag $0x1  }
0x1: {  	s4 =	rddreg [dreg:$0x0]  }
0x2: {  	s0 =	rddreg [dreg:$0x1];
	s2 =	simm.s32 $0x0;
	s1 =	stileid.u32  }
0x3: {  	s3 =	srdreg.scid;
	s10 =	simm.s32 $0x0;
	s6 =	smul.u32 $0x2800, s1  }
0x4: {  	[smem:$0x7FF] =	sst s2;
	s5 =	sand.u32 $0x1, s3;
	s8 =	smul.u32 $0xA000, s1  }
0x5: {  	s3 =	sadd.s32 $0x63800, s4;
	s7 =	smul.u32 $0x1400, s5;
	s9 =	ssub.s32 $0x2, s5  }
0x6: {  	_ =	strace $0x8000004A;
	s5 =	smul.u32 $0x5000, s5;
	s31 =	sshrl.u32 s9, $0x1  }
0x7: {  	s8 =	sadd.s32 s8, s4;
	s6 =	sadd.s32 s7, s6;
	s7 =	ssub.s32 s9, s31  }
0x8: {  	s5 =	sadd.s32 s5, s8;
	s8 =	simm.s32 $0x80;
	s6 =	sshrl.u32 s6, $0x3  }
0x9: {  	s9 =	simm.s32 $0x1;
	s5 =	sadd.s32 $0x77200, s5;
	s6 =	sadd.s32 s6, s4  }
0xa: {  	s4 =	smax.u32 s7, $0x1;
	s7 =	simm.s32 $0x2;
	s6 =	sadd.s32 $0x10600, s6  }
.LBB2_1:
0xb: {  	s11 =	sadd.s32 $0x0, s6  }
0xc: {  	[tilespmem:s2], [sflag:$0x2] =	stream.linear.gather [hbm4b:s11+s2], $0x80, $0x38;
	[tilespmem:$0x1080] =	vst v63  }
0xd: {  	_ =	swait.ge [sflag:s7], $0x80  }
0xe: {  	[sflag:s7] =	ssyncset.done $0x0  }
0xf: {  	[sflag:s7] =	ssyncadd.s32 $0xFFFFFF80  }
0x10: {  	[tilespmem:s8], [sflag:$0x1] =	stream.indirect.gather [hbm4b:s3+s8], $0x20, s2, s8, $0xb8;
	[tilespmem:$0x1080] =	vst v63  }
0x11: {  	_ =	swait.ge [sflag:s9], $0x1000  }
0x12: {  	[sflag:s9] =	ssyncset.done $0x0  }
0x13: {  	[sflag:s9] =	ssyncadd.s32 $0xFFFFF000  }
0x14: {  	[hbm4b:s5+s2] =	stream.linear.scatter [tilespmem:s8], [sflag:$0x2], $0x1000, $0x38;
	[tilespmem:$0x1080] =	vst v63  }
0x15: {  	s12 =	simm.s32 $0x10;
	_ =	swait.ge [sflag:s7], $0x1000  }
0x16: {  	s13 =	simm.s32 $0x20;
	s11 =	sadd.s32 $0x200, s5;
	[sflag:s7] =	ssyncset.done $0x0  }
.LBB2_2:
0x17: {  	s14 =	sadd.s32 s12, s6  }
0x18: {  	[sflag:s7] =	ssyncadd.s32 $0xFFFFF000;
	s12 =	smov.u32 s13;
	s15 =	sadd.s32 $0x10, s13  }
0x19: {  	[tilespmem:s2], [sflag:$0x2] =	stream.linear.gather [hbm4b:s14+s2], $0x80, $0x38;
	[tilespmem:$0x1080] =	vst v63  }
0x1a: {  	p0 =	sne.s32 s13, $0x270;
	_ =	swait.ge [sflag:s7], $0x80  }
0x1b: {  	[sflag:s7] =	ssyncset.done $0x0  }
0x1c: {  	[sflag:s7] =	ssyncadd.s32 $0xFFFFFF80  }
0x1d: {  	[tilespmem:s8], [sflag:$0x1] =	stream.indirect.gather [hbm4b:s3+s8], $0x20, s2, s8, $0xb8;
	[tilespmem:$0x1080] =	vst v63  }
0x1e: {  	_ =	swait.ge [sflag:s9], $0x1000  }
.Ltmp0:
0x1f: {  	[sflag:s9] =	ssyncset.done $0x0;
	(pc) =	sbr.rel @p0 .LBB2_2-.Ltmp0, $4  }
0x20: {  	[sflag:s9] =	ssyncadd.s32 $0xFFFFF000  }
0x21: {  	[hbm4b:s11+s2] =	stream.linear.scatter [tilespmem:s8], [sflag:$0x2], $0x1000, $0x38;
	[tilespmem:$0x1080] =	vst v63  }
0x22: {  	_ =	swait.ge [sflag:s7], $0x1000  }
0x23: {  	s13 =	smov.u32 s15;
	s11 =	sadd.s32 $0x200, s11;
	[sflag:s7] =	ssyncset.done $0x0  }
0x24: {  	s12 =	sadd.s32 s12, s6;
	[sflag:s7] =	ssyncadd.s32 $0xFFFFF000  }
0x25: {  	[tilespmem:s2], [sflag:$0x2] =	stream.linear.gather [hbm4b:s12+s2], $0x80, $0x38;
	[tilespmem:$0x1080] =	vst v63  }
0x26: {  	_ =	swait.ge [sflag:s7], $0x80  }
0x27: {  	[sflag:s7] =	ssyncset.done $0x0  }
0x28: {  	[sflag:s7] =	ssyncadd.s32 $0xFFFFFF80  }
0x29: {  	[tilespmem:s8], [sflag:$0x1] =	stream.indirect.gather [hbm4b:s3+s8], $0x20, s2, s8, $0xb8;
	[tilespmem:$0x1080] =	vst v63  }
0x2a: {  	s10 =	sadd.s32 $0x1, s10;
	_ =	swait.ge [sflag:s9], $0x1000  }
0x2b: {  	p0 =	sne.s32 s10, s4;
	[sflag:s9] =	ssyncset.done $0x0  }
.Ltmp1:
0x2c: {  	[sflag:s9] =	ssyncadd.s32 $0xFFFFF000;
	(pc) =	sbr.rel @p0 .LBB2_1-.Ltmp1, $4  }
0x2d: {  	[hbm4b:s11+s2] =	stream.linear.scatter [tilespmem:s8], [sflag:$0x2], $0x1000, $0x38;
	[tilespmem:$0x1080] =	vst v63  }
0x2e: {  	_ =	swait.ge [sflag:s7], $0x1000  }
0x2f: {  	[sflag:s7] =	ssyncset.done $0x0  }
0x30: {  	[sflag:s7] =	ssyncadd.s32 $0xFFFFF000  }
0x31: {  	_ =	sfence.sel $0x180000  }
0x32: {  	[bflag:$0x0] =	sbarrier.arrive $0xFFFF  }
0x33: {  	p0 =	sne.s32 s1, $0x0;
	_ =	strace $0x9000004A  }
0x34: {  	s0 =	sadd.s32 @!p0 $0x100000, s0;
	[bflag:$0x2] =	sbarrier.arrive $0xFFFF  }
0x35: {  	[sflag:s0] =	ssyncadd.tile.s32 @!p0 $0x1;
	_ =	shalt  }
.Lfunc_end2:
_tile_overlayer_lowered:
.L_overlay_start_2:
0x36: {  	(tag) =	ssettag $0x2  }
0x37: {  	s0 =	rddreg [dreg:$0x0];
	s2 =	stileid.u32  }
0x38: {  	s1 =	rddreg [dreg:$0x1];
	p0 =	sne.s32 s2, $0x0  }
0x39: {  	s3 =	rddreg [dreg:$0x2];
	[bflag:$0x3] =	sbarrier.arrive $0xFFFF;
	s2 =	simm.s32 @!p0 $0x1C02  }
0x3a: {  	[timem:s3], [sflag:s2] =	dma.local @!p0 [hbm:s0], s1  }
0x3b: {  	s0 =	simm.s32 @!p0 $0x2  }
0x3c: {  	_ =	swait.ge @!p0 [sflag:s0], s1  }
0x3d: {  	s1 =	ssub.s32 @!p0 $0x0, s1;
	[sflag:s0] =	ssyncset.done @!p0 $0x0  }
0x3e: {  	[sflag:s0] =	ssyncadd.s32 @!p0 s1  }
0x3f: {  	[bflag:$0x3] =	sbarrier.arrive $0xFFFF  }
0x40: {  	_ =	shalt  }

// kernel: kernel.20.cloned.1.call-start
scs
__scs_entry_jumppad:
0x0: {  	(pc) =	sbr.rel $0x88, $3  }
0x1: {  	(tag) =	ssettag $0x0;
	lr =	simm.s32 $0x1  }
0x2: {  	[smem:$0x3F92] =	sst lr;
	_ =	strace $0xD0000000  }
0x3: {  	_ = 	snop  }
0x4: {  	_ = 	snop  }
0x5: {  	_ = 	snop  }
0x6: {  	_ = 	snop  }
0x7: {  	_ = 	snop  }
__scs_overlays_trampoline_lowered:
0x8: {  	[smem:$0x3FA1] =	sst s0  }
0x9: {  	[smem:$0x3FA2] =	sst s1  }
0xa: {  	[smem:$0x3FA3] =	sst s2  }
0xb: {  	[smem:$0x3FA4] =	sst s3  }
0xc: {  	[smem:$0x3FA5] =	sst s4  }
0xd: {  	[smem:$0x3FA6] =	sst s5  }
0xe: {  	[smem:$0x3FA7] =	sst s6  }
0xf: {  	[smem:$0x3FA8] =	sst s7  }
0x10: {  	[smem:$0x3FA9] =	sst s8  }
0x11: {  	[smem:$0x3FAA] =	sst s9;
	s0 =	simm.s32 @!p0 $0x0  }
0x12: {  	s1 =	sld [smem:$0x3F90];
	s0 =	simm.s32 @p0 $0x1  }
0x13: {  	[smem:$0x3FAB] =	sst s0;
	s0 =	simm.s32 @!p1 $0x0  }
0x14: {  	s2 =	sld [smem:$0x3F8F];
	s0 =	simm.s32 @p1 $0x1  }
0x15: {  	[smem:$0x3FAC] =	sst s0;
	s0 =	simm.s32 @!p2 $0x0  }
0x16: {  	s3 =	sld [smem:$0x3FDB];
	s0 =	simm.s32 @p2 $0x1  }
0x17: {  	s4 =	simm.s32 $0x1BF5;
	[smem:$0x3FAE] =	sst s0  }
0x18: {  	s0 =	sld [smem:$0x3F91];
	_ =	swait.ge [sflag:s4], $0x0  }
0x19: {  	s7 =	sld [smem:$0x3F92]  }
0x1a: {  	s8 =	sadd.s32 $0xFFFFE003, lr  }
0x1b: {  	s9 =	sadd.s32 $0xFFFFFEF7, lr;
	s5 =	simm.s32 $0xFFFFFFFF;
	p2 =	slt.u32 s8, $0xFFFFF086  }
0x1c: {  	p1 =	slt.u32 s9, $0xF7A;
	s5 =	simm.s32 @!p2 $0x0  }
0x1d: {  	s5 =	simm.s32 @p1 $0x1;
	p0 =	seq.s32 s7, s2  }
0x1e: {  	s7 =	smul.u32 @!p0 $0xF7A, s2;
	p2 =	seq.s32 @!p0 s5, $0x0  }
0x1f: {  	s9 =	smul.u32 $0xF7A, s1;
	s8 =	simm.s32 @!p0 $0x1BF5;
	p2 =	por !p2, p0  }
0x20: {  	[sflag:s8] =	ssyncset.s32 @!p0 $0xFFFFF086;
	s6 =	sadd.s32 @!p0 s3, s7;
	s7 =	simm.s32 @!p0 $0x108  }
0x21: {  	s3 =	sadd.s32 s3, s9;
	s6 =	sadd.s32 @!p0 $0x88, s6;
	s7 =	simm.s32 @p2 $0x1082  }
0x22: {  	[simem:s7], [sflag:s8] =	dma.local @!p0 [hbm:s6], $0xF7A  }
0x23: {  	s9 =	sor.u32 $0xD0000000, s2;
	s6 =	simm.s32 $0x108;
	_ =	swait.ge @!p0 [sflag:s8], $0x0  }
0x24: {  	s3 =	sadd.s32 $0x88, s3;
	s6 =	simm.s32 @!p1 $0x1082;
	[sflag:s4] =	ssyncset.s32 $0xFFFFF086  }
0x25: {  	[simem:s6], [sflag:s4] =	dma.local [hbm:s3], $0xF7A  }
0x26: {  	[smem:$0x3F92] =	sst s1;
	(tag) =	ssettag s2;
	_ =	strace s9  }
0x27: {  	s1 =	sld [smem:$0x3FA2]  }
0x28: {  	s2 =	sld [smem:$0x3FA3]  }
0x29: {  	s4 =	sld [smem:$0x3FA5]  }
0x2a: {  	p0 =	seq.s32 s5, $0x0;
	s5 =	sld [smem:$0x3FA6]  }
0x2b: {  	s6 =	sld [smem:$0x3FA7]  }
0x2c: {  	s7 =	sld [smem:$0x3FA8]  }
0x2d: {  	s3 =	simm.s32 $0x108;
	s8 =	sld [smem:$0x3FA9]  }
0x2e: {  	s3 =	simm.s32 @!p0 $0x1082;
	s9 =	sld [smem:$0x3FAA]  }
0x2f: {  	lr =	sadd.s32 s0, s3;
	s0 =	sld [smem:$0x3FA1]  }
0x30: {  	s3 =	sld [smem:$0x3FA4]  }
0x31: {  	[smem:$0x3FAD] =	sst s10  }
0x32: {  	s10 =	sld [smem:$0x3FAB];
	_ =	sdelay $0x3  }
0x33: {  	p0 =	seq.s32 s10, $0x1;
	s10 =	sld [smem:$0x3FAD];
	_ =	sdelay $0x3  }
0x34: {  	[smem:$0x3FAD] =	sst s10  }
0x35: {  	s10 =	sld [smem:$0x3FAC];
	_ =	sdelay $0x3  }
0x36: {  	p1 =	seq.s32 s10, $0x1;
	s10 =	sld [smem:$0x3FAD];
	_ =	sdelay $0x3  }
0x37: {  	[smem:$0x3FAD] =	sst s10  }
0x38: {  	s10 =	sld [smem:$0x3FAE]  }
0x39: {  	_ = 	snop;
	(pc) =	sbr.ind lr, $3  }
0x3a: {  	_ = 	snop  }
0x3b: {  	_ = 	snop  }
0x3c: {  	p2 =	seq.s32 s10, $0x1;
	s10 =	sld [smem:$0x3FAD]  }
0x3d: {  	_ =	shalt  }
0x3e: {  	_ =	shalt  }
0x3f: {  	_ =	shalt  }
0x40: {  	_ =	shalt  }
0x41: {  	_ =	shalt  }
0x42: {  	_ =	shalt  }
0x43: {  	_ =	shalt  }
0x44: {  	_ =	shalt  }
0x45: {  	_ =	shalt  }
0x46: {  	_ =	shalt  }
0x47: {  	_ =	shalt  }
0x48: {  	_ =	shalt  }
0x49: {  	_ =	shalt  }
0x4a: {  	_ =	shalt  }
0x4b: {  	_ =	shalt  }
0x4c: {  	_ =	shalt  }
0x4d: {  	_ =	shalt  }
0x4e: {  	_ =	shalt  }
0x4f: {  	_ =	shalt  }
0x50: {  	_ =	shalt  }
0x51: {  	_ =	shalt  }
0x52: {  	_ =	shalt  }
0x53: {  	_ =	shalt  }
0x54: {  	_ =	shalt  }
0x55: {  	_ =	shalt  }
0x56: {  	_ =	shalt  }
0x57: {  	_ =	shalt  }
0x58: {  	_ =	shalt  }
0x59: {  	_ =	shalt  }
0x5a: {  	_ =	shalt  }
0x5b: {  	_ =	shalt  }
0x5c: {  	_ =	shalt  }
0x5d: {  	_ =	shalt  }
0x5e: {  	_ =	shalt  }
0x5f: {  	_ =	shalt  }
0x60: {  	_ =	shalt  }
0x61: {  	_ =	shalt  }
0x62: {  	_ =	shalt  }
0x63: {  	_ =	shalt  }
0x64: {  	_ =	shalt  }
0x65: {  	_ =	shalt  }
0x66: {  	_ =	shalt  }
0x67: {  	_ =	shalt  }
0x68: {  	_ =	shalt  }
0x69: {  	_ =	shalt  }
0x6a: {  	_ =	shalt  }
0x6b: {  	_ =	shalt  }
0x6c: {  	_ =	shalt  }
0x6d: {  	_ =	shalt  }
0x6e: {  	_ =	shalt  }
0x6f: {  	_ =	shalt  }
0x70: {  	_ =	shalt  }
0x71: {  	_ =	shalt  }
0x72: {  	_ =	shalt  }
0x73: {  	_ =	shalt  }
0x74: {  	_ =	shalt  }
0x75: {  	_ =	shalt  }
0x76: {  	_ =	shalt  }
0x77: {  	_ =	shalt  }
0x78: {  	_ =	shalt  }
0x79: {  	_ =	shalt  }
0x7a: {  	_ =	shalt  }
0x7b: {  	_ =	shalt  }
0x7c: {  	_ =	shalt  }
0x7d: {  	_ =	shalt  }
0x7e: {  	_ =	shalt  }
0x7f: {  	_ =	shalt  }
0x80: {  	_ =	shalt  }
0x81: {  	_ =	shalt  }
0x82: {  	_ =	shalt  }
0x83: {  	_ =	shalt  }
0x84: {  	_ =	shalt  }
0x85: {  	_ =	shalt  }
0x86: {  	_ =	shalt  }
0x87: {  	_ =	shalt  }
.Lfunc_end0:
.L_simem_size_0:
called_computation.2_lowered:
.L_overlay_start_0:
0x88: {  	s2 =	sld [smem:$0x3FD9]  }
0x89: {  	s3 =	sld [smem:$0x3FFE];
	_ =	sdelay $0x1  }
0x8a: {  	s1 =	srdreg.scid  }
0x8b: {  	s0 =	sand.u32 $0x1, s1  }
0x8c: {  	s16 =	sshll.u32 s0, $0xA;
	s2 =	sadd.s32 s3, s2  }
0x8d: {  	s2 =	sadd.s32 s2, s16  }
0x8e: {  	[smem:$0x3FB9] =	sst s2  }
0x8f: {  	_ = 	snop  }
0x90: {  	(tm) =	ssettm $0x1  }
0x91: {  	s17 =	sld [smem:$0x3FFB];
	_ =	sdelay $0x3  }
0x92: {  	_ =	strace s17  }
0x93: {  	s2 =	sld [smem:$0x3FFC];
	_ =	sdelay $0x3  }
0x94: {  	_ =	strace s2  }
0x95: {  	s2 =	sld [smem:$0x3FFD];
	_ =	sdelay $0x3  }
0x96: {  	_ =	strace s2  }
0x97: {  	_ =	strace $0x8FFFFFFF  }
0x98: {  	s18 =	sld [smem:$0x3FDB];
	_ =	sdelay $0x1  }
0x99: {  	s19 =	simm.s32 $_scs_section_size  }
0x9a: {  	s4 =	simm.s32 $_size__tile_overlayer_lowered;
	s5 =	simm.s32 $_tile_overlayer_lowered  }
0x9b: {  	s22 =	simm.s32 $0x1BFF;
	s21 =	sshll.u32 s5, $0x1;
	s2 =	sadd.s32 s19, s18  }
0x9c: {  	s6 =	simm.s32 $0x0;
	s20 =	sshll.u32 s4, $0x1;
	s4 =	sadd.s32 s21, s2  }
0x9d: {  	[timem:s6], [sflag:s22] =	dma.local [hbm:s4], s20  }
0x9e: {  	_ =	swait.ge [sflag:s22], s20  }
0x9f: {  	s3 =	ssub.s32 $0x0, s20;
	[sflag:s22] =	ssyncset.done $0x0  }
0xa0: {  	[sflag:s22] =	ssyncadd.s32 s3;
	_ =	sdelay $0x1  }
0xa1: {  	s23 =	simm.s32 $0x1B8B  }
0xa2: {  	_ =	swait.ge [sflag:s23], $0x1  }
0xa3: {  	[sflag:s23] =	ssyncset.done $0x0  }
0xa4: {  	s25 =	simm.s32 $0x1B8E;
	s24 =	sld [smem:$0x3FFE];
	[sflag:s23] =	ssyncadd.s32 $0xFFFFFFFF  }
0xa5: {  	s26 =	simm.s32 $execute0_lowered;
	[smem:$0x3FD2] =	sst s25  }
0xa6: {  	s4 =	sshll.u32 s26, $0x1;
	_ =	strace $0x8000004C;
	[dreg:$0x1] =	wrdreg $0xFFFFFFFF  }
0xa7: {  	s28 =	simm.s32 $_size_execute0_lowered;
	s2 =	sadd.s32 s2, s4;
	[dreg:$0x0] =	wrdreg $0x0  }
0xa8: {  	s4 =	sshll.u32 s28, $0x1;
	[dreg:$0x2] =	wrdreg s2  }
0xa9: {  	[dreg:$0x3] =	wrdreg s4  }
0xaa: {  	[dreg:$0x4] =	wrdreg $0xC0  }
0xab: {  	_ =	task [dreg:s6], $0x5FFFF  }
0xac: {  	[dreg:$0x1] =	wrdreg $0xFFFFFFFF  }
0xad: {  	[dreg:$0x0] =	wrdreg $0x60  }
0xae: {  	[dreg:$0x2] =	wrdreg s24  }
0xaf: {  	[dreg:$0x3] =	wrdreg $0x0  }
0xb0: {  	[dreg:$0x4] =	wrdreg $0x9  }
0xb1: {  	_ =	task.clear_ibuf [dreg:s6], $0x5FFFF;
	_ =	strace $0x9000004C  }
0xb2: {  	s29 =	simm.s32 $0x9;
	_ =	strace $0x8000004E  }
0xb3: {  	_ =	swait.ge [sflag:s29], $0x1  }
0xb4: {  	[sflag:s29] =	ssyncadd.s32 $0xFFFFFFFF  }
0xb5: {  	_ =	strace $0x9000004E  }
0xb6: {  	_ =	sfence  }
0xb7: {  	s30 =	sld [smem:$0x0];
	_ =	sdelay $0x2  }
0xb8: {  	s31 =	sshll.u32 s1, $0xD;
	s1 =	sshrl.u32 s1, $0x2  }
0xb9: {  	s3 =	sand.u32 $0x4000, s31;
	s1 =	sadd.s32 s1, s30  }
0xba: {  	s0 =	sor.u32 s3, s0;
	s1 =	sshll.u32 s1, $0x11  }
0xbb: {  	s0 =	sor.u32 s1, s0  }
0xbc: {  	s0 =	sadd.s32 $0x8F2B, s0  }
0xbd: {  	[sflag:s0] =	ssyncadd.remote.s32 $0x1  }
0xbe: {  	_ =	sfence.sel $0xFFFF  }
0xbf: {  	[dreg:$0x0] =	wrdreg $0xFFFFFFFF;
	(pc) =	sbr.abs _section_cstart, $3  }
0xc0: {  	[dreg:$0x1] =	wrdreg $0xFFFFFFFF  }
0xc1: {  	_ =	task.clear_ibuf [dreg:s6], $0x2FFFF;
	_ =	strace $0x9FFFFFFF  }
0xc2: {  	(tm) =	ssettm $0x7FFFFFFF  }
0xc3: {  	_ =	shalt  }
tec
execute0_lowered:
.L_overlay_start_1:
0x0: {  	(tag) =	ssettag $0x1  }
0x1: {  	s4 =	rddreg [dreg:$0x0]  }
0x2: {  	s0 =	stileid.u32;
	s1 =	srdreg.scid  }
0x3: {  	s2 =	rddreg [dreg:$0x1];
	s6 =	smul.u32 $0x1400, s0  }
0x4: {  	s3 =	simm.s32 $0x0;
	s14 =	simm.s32 $0x80;
	s8 =	smul.u32 $0x5000, s0  }
0x5: {  	s5 =	sand.u32 $0x1, s1;
	s1 =	rddreg [dreg:$0x2];
	s26 =	smul.u32 $0xA00, s0  }
0x6: {  	s15 =	simm.s32 $0x0;
	[smem:$0x7FF] =	sst s3;
	s7 =	smul.u32 $0xA00, s5  }
0x7: {  	s31 =	sshll.u32 s0, $0x6;
	_ =	strace $0x8000004D;
	s10 =	smul.u32 $0xA000, s5  }
0x8: {  	s12 =	ssub.s32 $0x2, s5;
	s30 =	smul.u32 $0x2800, s5;
	s5 =	sor.u32 $0x1C01, s31  }
0x9: {  	s9 =	sadd.s32 s8, s4;
	s28 =	sshrl.u32 s8, $0x3;
	s29 =	sshrl.u32 s12, $0x1  }
0xa: {  	s13 =	sadd.s32 s8, s2;
	s6 =	sadd.s32 s7, s6;
	s7 =	sadd.s32 s26, s10  }
0xb: {  	s10 =	ssub.s32 s12, s29;
	s9 =	sadd.s32 s30, s9;
	s6 =	sshrl.u32 s6, $0x3  }
0xc: {  	s12 =	simm.s32 $0x5000;
	s11 =	sadd.s32 s6, s4;
	s6 =	sadd.s32 s28, s4  }
0xd: {  	s7 =	sadd.s32 s7, s4;
	s9 =	sadd.s32 $0x63800, s9;
	s4 =	sadd.s32 $0xB3800, s6  }
0xe: {  	s6 =	sadd.s32 $0xBD800, s7;
	s7 =	smax.u32 s10, $0x1;
	s8 =	sadd.s32 $0x6E00, s11  }
0xf: {  	s10 =	sshrl.u32 s13, $0x3;
	s11 =	simm.s32 $0x1;
	s13 =	simm.s32 $0x6000  }
.LBB2_1:
0x10: {  	[spmem:s10], [sflag:s5] =	dma.local [hbm:s4], $0xA00  }
0x11: {  	_ =	swait.ge [sflag:s11], $0xA00  }
0x12: {  	[sflag:s11] =	ssyncset.done $0x0  }
0x13: {  	[sflag:s11] =	ssyncadd.s32 $0xFFFFF600  }
0x14: {  	[bflag:$0x0] =	sbarrier.arrive $0xFFFF  }
0x15: {  	[tilespmem:s12], [sflag:$0x1] =	stream.linear.gather [hbm4b:s9+s3], $0x1000, $0x38;
	[tilespmem:$0x6080] =	vst v63  }
0x16: {  	_ =	swait.ge [sflag:s11], $0x1000  }
0x17: {  	[sflag:s11] =	ssyncset.done $0x0  }
0x18: {  	s16 =	sadd.s32 $0x0, s8;
	[sflag:s11] =	ssyncadd.s32 $0xFFFFF000  }
0x19: {  	[tilespmem:s13], [sflag:$0x1] =	stream.linear.gather [hbm4b:s16+s3], $0x80, $0x38;
	[tilespmem:$0x6080] =	vst v63  }
0x1a: {  	_ =	swait.ge [sflag:s11], $0x80  }
0x1b: {  	[sflag:s11] =	ssyncset.done $0x0  }
0x1c: {  	[sflag:s11] =	ssyncadd.s32 $0xFFFFFF80  }
0x1d: {  	[spmem:s2] =	stream.indirect.scatter.add.f32 [tilespmem:s12], [sflag:$0x1], $0x20, s13, s14, $0xb8;
	[tilespmem:$0x6080] =	vst v63  }
0x1e: {  	_ =	swait.ge [sflag:s11], $0x1000  }
0x1f: {  	s17 =	smov.u32 s9;
	s16 =	simm.s32 $0x10;
	[sflag:s11] =	ssyncset.done $0x0  }
.LBB2_2:
0x20: {  	p0 =	sne.s32 s16, $0x130;
	[sflag:s11] =	ssyncadd.s32 $0xFFFFF000;
	s17 =	sadd.s32 $0x200, s17  }
0x21: {  	[tilespmem:s12], [sflag:$0x1] =	stream.linear.gather [hbm4b:s17+s3], $0x1000, $0x38;
	[tilespmem:$0x6080] =	vst v63  }
0x22: {  	s18 =	smov.u32 s16;
	s16 =	sadd.s32 $0x10, s16;
	_ =	swait.ge [sflag:s11], $0x1000  }
0x23: {  	[sflag:s11] =	ssyncset.done $0x0  }
0x24: {  	s18 =	sadd.s32 s18, s8;
	[sflag:s11] =	ssyncadd.s32 $0xFFFFF000  }
0x25: {  	[tilespmem:s13], [sflag:$0x1] =	stream.linear.gather [hbm4b:s18+s3], $0x80, $0x38;
	[tilespmem:$0x6080] =	vst v63  }
0x26: {  	_ =	swait.ge [sflag:s11], $0x80  }
.Ltmp0:
0x27: {  	[sflag:s11] =	ssyncset.done $0x0;
	(pc) =	sbr.rel @p0 .LBB2_2-.Ltmp0, $4  }
0x28: {  	[sflag:s11] =	ssyncadd.s32 $0xFFFFFF80  }
0x29: {  	[spmem:s2] =	stream.indirect.scatter.add.f32 [tilespmem:s12], [sflag:$0x1], $0x20, s13, s14, $0xb8;
	[tilespmem:$0x6080] =	vst v63  }
0x2a: {  	_ =	swait.ge [sflag:s11], $0x1000  }
0x2b: {  	[sflag:s11] =	ssyncset.done $0x0  }
0x2c: {  	s15 =	sadd.s32 $0x1, s15  }
0x2d: {  	[sflag:s11] =	ssyncadd.s32 $0xFFFFF000;
	p0 =	sne.s32 s15, s7  }
.Ltmp1:
0x2e: {  	[bflag:$0x0] =	sbarrier.arrive $0xFFFF;
	(pc) =	sbr.rel @p0 .LBB2_1-.Ltmp1, $4  }
0x2f: {  	[hbm:s6], [sflag:s5] =	dma.local [spmem:s10], $0xA00  }
0x30: {  	_ =	swait.ge [sflag:s11], $0xA00  }
0x31: {  	[sflag:s11] =	ssyncset.done $0x0  }
0x32: {  	[sflag:s11] =	ssyncadd.s32 $0xFFFFF600  }
0x33: {  	_ =	sfence.sel $0x180000  }
0x34: {  	[bflag:$0x0] =	sbarrier.arrive $0xFFFF  }
0x35: {  	p0 =	sne.s32 s0, $0x0;
	_ =	strace $0x9000004D  }
0x36: {  	s0 =	sadd.s32 @!p0 $0x100000, s1;
	[bflag:$0x2] =	sbarrier.arrive $0xFFFF  }
0x37: {  	[sflag:s0] =	ssyncadd.tile.s32 @!p0 $0x1;
	_ =	shalt  }
.Lfunc_end2:
_tile_overlayer_lowered:
.L_overlay_start_2:
0x38: {  	(tag) =	ssettag $0x2  }
0x39: {  	s0 =	rddreg [dreg:$0x0];
	s2 =	stileid.u32  }
0x3a: {  	s1 =	rddreg [dreg:$0x1];
	p0 =	sne.s32 s2, $0x0  }
0x3b: {  	s3 =	rddreg [dreg:$0x2];
	[bflag:$0x3] =	sbarrier.arrive $0xFFFF;
	s2 =	simm.s32 @!p0 $0x1C01  }
0x3c: {  	[timem:s3], [sflag:s2] =	dma.local @!p0 [hbm:s0], s1  }
0x3d: {  	s0 =	simm.s32 @!p0 $0x1  }
0x3e: {  	_ =	swait.ge @!p0 [sflag:s0], s1  }
0x3f: {  	s1 =	ssub.s32 @!p0 $0x0, s1;
	[sflag:s0] =	ssyncset.done @!p0 $0x0  }
0x40: {  	[sflag:s0] =	ssyncadd.s32 @!p0 s1  }
0x41: {  	[bflag:$0x3] =	sbarrier.arrive $0xFFFF  }
0x42: {  	_ =	shalt  }

// kernel: kernel.23.cloned.1.call-start
scs
__scs_entry_jumppad:
0x0: {  	(pc) =	sbr.rel $0x88, $3  }
0x1: {  	(tag) =	ssettag $0x0;
	lr =	simm.s32 $0x1  }
0x2: {  	[smem:$0x3F92] =	sst lr;
	_ =	strace $0xD0000000  }
0x3: {  	_ = 	snop  }
0x4: {  	_ = 	snop  }
0x5: {  	_ = 	snop  }
0x6: {  	_ = 	snop  }
0x7: {  	_ = 	snop  }
__scs_overlays_trampoline_lowered:
0x8: {  	[smem:$0x3FA1] =	sst s0  }
0x9: {  	[smem:$0x3FA2] =	sst s1  }
0xa: {  	[smem:$0x3FA3] =	sst s2  }
0xb: {  	[smem:$0x3FA4] =	sst s3  }
0xc: {  	[smem:$0x3FA5] =	sst s4  }
0xd: {  	[smem:$0x3FA6] =	sst s5  }
0xe: {  	[smem:$0x3FA7] =	sst s6  }
0xf: {  	[smem:$0x3FA8] =	sst s7  }
0x10: {  	[smem:$0x3FA9] =	sst s8  }
0x11: {  	[smem:$0x3FAA] =	sst s9;
	s0 =	simm.s32 @!p0 $0x0  }
0x12: {  	s1 =	sld [smem:$0x3F90];
	s0 =	simm.s32 @p0 $0x1  }
0x13: {  	[smem:$0x3FAB] =	sst s0;
	s0 =	simm.s32 @!p1 $0x0  }
0x14: {  	s2 =	sld [smem:$0x3F8F];
	s0 =	simm.s32 @p1 $0x1  }
0x15: {  	[smem:$0x3FAC] =	sst s0;
	s0 =	simm.s32 @!p2 $0x0  }
0x16: {  	s3 =	sld [smem:$0x3FDB];
	s0 =	simm.s32 @p2 $0x1  }
0x17: {  	s4 =	simm.s32 $0x1BF5;
	[smem:$0x3FAE] =	sst s0  }
0x18: {  	s0 =	sld [smem:$0x3F91];
	_ =	swait.ge [sflag:s4], $0x0  }
0x19: {  	s7 =	sld [smem:$0x3F92]  }
0x1a: {  	s8 =	sadd.s32 $0xFFFFE003, lr  }
0x1b: {  	s9 =	sadd.s32 $0xFFFFFEF7, lr;
	s5 =	simm.s32 $0xFFFFFFFF;
	p2 =	slt.u32 s8, $0xFFFFF086  }
0x1c: {  	p1 =	slt.u32 s9, $0xF7A;
	s5 =	simm.s32 @!p2 $0x0  }
0x1d: {  	s5 =	simm.s32 @p1 $0x1;
	p0 =	seq.s32 s7, s2  }
0x1e: {  	s7 =	smul.u32 @!p0 $0xF7A, s2;
	p2 =	seq.s32 @!p0 s5, $0x0  }
0x1f: {  	s9 =	smul.u32 $0xF7A, s1;
	s8 =	simm.s32 @!p0 $0x1BF5;
	p2 =	por !p2, p0  }
0x20: {  	[sflag:s8] =	ssyncset.s32 @!p0 $0xFFFFF086;
	s6 =	sadd.s32 @!p0 s3, s7;
	s7 =	simm.s32 @!p0 $0x108  }
0x21: {  	s3 =	sadd.s32 s3, s9;
	s6 =	sadd.s32 @!p0 $0x88, s6;
	s7 =	simm.s32 @p2 $0x1082  }
0x22: {  	[simem:s7], [sflag:s8] =	dma.local @!p0 [hbm:s6], $0xF7A  }
0x23: {  	s9 =	sor.u32 $0xD0000000, s2;
	s6 =	simm.s32 $0x108;
	_ =	swait.ge @!p0 [sflag:s8], $0x0  }
0x24: {  	s3 =	sadd.s32 $0x88, s3;
	s6 =	simm.s32 @!p1 $0x1082;
	[sflag:s4] =	ssyncset.s32 $0xFFFFF086  }
0x25: {  	[simem:s6], [sflag:s4] =	dma.local [hbm:s3], $0xF7A  }
0x26: {  	[smem:$0x3F92] =	sst s1;
	(tag) =	ssettag s2;
	_ =	strace s9  }
0x27: {  	s1 =	sld [smem:$0x3FA2]  }
0x28: {  	s2 =	sld [smem:$0x3FA3]  }
0x29: {  	s4 =	sld [smem:$0x3FA5]  }
0x2a: {  	p0 =	seq.s32 s5, $0x0;
	s5 =	sld [smem:$0x3FA6]  }
0x2b: {  	s6 =	sld [smem:$0x3FA7]  }
0x2c: {  	s7 =	sld [smem:$0x3FA8]  }
0x2d: {  	s3 =	simm.s32 $0x108;
	s8 =	sld [smem:$0x3FA9]  }
0x2e: {  	s3 =	simm.s32 @!p0 $0x1082;
	s9 =	sld [smem:$0x3FAA]  }
0x2f: {  	lr =	sadd.s32 s0, s3;
	s0 =	sld [smem:$0x3FA1]  }
0x30: {  	s3 =	sld [smem:$0x3FA4]  }
0x31: {  	[smem:$0x3FAD] =	sst s10  }
0x32: {  	s10 =	sld [smem:$0x3FAB];
	_ =	sdelay $0x3  }
0x33: {  	p0 =	seq.s32 s10, $0x1;
	s10 =	sld [smem:$0x3FAD];
	_ =	sdelay $0x3  }
0x34: {  	[smem:$0x3FAD] =	sst s10  }
0x35: {  	s10 =	sld [smem:$0x3FAC];
	_ =	sdelay $0x3  }
0x36: {  	p1 =	seq.s32 s10, $0x1;
	s10 =	sld [smem:$0x3FAD];
	_ =	sdelay $0x3  }
0x37: {  	[smem:$0x3FAD] =	sst s10  }
0x38: {  	s10 =	sld [smem:$0x3FAE]  }
0x39: {  	_ = 	snop;
	(pc) =	sbr.ind lr, $3  }
0x3a: {  	_ = 	snop  }
0x3b: {  	_ = 	snop  }
0x3c: {  	p2 =	seq.s32 s10, $0x1;
	s10 =	sld [smem:$0x3FAD]  }
0x3d: {  	_ =	shalt  }
0x3e: {  	_ =	shalt  }
0x3f: {  	_ =	shalt  }
0x40: {  	_ =	shalt  }
0x41: {  	_ =	shalt  }
0x42: {  	_ =	shalt  }
0x43: {  	_ =	shalt  }
0x44: {  	_ =	shalt  }
0x45: {  	_ =	shalt  }
0x46: {  	_ =	shalt  }
0x47: {  	_ =	shalt  }
0x48: {  	_ =	shalt  }
0x49: {  	_ =	shalt  }
0x4a: {  	_ =	shalt  }
0x4b: {  	_ =	shalt  }
0x4c: {  	_ =	shalt  }
0x4d: {  	_ =	shalt  }
0x4e: {  	_ =	shalt  }
0x4f: {  	_ =	shalt  }
0x50: {  	_ =	shalt  }
0x51: {  	_ =	shalt  }
0x52: {  	_ =	shalt  }
0x53: {  	_ =	shalt  }
0x54: {  	_ =	shalt  }
0x55: {  	_ =	shalt  }
0x56: {  	_ =	shalt  }
0x57: {  	_ =	shalt  }
0x58: {  	_ =	shalt  }
0x59: {  	_ =	shalt  }
0x5a: {  	_ =	shalt  }
0x5b: {  	_ =	shalt  }
0x5c: {  	_ =	shalt  }
0x5d: {  	_ =	shalt  }
0x5e: {  	_ =	shalt  }
0x5f: {  	_ =	shalt  }
0x60: {  	_ =	shalt  }
0x61: {  	_ =	shalt  }
0x62: {  	_ =	shalt  }
0x63: {  	_ =	shalt  }
0x64: {  	_ =	shalt  }
0x65: {  	_ =	shalt  }
0x66: {  	_ =	shalt  }
0x67: {  	_ =	shalt  }
0x68: {  	_ =	shalt  }
0x69: {  	_ =	shalt  }
0x6a: {  	_ =	shalt  }
0x6b: {  	_ =	shalt  }
0x6c: {  	_ =	shalt  }
0x6d: {  	_ =	shalt  }
0x6e: {  	_ =	shalt  }
0x6f: {  	_ =	shalt  }
0x70: {  	_ =	shalt  }
0x71: {  	_ =	shalt  }
0x72: {  	_ =	shalt  }
0x73: {  	_ =	shalt  }
0x74: {  	_ =	shalt  }
0x75: {  	_ =	shalt  }
0x76: {  	_ =	shalt  }
0x77: {  	_ =	shalt  }
0x78: {  	_ =	shalt  }
0x79: {  	_ =	shalt  }
0x7a: {  	_ =	shalt  }
0x7b: {  	_ =	shalt  }
0x7c: {  	_ =	shalt  }
0x7d: {  	_ =	shalt  }
0x7e: {  	_ =	shalt  }
0x7f: {  	_ =	shalt  }
0x80: {  	_ =	shalt  }
0x81: {  	_ =	shalt  }
0x82: {  	_ =	shalt  }
0x83: {  	_ =	shalt  }
0x84: {  	_ =	shalt  }
0x85: {  	_ =	shalt  }
0x86: {  	_ =	shalt  }
0x87: {  	_ =	shalt  }
.Lfunc_end0:
.L_simem_size_0:
called_computation.3_lowered:
.L_overlay_start_0:
0x88: {  	s2 =	sld [smem:$0x3FD9]  }
0x89: {  	s3 =	sld [smem:$0x3FFE];
	_ =	sdelay $0x1  }
0x8a: {  	s1 =	srdreg.scid  }
0x8b: {  	s0 =	sand.u32 $0x1, s1  }
0x8c: {  	s16 =	sshll.u32 s0, $0xA;
	s2 =	sadd.s32 s3, s2  }
0x8d: {  	s2 =	sadd.s32 s2, s16  }
0x8e: {  	[smem:$0x3FB9] =	sst s2  }
0x8f: {  	_ = 	snop  }
0x90: {  	(tm) =	ssettm $0x1  }
0x91: {  	s17 =	sld [smem:$0x3FFB];
	_ =	sdelay $0x3  }
0x92: {  	_ =	strace s17  }
0x93: {  	s2 =	sld [smem:$0x3FFC];
	_ =	sdelay $0x3  }
0x94: {  	_ =	strace s2  }
0x95: {  	s2 =	sld [smem:$0x3FFD];
	_ =	sdelay $0x3  }
0x96: {  	_ =	strace s2  }
0x97: {  	_ =	strace $0x8FFFFFFF  }
0x98: {  	s18 =	sld [smem:$0x3FDB];
	_ =	sdelay $0x1  }
0x99: {  	s19 =	simm.s32 $_scs_section_size  }
0x9a: {  	s4 =	simm.s32 $_size__tile_overlayer_lowered;
	s5 =	simm.s32 $_tile_overlayer_lowered  }
0x9b: {  	s22 =	simm.s32 $0x1BFF;
	s21 =	sshll.u32 s5, $0x1;
	s2 =	sadd.s32 s19, s18  }
0x9c: {  	s6 =	simm.s32 $0x0;
	s20 =	sshll.u32 s4, $0x1;
	s4 =	sadd.s32 s21, s2  }
0x9d: {  	[timem:s6], [sflag:s22] =	dma.local [hbm:s4], s20  }
0x9e: {  	_ =	swait.ge [sflag:s22], s20  }
0x9f: {  	s3 =	ssub.s32 $0x0, s20;
	[sflag:s22] =	ssyncset.done $0x0  }
0xa0: {  	[sflag:s22] =	ssyncadd.s32 s3;
	_ =	sdelay $0x1  }
0xa1: {  	s23 =	simm.s32 $0x1B8B  }
0xa2: {  	_ =	swait.ge [sflag:s23], $0x1  }
0xa3: {  	[sflag:s23] =	ssyncset.done $0x0  }
0xa4: {  	s25 =	simm.s32 $0x1B8E;
	s24 =	sld [smem:$0x3FFE];
	[sflag:s23] =	ssyncadd.s32 $0xFFFFFFFF  }
0xa5: {  	s26 =	simm.s32 $execute0_lowered;
	[smem:$0x3FD2] =	sst s25  }
0xa6: {  	s4 =	sshll.u32 s26, $0x1;
	_ =	strace $0x8000004F;
	[dreg:$0x1] =	wrdreg $0xFFFFFFFF  }
0xa7: {  	s28 =	simm.s32 $_size_execute0_lowered;
	s2 =	sadd.s32 s2, s4;
	[dreg:$0x0] =	wrdreg $0x0  }
0xa8: {  	s4 =	sshll.u32 s28, $0x1;
	[dreg:$0x2] =	wrdreg s2  }
0xa9: {  	[dreg:$0x3] =	wrdreg s4  }
0xaa: {  	[dreg:$0x4] =	wrdreg $0xC0  }
0xab: {  	_ =	task [dreg:s6], $0x5FFFF  }
0xac: {  	[dreg:$0x1] =	wrdreg $0xFFFFFFFF  }
0xad: {  	[dreg:$0x0] =	wrdreg $0x60  }
0xae: {  	[dreg:$0x2] =	wrdreg s24  }
0xaf: {  	[dreg:$0x3] =	wrdreg $0x9  }
0xb0: {  	_ =	task.clear_ibuf [dreg:s6], $0x4FFFF;
	_ =	strace $0x9000004F  }
0xb1: {  	s29 =	simm.s32 $0x9;
	_ =	strace $0x80000051  }
0xb2: {  	_ =	swait.ge [sflag:s29], $0x1  }
0xb3: {  	[sflag:s29] =	ssyncadd.s32 $0xFFFFFFFF  }
0xb4: {  	_ =	strace $0x90000051  }
0xb5: {  	_ =	sfence  }
0xb6: {  	s30 =	sld [smem:$0x0];
	_ =	sdelay $0x2  }
0xb7: {  	s31 =	sshll.u32 s1, $0xD;
	s1 =	sshrl.u32 s1, $0x2  }
0xb8: {  	s3 =	sand.u32 $0x4000, s31;
	s1 =	sadd.s32 s1, s30  }
0xb9: {  	s0 =	sor.u32 s3, s0;
	s1 =	sshll.u32 s1, $0x11  }
0xba: {  	s0 =	sor.u32 s1, s0  }
0xbb: {  	s0 =	sadd.s32 $0x8F2B, s0  }
0xbc: {  	[sflag:s0] =	ssyncadd.remote.s32 $0x1  }
0xbd: {  	_ =	sfence.sel $0xFFFF  }
0xbe: {  	[dreg:$0x0] =	wrdreg $0xFFFFFFFF;
	(pc) =	sbr.abs _section_cstart, $3  }
0xbf: {  	[dreg:$0x1] =	wrdreg $0xFFFFFFFF  }
0xc0: {  	_ =	task.clear_ibuf [dreg:s6], $0x2FFFF;
	_ =	strace $0x9FFFFFFF  }
0xc1: {  	(tm) =	ssettm $0x7FFFFFFF  }
tec
execute0_lowered:
.L_overlay_start_1:
0x0: {  	(tag) =	ssettag $0x1  }
0x1: {  	s4 =	rddreg [dreg:$0x0]  }
0x2: {  	s0 =	rddreg [dreg:$0x1];
	s2 =	simm.s32 $0x0;
	s1 =	stileid.u32  }
0x3: {  	s3 =	srdreg.scid;
	s10 =	simm.s32 $0x0;
	s6 =	smul.u32 $0x2800, s1  }
0x4: {  	[smem:$0x7FF] =	sst s2;
	s5 =	sand.u32 $0x1, s3;
	s8 =	smul.u32 $0xA000, s1  }
0x5: {  	s3 =	sadd.s32 $0x63800, s4;
	s7 =	smul.u32 $0x1400, s5;
	s9 =	ssub.s32 $0x2, s5  }
0x6: {  	_ =	strace $0x80000050;
	s5 =	smul.u32 $0x5000, s5;
	s31 =	sshrl.u32 s9, $0x1  }
0x7: {  	s8 =	sadd.s32 s8, s4;
	s6 =	sadd.s32 s7, s6;
	s7 =	ssub.s32 s9, s31  }
0x8: {  	s5 =	sadd.s32 s5, s8;
	s8 =	simm.s32 $0x80;
	s6 =	sshrl.u32 s6, $0x3  }
0x9: {  	s9 =	simm.s32 $0x1;
	s5 =	sadd.s32 $0xBD800, s5;
	s6 =	sadd.s32 s6, s4  }
0xa: {  	s4 =	smax.u32 s7, $0x1;
	s7 =	simm.s32 $0x2;
	s6 =	sadd.s32 $0x10600, s6  }
.LBB2_1:
0xb: {  	s11 =	sadd.s32 $0x0, s6  }
0xc: {  	[tilespmem:s2], [sflag:$0x2] =	stream.linear.gather [hbm4b:s11+s2], $0x80, $0x38;
	[tilespmem:$0x1080] =	vst v63  }
0xd: {  	_ =	swait.ge [sflag:s7], $0x80  }
0xe: {  	[sflag:s7] =	ssyncset.done $0x0  }
0xf: {  	[sflag:s7] =	ssyncadd.s32 $0xFFFFFF80  }
0x10: {  	[tilespmem:s8], [sflag:$0x1] =	stream.indirect.gather [hbm4b:s3+s8], $0x20, s2, s8, $0xb8;
	[tilespmem:$0x1080] =	vst v63  }
0x11: {  	_ =	swait.ge [sflag:s9], $0x1000  }
0x12: {  	[sflag:s9] =	ssyncset.done $0x0  }
0x13: {  	[sflag:s9] =	ssyncadd.s32 $0xFFFFF000  }
0x14: {  	[hbm4b:s5+s2] =	stream.linear.scatter [tilespmem:s8], [sflag:$0x2], $0x1000, $0x38;
	[tilespmem:$0x1080] =	vst v63  }
0x15: {  	s12 =	simm.s32 $0x10;
	_ =	swait.ge [sflag:s7], $0x1000  }
0x16: {  	s13 =	simm.s32 $0x20;
	s11 =	sadd.s32 $0x200, s5;
	[sflag:s7] =	ssyncset.done $0x0  }
.LBB2_2:
0x17: {  	s14 =	sadd.s32 s12, s6  }
0x18: {  	[sflag:s7] =	ssyncadd.s32 $0xFFFFF000;
	s12 =	smov.u32 s13;
	s15 =	sadd.s32 $0x10, s13  }
0x19: {  	[tilespmem:s2], [sflag:$0x2] =	stream.linear.gather [hbm4b:s14+s2], $0x80, $0x38;
	[tilespmem:$0x1080] =	vst v63  }
0x1a: {  	p0 =	sne.s32 s13, $0x270;
	_ =	swait.ge [sflag:s7], $0x80  }
0x1b: {  	[sflag:s7] =	ssyncset.done $0x0  }
0x1c: {  	[sflag:s7] =	ssyncadd.s32 $0xFFFFFF80  }
0x1d: {  	[tilespmem:s8], [sflag:$0x1] =	stream.indirect.gather [hbm4b:s3+s8], $0x20, s2, s8, $0xb8;
	[tilespmem:$0x1080] =	vst v63  }
0x1e: {  	_ =	swait.ge [sflag:s9], $0x1000  }
.Ltmp0:
0x1f: {  	[sflag:s9] =	ssyncset.done $0x0;
	(pc) =	sbr.rel @p0 .LBB2_2-.Ltmp0, $4  }
0x20: {  	[sflag:s9] =	ssyncadd.s32 $0xFFFFF000  }
0x21: {  	[hbm4b:s11+s2] =	stream.linear.scatter [tilespmem:s8], [sflag:$0x2], $0x1000, $0x38;
	[tilespmem:$0x1080] =	vst v63  }
0x22: {  	_ =	swait.ge [sflag:s7], $0x1000  }
0x23: {  	s13 =	smov.u32 s15;
	s11 =	sadd.s32 $0x200, s11;
	[sflag:s7] =	ssyncset.done $0x0  }
0x24: {  	s12 =	sadd.s32 s12, s6;
	[sflag:s7] =	ssyncadd.s32 $0xFFFFF000  }
0x25: {  	[tilespmem:s2], [sflag:$0x2] =	stream.linear.gather [hbm4b:s12+s2], $0x80, $0x38;
	[tilespmem:$0x1080] =	vst v63  }
0x26: {  	_ =	swait.ge [sflag:s7], $0x80  }
0x27: {  	[sflag:s7] =	ssyncset.done $0x0  }
0x28: {  	[sflag:s7] =	ssyncadd.s32 $0xFFFFFF80  }
0x29: {  	[tilespmem:s8], [sflag:$0x1] =	stream.indirect.gather [hbm4b:s3+s8], $0x20, s2, s8, $0xb8;
	[tilespmem:$0x1080] =	vst v63  }
0x2a: {  	s10 =	sadd.s32 $0x1, s10;
	_ =	swait.ge [sflag:s9], $0x1000  }
0x2b: {  	p0 =	sne.s32 s10, s4;
	[sflag:s9] =	ssyncset.done $0x0  }
.Ltmp1:
0x2c: {  	[sflag:s9] =	ssyncadd.s32 $0xFFFFF000;
	(pc) =	sbr.rel @p0 .LBB2_1-.Ltmp1, $4  }
0x2d: {  	[hbm4b:s11+s2] =	stream.linear.scatter [tilespmem:s8], [sflag:$0x2], $0x1000, $0x38;
	[tilespmem:$0x1080] =	vst v63  }
0x2e: {  	_ =	swait.ge [sflag:s7], $0x1000  }
0x2f: {  	[sflag:s7] =	ssyncset.done $0x0  }
0x30: {  	[sflag:s7] =	ssyncadd.s32 $0xFFFFF000  }
0x31: {  	_ =	sfence.sel $0x180000  }
0x32: {  	[bflag:$0x0] =	sbarrier.arrive $0xFFFF  }
0x33: {  	p0 =	sne.s32 s1, $0x0;
	_ =	strace $0x90000050  }
0x34: {  	s0 =	sadd.s32 @!p0 $0x100000, s0;
	[bflag:$0x2] =	sbarrier.arrive $0xFFFF  }
0x35: {  	[sflag:s0] =	ssyncadd.tile.s32 @!p0 $0x1;
	_ =	shalt  }
.Lfunc_end2:
_tile_overlayer_lowered:
.L_overlay_start_2:
0x36: {  	(tag) =	ssettag $0x2  }
0x37: {  	s0 =	rddreg [dreg:$0x0];
	s2 =	stileid.u32  }
0x38: {  	s1 =	rddreg [dreg:$0x1];
	p0 =	sne.s32 s2, $0x0  }
0x39: {  	s3 =	rddreg [dreg:$0x2];
	[bflag:$0x3] =	sbarrier.arrive $0xFFFF;
	s2 =	simm.s32 @!p0 $0x1C02  }
0x3a: {  	[timem:s3], [sflag:s2] =	dma.local @!p0 [hbm:s0], s1  }
0x3b: {  	s0 =	simm.s32 @!p0 $0x2  }
0x3c: {  	_ =	swait.ge @!p0 [sflag:s0], s1  }
0x3d: {  	s1 =	ssub.s32 @!p0 $0x0, s1;
	[sflag:s0] =	ssyncset.done @!p0 $0x0  }
0x3e: {  	[sflag:s0] =	ssyncadd.s32 @!p0 s1  }
0x3f: {  	[bflag:$0x3] =	sbarrier.arrive $0xFFFF  }
0x40: {  	_ =	shalt  }

// kernel: kernel.26.cloned.1.call-start
scs
__scs_entry_jumppad:
0x0: {  	(pc) =	sbr.rel $0x88, $3  }
0x1: {  	(tag) =	ssettag $0x0;
	lr =	simm.s32 $0x1  }
0x2: {  	[smem:$0x3F92] =	sst lr;
	_ =	strace $0xD0000000  }
0x3: {  	_ = 	snop  }
0x4: {  	_ = 	snop  }
0x5: {  	_ = 	snop  }
0x6: {  	_ = 	snop  }
0x7: {  	_ = 	snop  }
__scs_overlays_trampoline_lowered:
0x8: {  	[smem:$0x3FA1] =	sst s0  }
0x9: {  	[smem:$0x3FA2] =	sst s1  }
0xa: {  	[smem:$0x3FA3] =	sst s2  }
0xb: {  	[smem:$0x3FA4] =	sst s3  }
0xc: {  	[smem:$0x3FA5] =	sst s4  }
0xd: {  	[smem:$0x3FA6] =	sst s5  }
0xe: {  	[smem:$0x3FA7] =	sst s6  }
0xf: {  	[smem:$0x3FA8] =	sst s7  }
0x10: {  	[smem:$0x3FA9] =	sst s8  }
0x11: {  	[smem:$0x3FAA] =	sst s9;
	s0 =	simm.s32 @!p0 $0x0  }
0x12: {  	s1 =	sld [smem:$0x3F90];
	s0 =	simm.s32 @p0 $0x1  }
0x13: {  	[smem:$0x3FAB] =	sst s0;
	s0 =	simm.s32 @!p1 $0x0  }
0x14: {  	s2 =	sld [smem:$0x3F8F];
	s0 =	simm.s32 @p1 $0x1  }
0x15: {  	[smem:$0x3FAC] =	sst s0;
	s0 =	simm.s32 @!p2 $0x0  }
0x16: {  	s3 =	sld [smem:$0x3FDB];
	s0 =	simm.s32 @p2 $0x1  }
0x17: {  	s4 =	simm.s32 $0x1BF5;
	[smem:$0x3FAE] =	sst s0  }
0x18: {  	s0 =	sld [smem:$0x3F91];
	_ =	swait.ge [sflag:s4], $0x0  }
0x19: {  	s7 =	sld [smem:$0x3F92]  }
0x1a: {  	s8 =	sadd.s32 $0xFFFFE003, lr  }
0x1b: {  	s9 =	sadd.s32 $0xFFFFFEF7, lr;
	s5 =	simm.s32 $0xFFFFFFFF;
	p2 =	slt.u32 s8, $0xFFFFF086  }
0x1c: {  	p1 =	slt.u32 s9, $0xF7A;
	s5 =	simm.s32 @!p2 $0x0  }
0x1d: {  	s5 =	simm.s32 @p1 $0x1;
	p0 =	seq.s32 s7, s2  }
0x1e: {  	s7 =	smul.u32 @!p0 $0xF7A, s2;
	p2 =	seq.s32 @!p0 s5, $0x0  }
0x1f: {  	s9 =	smul.u32 $0xF7A, s1;
	s8 =	simm.s32 @!p0 $0x1BF5;
	p2 =	por !p2, p0  }
0x20: {  	[sflag:s8] =	ssyncset.s32 @!p0 $0xFFFFF086;
	s6 =	sadd.s32 @!p0 s3, s7;
	s7 =	simm.s32 @!p0 $0x108  }
0x21: {  	s3 =	sadd.s32 s3, s9;
	s6 =	sadd.s32 @!p0 $0x88, s6;
	s7 =	simm.s32 @p2 $0x1082  }
0x22: {  	[simem:s7], [sflag:s8] =	dma.local @!p0 [hbm:s6], $0xF7A  }
0x23: {  	s9 =	sor.u32 $0xD0000000, s2;
	s6 =	simm.s32 $0x108;
	_ =	swait.ge @!p0 [sflag:s8], $0x0  }
0x24: {  	s3 =	sadd.s32 $0x88, s3;
	s6 =	simm.s32 @!p1 $0x1082;
	[sflag:s4] =	ssyncset.s32 $0xFFFFF086  }
0x25: {  	[simem:s6], [sflag:s4] =	dma.local [hbm:s3], $0xF7A  }
0x26: {  	[smem:$0x3F92] =	sst s1;
	(tag) =	ssettag s2;
	_ =	strace s9  }
0x27: {  	s1 =	sld [smem:$0x3FA2]  }
0x28: {  	s2 =	sld [smem:$0x3FA3]  }
0x29: {  	s4 =	sld [smem:$0x3FA5]  }
0x2a: {  	p0 =	seq.s32 s5, $0x0;
	s5 =	sld [smem:$0x3FA6]  }
0x2b: {  	s6 =	sld [smem:$0x3FA7]  }
0x2c: {  	s7 =	sld [smem:$0x3FA8]  }
0x2d: {  	s3 =	simm.s32 $0x108;
	s8 =	sld [smem:$0x3FA9]  }
0x2e: {  	s3 =	simm.s32 @!p0 $0x1082;
	s9 =	sld [smem:$0x3FAA]  }
0x2f: {  	lr =	sadd.s32 s0, s3;
	s0 =	sld [smem:$0x3FA1]  }
0x30: {  	s3 =	sld [smem:$0x3FA4]  }
0x31: {  	[smem:$0x3FAD] =	sst s10  }
0x32: {  	s10 =	sld [smem:$0x3FAB];
	_ =	sdelay $0x3  }
0x33: {  	p0 =	seq.s32 s10, $0x1;
	s10 =	sld [smem:$0x3FAD];
	_ =	sdelay $0x3  }
0x34: {  	[smem:$0x3FAD] =	sst s10  }
0x35: {  	s10 =	sld [smem:$0x3FAC];
	_ =	sdelay $0x3  }
0x36: {  	p1 =	seq.s32 s10, $0x1;
	s10 =	sld [smem:$0x3FAD];
	_ =	sdelay $0x3  }
0x37: {  	[smem:$0x3FAD] =	sst s10  }
0x38: {  	s10 =	sld [smem:$0x3FAE]  }
0x39: {  	_ = 	snop;
	(pc) =	sbr.ind lr, $3  }
0x3a: {  	_ = 	snop  }
0x3b: {  	_ = 	snop  }
0x3c: {  	p2 =	seq.s32 s10, $0x1;
	s10 =	sld [smem:$0x3FAD]  }
0x3d: {  	_ =	shalt  }
0x3e: {  	_ =	shalt  }
0x3f: {  	_ =	shalt  }
0x40: {  	_ =	shalt  }
0x41: {  	_ =	shalt  }
0x42: {  	_ =	shalt  }
0x43: {  	_ =	shalt  }
0x44: {  	_ =	shalt  }
0x45: {  	_ =	shalt  }
0x46: {  	_ =	shalt  }
0x47: {  	_ =	shalt  }
0x48: {  	_ =	shalt  }
0x49: {  	_ =	shalt  }
0x4a: {  	_ =	shalt  }
0x4b: {  	_ =	shalt  }
0x4c: {  	_ =	shalt  }
0x4d: {  	_ =	shalt  }
0x4e: {  	_ =	shalt  }
0x4f: {  	_ =	shalt  }
0x50: {  	_ =	shalt  }
0x51: {  	_ =	shalt  }
0x52: {  	_ =	shalt  }
0x53: {  	_ =	shalt  }
0x54: {  	_ =	shalt  }
0x55: {  	_ =	shalt  }
0x56: {  	_ =	shalt  }
0x57: {  	_ =	shalt  }
0x58: {  	_ =	shalt  }
0x59: {  	_ =	shalt  }
0x5a: {  	_ =	shalt  }
0x5b: {  	_ =	shalt  }
0x5c: {  	_ =	shalt  }
0x5d: {  	_ =	shalt  }
0x5e: {  	_ =	shalt  }
0x5f: {  	_ =	shalt  }
0x60: {  	_ =	shalt  }
0x61: {  	_ =	shalt  }
0x62: {  	_ =	shalt  }
0x63: {  	_ =	shalt  }
0x64: {  	_ =	shalt  }
0x65: {  	_ =	shalt  }
0x66: {  	_ =	shalt  }
0x67: {  	_ =	shalt  }
0x68: {  	_ =	shalt  }
0x69: {  	_ =	shalt  }
0x6a: {  	_ =	shalt  }
0x6b: {  	_ =	shalt  }
0x6c: {  	_ =	shalt  }
0x6d: {  	_ =	shalt  }
0x6e: {  	_ =	shalt  }
0x6f: {  	_ =	shalt  }
0x70: {  	_ =	shalt  }
0x71: {  	_ =	shalt  }
0x72: {  	_ =	shalt  }
0x73: {  	_ =	shalt  }
0x74: {  	_ =	shalt  }
0x75: {  	_ =	shalt  }
0x76: {  	_ =	shalt  }
0x77: {  	_ =	shalt  }
0x78: {  	_ =	shalt  }
0x79: {  	_ =	shalt  }
0x7a: {  	_ =	shalt  }
0x7b: {  	_ =	shalt  }
0x7c: {  	_ =	shalt  }
0x7d: {  	_ =	shalt  }
0x7e: {  	_ =	shalt  }
0x7f: {  	_ =	shalt  }
0x80: {  	_ =	shalt  }
0x81: {  	_ =	shalt  }
0x82: {  	_ =	shalt  }
0x83: {  	_ =	shalt  }
0x84: {  	_ =	shalt  }
0x85: {  	_ =	shalt  }
0x86: {  	_ =	shalt  }
0x87: {  	_ =	shalt  }
.Lfunc_end0:
.L_simem_size_0:
called_computation.4_lowered:
.L_overlay_start_0:
0x88: {  	s2 =	sld [smem:$0x3FD9]  }
0x89: {  	s3 =	sld [smem:$0x3FFE];
	_ =	sdelay $0x1  }
0x8a: {  	s1 =	srdreg.scid  }
0x8b: {  	s0 =	sand.u32 $0x1, s1  }
0x8c: {  	s16 =	sshll.u32 s0, $0xA;
	s2 =	sadd.s32 s3, s2  }
0x8d: {  	s2 =	sadd.s32 s2, s16  }
0x8e: {  	[smem:$0x3FB9] =	sst s2  }
0x8f: {  	_ = 	snop  }
0x90: {  	(tm) =	ssettm $0x1  }
0x91: {  	s17 =	sld [smem:$0x3FFB];
	_ =	sdelay $0x3  }
0x92: {  	_ =	strace s17  }
0x93: {  	s2 =	sld [smem:$0x3FFC];
	_ =	sdelay $0x3  }
0x94: {  	_ =	strace s2  }
0x95: {  	s2 =	sld [smem:$0x3FFD];
	_ =	sdelay $0x3  }
0x96: {  	_ =	strace s2  }
0x97: {  	_ =	strace $0x8FFFFFFF  }
0x98: {  	s18 =	sld [smem:$0x3FDB];
	_ =	sdelay $0x1  }
0x99: {  	s19 =	simm.s32 $_scs_section_size  }
0x9a: {  	s4 =	simm.s32 $_size__tile_overlayer_lowered;
	s5 =	simm.s32 $_tile_overlayer_lowered  }
0x9b: {  	s22 =	simm.s32 $0x1BFF;
	s21 =	sshll.u32 s5, $0x1;
	s2 =	sadd.s32 s19, s18  }
0x9c: {  	s6 =	simm.s32 $0x0;
	s20 =	sshll.u32 s4, $0x1;
	s4 =	sadd.s32 s21, s2  }
0x9d: {  	[timem:s6], [sflag:s22] =	dma.local [hbm:s4], s20  }
0x9e: {  	_ =	swait.ge [sflag:s22], s20  }
0x9f: {  	s3 =	ssub.s32 $0x0, s20;
	[sflag:s22] =	ssyncset.done $0x0  }
0xa0: {  	[sflag:s22] =	ssyncadd.s32 s3;
	_ =	sdelay $0x1  }
0xa1: {  	s23 =	simm.s32 $0x1B8B  }
0xa2: {  	_ =	swait.ge [sflag:s23], $0x1  }
0xa3: {  	[sflag:s23] =	ssyncset.done $0x0  }
0xa4: {  	s25 =	simm.s32 $0x1B8E;
	s24 =	sld [smem:$0x3FFE];
	[sflag:s23] =	ssyncadd.s32 $0xFFFFFFFF  }
0xa5: {  	s26 =	simm.s32 $execute0_lowered;
	[smem:$0x3FD2] =	sst s25  }
0xa6: {  	s4 =	sshll.u32 s26, $0x1;
	_ =	strace $0x80000052;
	[dreg:$0x1] =	wrdreg $0xFFFFFFFF  }
0xa7: {  	s28 =	simm.s32 $_size_execute0_lowered;
	s2 =	sadd.s32 s2, s4;
	[dreg:$0x0] =	wrdreg $0x0  }
0xa8: {  	s4 =	sshll.u32 s28, $0x1;
	[dreg:$0x2] =	wrdreg s2  }
0xa9: {  	[dreg:$0x3] =	wrdreg s4  }
0xaa: {  	[dreg:$0x4] =	wrdreg $0xC0  }
0xab: {  	_ =	task [dreg:s6], $0x5FFFF  }
0xac: {  	[dreg:$0x1] =	wrdreg $0xFFFFFFFF  }
0xad: {  	[dreg:$0x0] =	wrdreg $0x60  }
0xae: {  	[dreg:$0x2] =	wrdreg s24  }
0xaf: {  	[dreg:$0x3] =	wrdreg $0x0  }
0xb0: {  	[dreg:$0x4] =	wrdreg $0x9  }
0xb1: {  	_ =	task.clear_ibuf [dreg:s6], $0x5FFFF;
	_ =	strace $0x90000052  }
0xb2: {  	s29 =	simm.s32 $0x9;
	_ =	strace $0x80000054  }
0xb3: {  	_ =	swait.ge [sflag:s29], $0x1  }
0xb4: {  	[sflag:s29] =	ssyncadd.s32 $0xFFFFFFFF  }
0xb5: {  	_ =	strace $0x90000054  }
0xb6: {  	_ =	sfence  }
0xb7: {  	s30 =	sld [smem:$0x0];
	_ =	sdelay $0x2  }
0xb8: {  	s31 =	sshll.u32 s1, $0xD;
	s1 =	sshrl.u32 s1, $0x2  }
0xb9: {  	s3 =	sand.u32 $0x4000, s31;
	s1 =	sadd.s32 s1, s30  }
0xba: {  	s0 =	sor.u32 s3, s0;
	s1 =	sshll.u32 s1, $0x11  }
0xbb: {  	s0 =	sor.u32 s1, s0  }
0xbc: {  	s0 =	sadd.s32 $0x8F2B, s0  }
0xbd: {  	[sflag:s0] =	ssyncadd.remote.s32 $0x1  }
0xbe: {  	_ =	sfence.sel $0xFFFF  }
0xbf: {  	[dreg:$0x0] =	wrdreg $0xFFFFFFFF;
	(pc) =	sbr.abs _section_cstart, $3  }
0xc0: {  	[dreg:$0x1] =	wrdreg $0xFFFFFFFF  }
0xc1: {  	_ =	task.clear_ibuf [dreg:s6], $0x2FFFF;
	_ =	strace $0x9FFFFFFF  }
0xc2: {  	(tm) =	ssettm $0x7FFFFFFF  }
0xc3: {  	_ =	shalt  }
tec
execute0_lowered:
.L_overlay_start_1:
0x0: {  	(tag) =	ssettag $0x1  }
0x1: {  	s4 =	rddreg [dreg:$0x0]  }
0x2: {  	s0 =	stileid.u32;
	s1 =	srdreg.scid  }
0x3: {  	s2 =	rddreg [dreg:$0x1];
	s6 =	smul.u32 $0x1400, s0  }
0x4: {  	s3 =	simm.s32 $0x0;
	s14 =	simm.s32 $0x80;
	s8 =	smul.u32 $0x5000, s0  }
0x5: {  	s5 =	sand.u32 $0x1, s1;
	s1 =	rddreg [dreg:$0x2];
	s26 =	smul.u32 $0xA00, s0  }
0x6: {  	s15 =	simm.s32 $0x0;
	[smem:$0x7FF] =	sst s3;
	s7 =	smul.u32 $0xA00, s5  }
0x7: {  	s31 =	sshll.u32 s0, $0x6;
	_ =	strace $0x80000053;
	s10 =	smul.u32 $0xA000, s5  }
0x8: {  	s12 =	ssub.s32 $0x2, s5;
	s30 =	smul.u32 $0x2800, s5;
	s5 =	sor.u32 $0x1C01, s31  }
0x9: {  	s9 =	sadd.s32 s8, s4;
	s28 =	sshrl.u32 s8, $0x3;
	s29 =	sshrl.u32 s12, $0x1  }
0xa: {  	s13 =	sadd.s32 s8, s2;
	s6 =	sadd.s32 s7, s6;
	s7 =	sadd.s32 s26, s10  }
0xb: {  	s10 =	ssub.s32 s12, s29;
	s9 =	sadd.s32 s30, s9;
	s6 =	sshrl.u32 s6, $0x3  }
0xc: {  	s12 =	simm.s32 $0x5000;
	s11 =	sadd.s32 s6, s4;
	s6 =	sadd.s32 s28, s4  }
0xd: {  	s7 =	sadd.s32 s7, s4;
	s9 =	sadd.s32 $0x63800, s9;
	s4 =	sadd.s32 $0xB3800, s6  }
0xe: {  	s6 =	sadd.s32 $0xBD800, s7;
	s7 =	smax.u32 s10, $0x1;
	s8 =	sadd.s32 $0x6E00, s11  }
0xf: {  	s10 =	sshrl.u32 s13, $0x3;
	s11 =	simm.s32 $0x1;
	s13 =	simm.s32 $0x6000  }
.LBB2_1:
0x10: {  	[spmem:s10], [sflag:s5] =	dma.local [hbm:s4], $0xA00  }
0x11: {  	_ =	swait.ge [sflag:s11], $0xA00  }
0x12: {  	[sflag:s11] =	ssyncset.done $0x0  }
0x13: {  	[sflag:s11] =	ssyncadd.s32 $0xFFFFF600  }
0x14: {  	[bflag:$0x0] =	sbarrier.arrive $0xFFFF  }
0x15: {  	[tilespmem:s12], [sflag:$0x1] =	stream.linear.gather [hbm4b:s9+s3], $0x1000, $0x38;
	[tilespmem:$0x6080] =	vst v63  }
0x16: {  	_ =	swait.ge [sflag:s11], $0x1000  }
0x17: {  	[sflag:s11] =	ssyncset.done $0x0  }
0x18: {  	s16 =	sadd.s32 $0x0, s8;
	[sflag:s11] =	ssyncadd.s32 $0xFFFFF000  }
0x19: {  	[tilespmem:s13], [sflag:$0x1] =	stream.linear.gather [hbm4b:s16+s3], $0x80, $0x38;
	[tilespmem:$0x6080] =	vst v63  }
0x1a: {  	_ =	swait.ge [sflag:s11], $0x80  }
0x1b: {  	[sflag:s11] =	ssyncset.done $0x0  }
0x1c: {  	[sflag:s11] =	ssyncadd.s32 $0xFFFFFF80  }
0x1d: {  	[spmem:s2] =	stream.indirect.scatter.add.f32 [tilespmem:s12], [sflag:$0x1], $0x20, s13, s14, $0xb8;
	[tilespmem:$0x6080] =	vst v63  }
0x1e: {  	_ =	swait.ge [sflag:s11], $0x1000  }
0x1f: {  	s17 =	smov.u32 s9;
	s16 =	simm.s32 $0x10;
	[sflag:s11] =	ssyncset.done $0x0  }
.LBB2_2:
0x20: {  	p0 =	sne.s32 s16, $0x130;
	[sflag:s11] =	ssyncadd.s32 $0xFFFFF000;
	s17 =	sadd.s32 $0x200, s17  }
0x21: {  	[tilespmem:s12], [sflag:$0x1] =	stream.linear.gather [hbm4b:s17+s3], $0x1000, $0x38;
	[tilespmem:$0x6080] =	vst v63  }
0x22: {  	s18 =	smov.u32 s16;
	s16 =	sadd.s32 $0x10, s16;
	_ =	swait.ge [sflag:s11], $0x1000  }
0x23: {  	[sflag:s11] =	ssyncset.done $0x0  }
0x24: {  	s18 =	sadd.s32 s18, s8;
	[sflag:s11] =	ssyncadd.s32 $0xFFFFF000  }
0x25: {  	[tilespmem:s13], [sflag:$0x1] =	stream.linear.gather [hbm4b:s18+s3], $0x80, $0x38;
	[tilespmem:$0x6080] =	vst v63  }
0x26: {  	_ =	swait.ge [sflag:s11], $0x80  }
.Ltmp0:
0x27: {  	[sflag:s11] =	ssyncset.done $0x0;
	(pc) =	sbr.rel @p0 .LBB2_2-.Ltmp0, $4  }
0x28: {  	[sflag:s11] =	ssyncadd.s32 $0xFFFFFF80  }
0x29: {  	[spmem:s2] =	stream.indirect.scatter.add.f32 [tilespmem:s12], [sflag:$0x1], $0x20, s13, s14, $0xb8;
	[tilespmem:$0x6080] =	vst v63  }
0x2a: {  	_ =	swait.ge [sflag:s11], $0x1000  }
0x2b: {  	[sflag:s11] =	ssyncset.done $0x0  }
0x2c: {  	s15 =	sadd.s32 $0x1, s15  }
0x2d: {  	[sflag:s11] =	ssyncadd.s32 $0xFFFFF000;
	p0 =	sne.s32 s15, s7  }
.Ltmp1:
0x2e: {  	[bflag:$0x0] =	sbarrier.arrive $0xFFFF;
	(pc) =	sbr.rel @p0 .LBB2_1-.Ltmp1, $4  }
0x2f: {  	[hbm:s6], [sflag:s5] =	dma.local [spmem:s10], $0xA00  }
0x30: {  	_ =	swait.ge [sflag:s11], $0xA00  }
0x31: {  	[sflag:s11] =	ssyncset.done $0x0  }
0x32: {  	[sflag:s11] =	ssyncadd.s32 $0xFFFFF600  }
0x33: {  	_ =	sfence.sel $0x180000  }
0x34: {  	[bflag:$0x0] =	sbarrier.arrive $0xFFFF  }
0x35: {  	p0 =	sne.s32 s0, $0x0;
	_ =	strace $0x90000053  }
0x36: {  	s0 =	sadd.s32 @!p0 $0x100000, s1;
	[bflag:$0x2] =	sbarrier.arrive $0xFFFF  }
0x37: {  	[sflag:s0] =	ssyncadd.tile.s32 @!p0 $0x1;
	_ =	shalt  }
.Lfunc_end2:
_tile_overlayer_lowered:
.L_overlay_start_2:
0x38: {  	(tag) =	ssettag $0x2  }
0x39: {  	s0 =	rddreg [dreg:$0x0];
	s2 =	stileid.u32  }
0x3a: {  	s1 =	rddreg [dreg:$0x1];
	p0 =	sne.s32 s2, $0x0  }
0x3b: {  	s3 =	rddreg [dreg:$0x2];
	[bflag:$0x3] =	sbarrier.arrive $0xFFFF;
	s2 =	simm.s32 @!p0 $0x1C01  }
0x3c: {  	[timem:s3], [sflag:s2] =	dma.local @!p0 [hbm:s0], s1  }
0x3d: {  	s0 =	simm.s32 @!p0 $0x1  }
0x3e: {  	_ =	swait.ge @!p0 [sflag:s0], s1  }
0x3f: {  	s1 =	ssub.s32 @!p0 $0x0, s1;
	[sflag:s0] =	ssyncset.done @!p0 $0x0  }
0x40: {  	[sflag:s0] =	ssyncadd.s32 @!p0 s1  }
0x41: {  	[bflag:$0x3] =	sbarrier.arrive $0xFFFF  }
0x42: {  	_ =	shalt  }

// kernel: kernel.29.cloned.1.call-start
scs
__scs_entry_jumppad:
0x0: {  	(pc) =	sbr.rel $0x88, $3  }
0x1: {  	(tag) =	ssettag $0x0;
	lr =	simm.s32 $0x1  }
0x2: {  	[smem:$0x3F92] =	sst lr;
	_ =	strace $0xD0000000  }
0x3: {  	_ = 	snop  }
0x4: {  	_ = 	snop  }
0x5: {  	_ = 	snop  }
0x6: {  	_ = 	snop  }
0x7: {  	_ = 	snop  }
__scs_overlays_trampoline_lowered:
0x8: {  	[smem:$0x3FA1] =	sst s0  }
0x9: {  	[smem:$0x3FA2] =	sst s1  }
0xa: {  	[smem:$0x3FA3] =	sst s2  }
0xb: {  	[smem:$0x3FA4] =	sst s3  }
0xc: {  	[smem:$0x3FA5] =	sst s4  }
0xd: {  	[smem:$0x3FA6] =	sst s5  }
0xe: {  	[smem:$0x3FA7] =	sst s6  }
0xf: {  	[smem:$0x3FA8] =	sst s7  }
0x10: {  	[smem:$0x3FA9] =	sst s8  }
0x11: {  	[smem:$0x3FAA] =	sst s9;
	s0 =	simm.s32 @!p0 $0x0  }
0x12: {  	s1 =	sld [smem:$0x3F90];
	s0 =	simm.s32 @p0 $0x1  }
0x13: {  	[smem:$0x3FAB] =	sst s0;
	s0 =	simm.s32 @!p1 $0x0  }
0x14: {  	s2 =	sld [smem:$0x3F8F];
	s0 =	simm.s32 @p1 $0x1  }
0x15: {  	[smem:$0x3FAC] =	sst s0;
	s0 =	simm.s32 @!p2 $0x0  }
0x16: {  	s3 =	sld [smem:$0x3FDB];
	s0 =	simm.s32 @p2 $0x1  }
0x17: {  	s4 =	simm.s32 $0x1BF5;
	[smem:$0x3FAE] =	sst s0  }
0x18: {  	s0 =	sld [smem:$0x3F91];
	_ =	swait.ge [sflag:s4], $0x0  }
0x19: {  	s7 =	sld [smem:$0x3F92]  }
0x1a: {  	s8 =	sadd.s32 $0xFFFFE003, lr  }
0x1b: {  	s9 =	sadd.s32 $0xFFFFFEF7, lr;
	s5 =	simm.s32 $0xFFFFFFFF;
	p2 =	slt.u32 s8, $0xFFFFF086  }
0x1c: {  	p1 =	slt.u32 s9, $0xF7A;
	s5 =	simm.s32 @!p2 $0x0  }
0x1d: {  	s5 =	simm.s32 @p1 $0x1;
	p0 =	seq.s32 s7, s2  }
0x1e: {  	s7 =	smul.u32 @!p0 $0xF7A, s2;
	p2 =	seq.s32 @!p0 s5, $0x0  }
0x1f: {  	s9 =	smul.u32 $0xF7A, s1;
	s8 =	simm.s32 @!p0 $0x1BF5;
	p2 =	por !p2, p0  }
0x20: {  	[sflag:s8] =	ssyncset.s32 @!p0 $0xFFFFF086;
	s6 =	sadd.s32 @!p0 s3, s7;
	s7 =	simm.s32 @!p0 $0x108  }
0x21: {  	s3 =	sadd.s32 s3, s9;
	s6 =	sadd.s32 @!p0 $0x88, s6;
	s7 =	simm.s32 @p2 $0x1082  }
0x22: {  	[simem:s7], [sflag:s8] =	dma.local @!p0 [hbm:s6], $0xF7A  }
0x23: {  	s9 =	sor.u32 $0xD0000000, s2;
	s6 =	simm.s32 $0x108;
	_ =	swait.ge @!p0 [sflag:s8], $0x0  }
0x24: {  	s3 =	sadd.s32 $0x88, s3;
	s6 =	simm.s32 @!p1 $0x1082;
	[sflag:s4] =	ssyncset.s32 $0xFFFFF086  }
0x25: {  	[simem:s6], [sflag:s4] =	dma.local [hbm:s3], $0xF7A  }
0x26: {  	[smem:$0x3F92] =	sst s1;
	(tag) =	ssettag s2;
	_ =	strace s9  }
0x27: {  	s1 =	sld [smem:$0x3FA2]  }
0x28: {  	s2 =	sld [smem:$0x3FA3]  }
0x29: {  	s4 =	sld [smem:$0x3FA5]  }
0x2a: {  	p0 =	seq.s32 s5, $0x0;
	s5 =	sld [smem:$0x3FA6]  }
0x2b: {  	s6 =	sld [smem:$0x3FA7]  }
0x2c: {  	s7 =	sld [smem:$0x3FA8]  }
0x2d: {  	s3 =	simm.s32 $0x108;
	s8 =	sld [smem:$0x3FA9]  }
0x2e: {  	s3 =	simm.s32 @!p0 $0x1082;
	s9 =	sld [smem:$0x3FAA]  }
0x2f: {  	lr =	sadd.s32 s0, s3;
	s0 =	sld [smem:$0x3FA1]  }
0x30: {  	s3 =	sld [smem:$0x3FA4]  }
0x31: {  	[smem:$0x3FAD] =	sst s10  }
0x32: {  	s10 =	sld [smem:$0x3FAB];
	_ =	sdelay $0x3  }
0x33: {  	p0 =	seq.s32 s10, $0x1;
	s10 =	sld [smem:$0x3FAD];
	_ =	sdelay $0x3  }
0x34: {  	[smem:$0x3FAD] =	sst s10  }
0x35: {  	s10 =	sld [smem:$0x3FAC];
	_ =	sdelay $0x3  }
0x36: {  	p1 =	seq.s32 s10, $0x1;
	s10 =	sld [smem:$0x3FAD];
	_ =	sdelay $0x3  }
0x37: {  	[smem:$0x3FAD] =	sst s10  }
0x38: {  	s10 =	sld [smem:$0x3FAE]  }
0x39: {  	_ = 	snop;
	(pc) =	sbr.ind lr, $3  }
0x3a: {  	_ = 	snop  }
0x3b: {  	_ = 	snop  }
0x3c: {  	p2 =	seq.s32 s10, $0x1;
	s10 =	sld [smem:$0x3FAD]  }
0x3d: {  	_ =	shalt  }
0x3e: {  	_ =	shalt  }
0x3f: {  	_ =	shalt  }
0x40: {  	_ =	shalt  }
0x41: {  	_ =	shalt  }
0x42: {  	_ =	shalt  }
0x43: {  	_ =	shalt  }
0x44: {  	_ =	shalt  }
0x45: {  	_ =	shalt  }
0x46: {  	_ =	shalt  }
0x47: {  	_ =	shalt  }
0x48: {  	_ =	shalt  }
0x49: {  	_ =	shalt  }
0x4a: {  	_ =	shalt  }
0x4b: {  	_ =	shalt  }
0x4c: {  	_ =	shalt  }
0x4d: {  	_ =	shalt  }
0x4e: {  	_ =	shalt  }
0x4f: {  	_ =	shalt  }
0x50: {  	_ =	shalt  }
0x51: {  	_ =	shalt  }
0x52: {  	_ =	shalt  }
0x53: {  	_ =	shalt  }
0x54: {  	_ =	shalt  }
0x55: {  	_ =	shalt  }
0x56: {  	_ =	shalt  }
0x57: {  	_ =	shalt  }
0x58: {  	_ =	shalt  }
0x59: {  	_ =	shalt  }
0x5a: {  	_ =	shalt  }
0x5b: {  	_ =	shalt  }
0x5c: {  	_ =	shalt  }
0x5d: {  	_ =	shalt  }
0x5e: {  	_ =	shalt  }
0x5f: {  	_ =	shalt  }
0x60: {  	_ =	shalt  }
0x61: {  	_ =	shalt  }
0x62: {  	_ =	shalt  }
0x63: {  	_ =	shalt  }
0x64: {  	_ =	shalt  }
0x65: {  	_ =	shalt  }
0x66: {  	_ =	shalt  }
0x67: {  	_ =	shalt  }
0x68: {  	_ =	shalt  }
0x69: {  	_ =	shalt  }
0x6a: {  	_ =	shalt  }
0x6b: {  	_ =	shalt  }
0x6c: {  	_ =	shalt  }
0x6d: {  	_ =	shalt  }
0x6e: {  	_ =	shalt  }
0x6f: {  	_ =	shalt  }
0x70: {  	_ =	shalt  }
0x71: {  	_ =	shalt  }
0x72: {  	_ =	shalt  }
0x73: {  	_ =	shalt  }
0x74: {  	_ =	shalt  }
0x75: {  	_ =	shalt  }
0x76: {  	_ =	shalt  }
0x77: {  	_ =	shalt  }
0x78: {  	_ =	shalt  }
0x79: {  	_ =	shalt  }
0x7a: {  	_ =	shalt  }
0x7b: {  	_ =	shalt  }
0x7c: {  	_ =	shalt  }
0x7d: {  	_ =	shalt  }
0x7e: {  	_ =	shalt  }
0x7f: {  	_ =	shalt  }
0x80: {  	_ =	shalt  }
0x81: {  	_ =	shalt  }
0x82: {  	_ =	shalt  }
0x83: {  	_ =	shalt  }
0x84: {  	_ =	shalt  }
0x85: {  	_ =	shalt  }
0x86: {  	_ =	shalt  }
0x87: {  	_ =	shalt  }
.Lfunc_end0:
.L_simem_size_0:
called_computation.5_lowered:
.L_overlay_start_0:
0x88: {  	s2 =	sld [smem:$0x3FD9]  }
0x89: {  	s3 =	sld [smem:$0x3FFE];
	_ =	sdelay $0x1  }
0x8a: {  	s1 =	srdreg.scid  }
0x8b: {  	s0 =	sand.u32 $0x1, s1  }
0x8c: {  	s16 =	sshll.u32 s0, $0xA;
	s2 =	sadd.s32 s3, s2  }
0x8d: {  	s2 =	sadd.s32 s2, s16  }
0x8e: {  	[smem:$0x3FB9] =	sst s2  }
0x8f: {  	_ = 	snop  }
0x90: {  	(tm) =	ssettm $0x1  }
0x91: {  	s17 =	sld [smem:$0x3FFB];
	_ =	sdelay $0x3  }
0x92: {  	_ =	strace s17  }
0x93: {  	s2 =	sld [smem:$0x3FFC];
	_ =	sdelay $0x3  }
0x94: {  	_ =	strace s2  }
0x95: {  	s2 =	sld [smem:$0x3FFD];
	_ =	sdelay $0x3  }
0x96: {  	_ =	strace s2  }
0x97: {  	_ =	strace $0x8FFFFFFF  }
0x98: {  	s18 =	sld [smem:$0x3FDB];
	_ =	sdelay $0x1  }
0x99: {  	s19 =	simm.s32 $_scs_section_size  }
0x9a: {  	s4 =	simm.s32 $_size__tile_overlayer_lowered;
	s5 =	simm.s32 $_tile_overlayer_lowered  }
0x9b: {  	s22 =	simm.s32 $0x1BFF;
	s21 =	sshll.u32 s5, $0x1;
	s2 =	sadd.s32 s19, s18  }
0x9c: {  	s6 =	simm.s32 $0x0;
	s20 =	sshll.u32 s4, $0x1;
	s4 =	sadd.s32 s21, s2  }
0x9d: {  	[timem:s6], [sflag:s22] =	dma.local [hbm:s4], s20  }
0x9e: {  	_ =	swait.ge [sflag:s22], s20  }
0x9f: {  	s3 =	ssub.s32 $0x0, s20;
	[sflag:s22] =	ssyncset.done $0x0  }
0xa0: {  	[sflag:s22] =	ssyncadd.s32 s3;
	_ =	sdelay $0x1  }
0xa1: {  	s23 =	simm.s32 $0x1B8B  }
0xa2: {  	_ =	swait.ge [sflag:s23], $0x1  }
0xa3: {  	[sflag:s23] =	ssyncset.done $0x0  }
0xa4: {  	s25 =	simm.s32 $0x1B8E;
	s24 =	sld [smem:$0x3FFE];
	[sflag:s23] =	ssyncadd.s32 $0xFFFFFFFF  }
0xa5: {  	s26 =	simm.s32 $execute0_lowered;
	[smem:$0x3FD2] =	sst s25  }
0xa6: {  	s4 =	sshll.u32 s26, $0x1;
	_ =	strace $0x80000055;
	[dreg:$0x1] =	wrdreg $0xFFFFFFFF  }
0xa7: {  	s28 =	simm.s32 $_size_execute0_lowered;
	s2 =	sadd.s32 s2, s4;
	[dreg:$0x0] =	wrdreg $0x0  }
0xa8: {  	s4 =	sshll.u32 s28, $0x1;
	[dreg:$0x2] =	wrdreg s2  }
0xa9: {  	[dreg:$0x3] =	wrdreg s4  }
0xaa: {  	[dreg:$0x4] =	wrdreg $0xC0  }
0xab: {  	_ =	task [dreg:s6], $0x5FFFF  }
0xac: {  	[dreg:$0x1] =	wrdreg $0xFFFFFFFF  }
0xad: {  	[dreg:$0x0] =	wrdreg $0x60  }
0xae: {  	[dreg:$0x2] =	wrdreg s24  }
0xaf: {  	[dreg:$0x3] =	wrdreg $0x0  }
0xb0: {  	[dreg:$0x4] =	wrdreg $0x9  }
0xb1: {  	_ =	task.clear_ibuf [dreg:s6], $0x5FFFF;
	_ =	strace $0x90000055  }
0xb2: {  	s29 =	simm.s32 $0x9;
	_ =	strace $0x80000057  }
0xb3: {  	_ =	swait.ge [sflag:s29], $0x1  }
0xb4: {  	[sflag:s29] =	ssyncadd.s32 $0xFFFFFFFF  }
0xb5: {  	_ =	strace $0x90000057  }
0xb6: {  	_ =	sfence  }
0xb7: {  	s30 =	sld [smem:$0x0];
	_ =	sdelay $0x2  }
0xb8: {  	s31 =	sshll.u32 s1, $0xD;
	s1 =	sshrl.u32 s1, $0x2  }
0xb9: {  	s3 =	sand.u32 $0x4000, s31;
	s1 =	sadd.s32 s1, s30  }
0xba: {  	s0 =	sor.u32 s3, s0;
	s1 =	sshll.u32 s1, $0x11  }
0xbb: {  	s0 =	sor.u32 s1, s0  }
0xbc: {  	s0 =	sadd.s32 $0x8F2B, s0  }
0xbd: {  	[sflag:s0] =	ssyncadd.remote.s32 $0x1  }
0xbe: {  	_ =	sfence.sel $0xFFFF  }
0xbf: {  	[dreg:$0x0] =	wrdreg $0xFFFFFFFF;
	(pc) =	sbr.abs _section_cstart, $3  }
0xc0: {  	[dreg:$0x1] =	wrdreg $0xFFFFFFFF  }
0xc1: {  	_ =	task.clear_ibuf [dreg:s6], $0x2FFFF;
	_ =	strace $0x9FFFFFFF  }
0xc2: {  	(tm) =	ssettm $0x7FFFFFFF  }
0xc3: {  	_ =	shalt  }
tec
execute0_lowered:
.L_overlay_start_1:
0x0: {  	(tag) =	ssettag $0x1  }
0x1: {  	s10 =	rddreg [dreg:$0x0]  }
0x2: {  	s2 =	rddreg [dreg:$0x1]  }
0x3: {  	s0 =	rddreg [dreg:$0x2];
	s3 =	simm.s32 $0x0;
	s1 =	stileid.u32  }
0x4: {  	s5 =	srdreg.scid;
	[smem:$0x7FF] =	sst s3  }
0x5: {  	s4 =	sshll.u32 s1, $0x7;
	s6 =	sshll.u32 s1, $0xA;
	s22 =	sand.u32 $0x1, s5  }
0x6: {  	s8 =	sshll.u32 s1, $0x1;
	s26 =	sshll.u32 s1, $0x6;
	_ =	strace $0x80000056  }
0x7: {  	s21 =	sadd.s32 s4, s10;
	s6 =	sadd.s32 s6, s2;
	s5 =	sor.u32 $0x1C01, s26  }
0x8: {  	s4 =	sadd.s32 $0x10400, s21;
	s7 =	sshrl.u32 s6, $0x3;
	s6 =	simm.s32 $0x1  }
0x9: {  	[spmem:s7], [sflag:s5] =	dma.local [hbm:s4], $0x80  }
0xa: {  	s8 =	sor.u32 s22, s8;
	_ =	swait.ge [sflag:s6], $0x80  }
0xb: {  	s9 =	smul.u32 $0x500, s8;
	[sflag:s6] =	ssyncset.done $0x0  }
0xc: {  	s19 =	sadd.s32 $0x6400, s10;
	s23 =	smul.u32 $0x140, s8;
	[sflag:s6] =	ssyncadd.s32 $0xFFFFFF80  }
0xd: {  	s8 =	sadd.s32 s19, s9;
	s9 =	simm.s32 $0x400;
	[bflag:$0x0] =	sbarrier.arrive $0xFFFF  }
0xe: {  	[tilespmem:s9], [sflag:$0x1] =	stream.linear.gather [hbm4b:s8+s3], $0x800, $0x38;
	[tilespmem:$0xC40] =	vst v63  }
0xf: {  	_ =	swait.ge [sflag:s6], $0x800  }
0x10: {  	s20 =	sadd.s32 $0x5E00, s10;
	s28 =	sshrl.u32 s23, $0x3;
	[sflag:s6] =	ssyncset.done $0x0  }
0x11: {  	s11 =	simm.s32 $0xC00;
	s10 =	sadd.s32 s20, s28;
	[sflag:s6] =	ssyncadd.s32 $0xFFFFF800  }
0x12: {  	[tilespmem:s11], [sflag:$0x1] =	stream.linear.gather [hbm4b:s10+s3], $0x40, $0x38;
	[tilespmem:$0xC40] =	vst v63  }
0x13: {  	_ =	swait.ge [sflag:s6], $0x40  }
0x14: {  	[sflag:s6] =	ssyncset.done $0x0  }
0x15: {  	s12 =	simm.s32 $0x40;
	[sflag:s6] =	ssyncadd.s32 $0xFFFFFFC0  }
0x16: {  	[spmem:s2] =	stream.indirect.scatter.add.f32 [tilespmem:s9], [sflag:$0x1], $0x20, s11, s12, $0xb8;
	[tilespmem:$0xC40] =	vst v63  }
0x17: {  	s14 =	sadd.s32 $0x40, s23;
	_ =	swait.ge [sflag:s6], $0x800  }
0x18: {  	s13 =	sshll.u32 s14, $0x2;
	[sflag:s6] =	ssyncset.done $0x0  }
0x19: {  	s13 =	sadd.s32 s19, s13;
	[sflag:s6] =	ssyncadd.s32 $0xFFFFF800  }
0x1a: {  	[tilespmem:s9], [sflag:$0x1] =	stream.linear.gather [hbm4b:s13+s3], $0x800, $0x38;
	[tilespmem:$0xC40] =	vst v63  }
0x1b: {  	_ =	swait.ge [sflag:s6], $0x800  }
0x1c: {  	s14 =	sshrl.u32 s14, $0x3;
	[sflag:s6] =	ssyncset.done $0x0  }
0x1d: {  	s14 =	sadd.s32 s20, s14;
	[sflag:s6] =	ssyncadd.s32 $0xFFFFF800  }
0x1e: {  	[tilespmem:s11], [sflag:$0x1] =	stream.linear.gather [hbm4b:s14+s3], $0x40, $0x38;
	[tilespmem:$0xC40] =	vst v63  }
0x1f: {  	_ =	swait.ge [sflag:s6], $0x40  }
0x20: {  	[sflag:s6] =	ssyncset.done $0x0  }
0x21: {  	[sflag:s6] =	ssyncadd.s32 $0xFFFFFFC0  }
0x22: {  	[spmem:s2] =	stream.indirect.scatter.add.f32 [tilespmem:s9], [sflag:$0x1], $0x20, s11, s12, $0xb8;
	[tilespmem:$0xC40] =	vst v63  }
0x23: {  	s16 =	sadd.s32 $0x80, s23;
	_ =	swait.ge [sflag:s6], $0x800  }
0x24: {  	s15 =	sshll.u32 s16, $0x2;
	[sflag:s6] =	ssyncset.done $0x0  }
0x25: {  	s15 =	sadd.s32 s19, s15;
	[sflag:s6] =	ssyncadd.s32 $0xFFFFF800  }
0x26: {  	[tilespmem:s9], [sflag:$0x1] =	stream.linear.gather [hbm4b:s15+s3], $0x800, $0x38;
	[tilespmem:$0xC40] =	vst v63  }
0x27: {  	_ =	swait.ge [sflag:s6], $0x800  }
0x28: {  	s16 =	sshrl.u32 s16, $0x3;
	[sflag:s6] =	ssyncset.done $0x0  }
0x29: {  	s16 =	sadd.s32 s20, s16;
	[sflag:s6] =	ssyncadd.s32 $0xFFFFF800  }
0x2a: {  	[tilespmem:s11], [sflag:$0x1] =	stream.linear.gather [hbm4b:s16+s3], $0x40, $0x38;
	[tilespmem:$0xC40] =	vst v63  }
0x2b: {  	_ =	swait.ge [sflag:s6], $0x40  }
0x2c: {  	[sflag:s6] =	ssyncset.done $0x0  }
0x2d: {  	[sflag:s6] =	ssyncadd.s32 $0xFFFFFFC0  }
0x2e: {  	[spmem:s2] =	stream.indirect.scatter.add.f32 [tilespmem:s9], [sflag:$0x1], $0x20, s11, s12, $0xb8;
	[tilespmem:$0xC40] =	vst v63  }
0x2f: {  	s18 =	sadd.s32 $0xC0, s23;
	_ =	swait.ge [sflag:s6], $0x800  }
0x30: {  	s17 =	sshll.u32 s18, $0x2;
	[sflag:s6] =	ssyncset.done $0x0  }
0x31: {  	s17 =	sadd.s32 s19, s17;
	[sflag:s6] =	ssyncadd.s32 $0xFFFFF800  }
0x32: {  	[tilespmem:s9], [sflag:$0x1] =	stream.linear.gather [hbm4b:s17+s3], $0x800, $0x38;
	[tilespmem:$0xC40] =	vst v63  }
0x33: {  	_ =	swait.ge [sflag:s6], $0x800  }
0x34: {  	s18 =	sshrl.u32 s18, $0x3;
	[sflag:s6] =	ssyncset.done $0x0  }
0x35: {  	s18 =	sadd.s32 s20, s18;
	[sflag:s6] =	ssyncadd.s32 $0xFFFFF800  }
0x36: {  	[tilespmem:s11], [sflag:$0x1] =	stream.linear.gather [hbm4b:s18+s3], $0x40, $0x38;
	[tilespmem:$0xC40] =	vst v63  }
0x37: {  	_ =	swait.ge [sflag:s6], $0x40  }
0x38: {  	[sflag:s6] =	ssyncset.done $0x0  }
0x39: {  	[sflag:s6] =	ssyncadd.s32 $0xFFFFFFC0  }
0x3a: {  	[spmem:s2] =	stream.indirect.scatter.add.f32 [tilespmem:s9], [sflag:$0x1], $0x20, s11, s12, $0xb8;
	[tilespmem:$0xC40] =	vst v63  }
0x3b: {  	s23 =	sadd.s32 $0x100, s23;
	_ =	swait.ge [sflag:s6], $0x800  }
0x3c: {  	s24 =	sshll.u32 s23, $0x2;
	[sflag:s6] =	ssyncset.done $0x0  }
0x3d: {  	s19 =	sadd.s32 s19, s24;
	[sflag:s6] =	ssyncadd.s32 $0xFFFFF800  }
0x3e: {  	[tilespmem:s9], [sflag:$0x1] =	stream.linear.gather [hbm4b:s19+s3], $0x800, $0x38;
	[tilespmem:$0xC40] =	vst v63  }
0x3f: {  	_ =	swait.ge [sflag:s6], $0x800  }
0x40: {  	s23 =	sshrl.u32 s23, $0x3;
	[sflag:s6] =	ssyncset.done $0x0  }
0x41: {  	s20 =	sadd.s32 s20, s23;
	[sflag:s6] =	ssyncadd.s32 $0xFFFFF800  }
0x42: {  	[tilespmem:s11], [sflag:$0x1] =	stream.linear.gather [hbm4b:s20+s3], $0x40, $0x38;
	[tilespmem:$0xC40] =	vst v63  }
0x43: {  	s29 =	ssub.s32 $0x2, s22;
	_ =	swait.ge [sflag:s6], $0x40  }
0x44: {  	s30 =	sshrl.u32 s29, $0x1;
	[sflag:s6] =	ssyncset.done $0x0  }
0x45: {  	s23 =	ssub.s32 s29, s30;
	[sflag:s6] =	ssyncadd.s32 $0xFFFFFFC0  }
0x46: {  	[spmem:s2] =	stream.indirect.scatter.add.f32 [tilespmem:s9], [sflag:$0x1], $0x20, s11, s12, $0xb8;
	[tilespmem:$0xC40] =	vst v63  }
0x47: {  	s31 =	smax.u32 s23, $0x1;
	_ =	swait.ge [sflag:s6], $0x800  }
0x48: {  	s22 =	sshll.u32 s22, $0xB;
	p0 =	sne.s32 s31, $0x1;
	[sflag:s6] =	ssyncset.done $0x0  }
.Ltmp0:
0x49: {  	s21 =	sadd.s32 s22, s21;
	[sflag:s6] =	ssyncadd.s32 $0xFFFFF800;
	(pc) =	sbr.rel @!p0 .LBB2_2-.Ltmp0, $4  }
0x4a: {  	s21 =	sadd.s32 $0x10C00, s21;
	[bflag:$0x0] =	sbarrier.arrive $0xFFFF  }
0x4b: {  	[hbm:s21], [sflag:s5] =	dma.local [spmem:s7], $0x80  }
0x4c: {  	_ =	swait.ge [sflag:s6], $0x80  }
0x4d: {  	s22 =	sadd.s32 $0xFFFFFFFF, s31;
	[sflag:s6] =	ssyncset.done $0x0  }
.LBB2_1:
0x4e: {  	p0 =	sne.s32 s22, $0x1;
	s22 =	sadd.s32 $0xFFFFFFFF, s22;
	[sflag:s6] =	ssyncadd.s32 $0xFFFFFF80  }
0x4f: {  	[spmem:s7], [sflag:s5] =	dma.local [hbm:s4], $0x80  }
0x50: {  	_ =	swait.ge [sflag:s6], $0x80  }
0x51: {  	[sflag:s6] =	ssyncset.done $0x0  }
0x52: {  	[sflag:s6] =	ssyncadd.s32 $0xFFFFFF80  }
0x53: {  	[bflag:$0x0] =	sbarrier.arrive $0xFFFF  }
0x54: {  	[tilespmem:s9], [sflag:$0x1] =	stream.linear.gather [hbm4b:s8+s3], $0x800, $0x38;
	[tilespmem:$0xC40] =	vst v63  }
0x55: {  	_ =	swait.ge [sflag:s6], $0x800  }
0x56: {  	[sflag:s6] =	ssyncset.done $0x0  }
0x57: {  	[sflag:s6] =	ssyncadd.s32 $0xFFFFF800  }
0x58: {  	[tilespmem:s11], [sflag:$0x1] =	stream.linear.gather [hbm4b:s10+s3], $0x40, $0x38;
	[tilespmem:$0xC40] =	vst v63  }
0x59: {  	_ =	swait.ge [sflag:s6], $0x40  }
0x5a: {  	[sflag:s6] =	ssyncset.done $0x0  }
0x5b: {  	[sflag:s6] =	ssyncadd.s32 $0xFFFFFFC0  }
0x5c: {  	[spmem:s2] =	stream.indirect.scatter.add.f32 [tilespmem:s9], [sflag:$0x1], $0x20, s11, s12, $0xb8;
	[tilespmem:$0xC40] =	vst v63  }
0x5d: {  	_ =	swait.ge [sflag:s6], $0x800  }
0x5e: {  	[sflag:s6] =	ssyncset.done $0x0  }
0x5f: {  	[sflag:s6] =	ssyncadd.s32 $0xFFFFF800  }
0x60: {  	[tilespmem:s9], [sflag:$0x1] =	stream.linear.gather [hbm4b:s13+s3], $0x800, $0x38;
	[tilespmem:$0xC40] =	vst v63  }
0x61: {  	_ =	swait.ge [sflag:s6], $0x800  }
0x62: {  	[sflag:s6] =	ssyncset.done $0x0  }
0x63: {  	[sflag:s6] =	ssyncadd.s32 $0xFFFFF800  }
0x64: {  	[tilespmem:s11], [sflag:$0x1] =	stream.linear.gather [hbm4b:s14+s3], $0x40, $0x38;
	[tilespmem:$0xC40] =	vst v63  }
0x65: {  	_ =	swait.ge [sflag:s6], $0x40  }
0x66: {  	[sflag:s6] =	ssyncset.done $0x0  }
0x67: {  	[sflag:s6] =	ssyncadd.s32 $0xFFFFFFC0  }
0x68: {  	[spmem:s2] =	stream.indirect.scatter.add.f32 [tilespmem:s9], [sflag:$0x1], $0x20, s11, s12, $0xb8;
	[tilespmem:$0xC40] =	vst v63  }
0x69: {  	_ =	swait.ge [sflag:s6], $0x800  }
0x6a: {  	[sflag:s6] =	ssyncset.done $0x0  }
0x6b: {  	[sflag:s6] =	ssyncadd.s32 $0xFFFFF800  }
0x6c: {  	[tilespmem:s9], [sflag:$0x1] =	stream.linear.gather [hbm4b:s15+s3], $0x800, $0x38;
	[tilespmem:$0xC40] =	vst v63  }
0x6d: {  	_ =	swait.ge [sflag:s6], $0x800  }
0x6e: {  	[sflag:s6] =	ssyncset.done $0x0  }
0x6f: {  	[sflag:s6] =	ssyncadd.s32 $0xFFFFF800  }
0x70: {  	[tilespmem:s11], [sflag:$0x1] =	stream.linear.gather [hbm4b:s16+s3], $0x40, $0x38;
	[tilespmem:$0xC40] =	vst v63  }
0x71: {  	_ =	swait.ge [sflag:s6], $0x40  }
0x72: {  	[sflag:s6] =	ssyncset.done $0x0  }
0x73: {  	[sflag:s6] =	ssyncadd.s32 $0xFFFFFFC0  }
0x74: {  	[spmem:s2] =	stream.indirect.scatter.add.f32 [tilespmem:s9], [sflag:$0x1], $0x20, s11, s12, $0xb8;
	[tilespmem:$0xC40] =	vst v63  }
0x75: {  	_ =	swait.ge [sflag:s6], $0x800  }
0x76: {  	[sflag:s6] =	ssyncset.done $0x0  }
0x77: {  	[sflag:s6] =	ssyncadd.s32 $0xFFFFF800  }
0x78: {  	[tilespmem:s9], [sflag:$0x1] =	stream.linear.gather [hbm4b:s17+s3], $0x800, $0x38;
	[tilespmem:$0xC40] =	vst v63  }
0x79: {  	_ =	swait.ge [sflag:s6], $0x800  }
0x7a: {  	[sflag:s6] =	ssyncset.done $0x0  }
0x7b: {  	[sflag:s6] =	ssyncadd.s32 $0xFFFFF800  }
0x7c: {  	[tilespmem:s11], [sflag:$0x1] =	stream.linear.gather [hbm4b:s18+s3], $0x40, $0x38;
	[tilespmem:$0xC40] =	vst v63  }
0x7d: {  	_ =	swait.ge [sflag:s6], $0x40  }
0x7e: {  	[sflag:s6] =	ssyncset.done $0x0  }
0x7f: {  	[sflag:s6] =	ssyncadd.s32 $0xFFFFFFC0  }
0x80: {  	[spmem:s2] =	stream.indirect.scatter.add.f32 [tilespmem:s9], [sflag:$0x1], $0x20, s11, s12, $0xb8;
	[tilespmem:$0xC40] =	vst v63  }
0x81: {  	_ =	swait.ge [sflag:s6], $0x800  }
0x82: {  	[sflag:s6] =	ssyncset.done $0x0  }
0x83: {  	[sflag:s6] =	ssyncadd.s32 $0xFFFFF800  }
0x84: {  	[tilespmem:s9], [sflag:$0x1] =	stream.linear.gather [hbm4b:s19+s3], $0x800, $0x38;
	[tilespmem:$0xC40] =	vst v63  }
0x85: {  	_ =	swait.ge [sflag:s6], $0x800  }
0x86: {  	[sflag:s6] =	ssyncset.done $0x0  }
0x87: {  	[sflag:s6] =	ssyncadd.s32 $0xFFFFF800  }
0x88: {  	[tilespmem:s11], [sflag:$0x1] =	stream.linear.gather [hbm4b:s20+s3], $0x40, $0x38;
	[tilespmem:$0xC40] =	vst v63  }
0x89: {  	_ =	swait.ge [sflag:s6], $0x40  }
0x8a: {  	[sflag:s6] =	ssyncset.done $0x0  }
0x8b: {  	[sflag:s6] =	ssyncadd.s32 $0xFFFFFFC0  }
0x8c: {  	[spmem:s2] =	stream.indirect.scatter.add.f32 [tilespmem:s9], [sflag:$0x1], $0x20, s11, s12, $0xb8;
	[tilespmem:$0xC40] =	vst v63  }
0x8d: {  	_ =	swait.ge [sflag:s6], $0x800  }
0x8e: {  	[sflag:s6] =	ssyncset.done $0x0  }
.Ltmp1:
0x8f: {  	[sflag:s6] =	ssyncadd.s32 $0xFFFFF800;
	(pc) =	sbr.rel @p0 .LBB2_1-.Ltmp1, $4  }
0x90: {  	[bflag:$0x0] =	sbarrier.arrive $0xFFFF  }
0x91: {  	[hbm:s21], [sflag:s5] =	dma.local [spmem:s7], $0x80  }
0x92: {  	_ =	swait.ge [sflag:s6], $0x80  }
0x93: {  	[sflag:s6] =	ssyncset.done $0x0  }
.LBB2_2:
0x94: {  	[sflag:s6] =	ssyncadd.s32 $0xFFFFFF80  }
0x95: {  	_ =	sfence.sel $0x180000  }
0x96: {  	[bflag:$0x0] =	sbarrier.arrive $0xFFFF  }
0x97: {  	p0 =	sne.s32 s1, $0x0;
	_ =	strace $0x90000056  }
0x98: {  	s0 =	sadd.s32 @!p0 $0x100000, s0;
	[bflag:$0x2] =	sbarrier.arrive $0xFFFF  }
0x99: {  	[sflag:s0] =	ssyncadd.tile.s32 @!p0 $0x1;
	_ =	shalt  }
.Lfunc_end2:
_tile_overlayer_lowered:
.L_overlay_start_2:
0x9a: {  	(tag) =	ssettag $0x2  }
0x9b: {  	s0 =	rddreg [dreg:$0x0];
	s2 =	stileid.u32  }
0x9c: {  	s1 =	rddreg [dreg:$0x1];
	p0 =	sne.s32 s2, $0x0  }
0x9d: {  	s3 =	rddreg [dreg:$0x2];
	[bflag:$0x3] =	sbarrier.arrive $0xFFFF;
	s2 =	simm.s32 @!p0 $0x1C01  }
0x9e: {  	[timem:s3], [sflag:s2] =	dma.local @!p0 [hbm:s0], s1  }
0x9f: {  	s0 =	simm.s32 @!p0 $0x1  }
0xa0: {  	_ =	swait.ge @!p0 [sflag:s0], s1  }
0xa1: {  	s1 =	ssub.s32 @!p0 $0x0, s1;
	[sflag:s0] =	ssyncset.done @!p0 $0x0  }
0xa2: {  	[sflag:s0] =	ssyncadd.s32 @!p0 s1  }
0xa3: {  	[bflag:$0x3] =	sbarrier.arrive $0xFFFF  }
0xa4: {  	_ =	shalt  }

</sc_bundles>
